<compile_context>
chip_gen: v7x
topology: tpu7x:2x2x1
jax: 0.10.2.dev20260603
libtpu: 0.0.44.dev20260713+nightly
codegen_flags: <defaults>
</compile_context>

<pallas_src>
import functools

import jax
import jax.numpy as jnp
from jax import lax
from jax.experimental import pallas as pl
from jax.experimental.pallas import tpu as pltpu
from jax.experimental.pallas import tpu_sc as plsc

E = 320000
T = 1280000
EMB = 128
INT = 64

_NC, _NS = 2, 16
_R = 22912
_NPASS = 14
_EPAD = _R * _NPASS
_SHARE = _R // _NS
_ZROWS = 128
_CHUNK = T // _NS
_BSC = 800
_NBLK = _CHUNK // _BSC
_NPAIR = _NBLK // 2
_VPB = _BSC // 16
_GBUF = 128
_GB = 112
_ACC = _R + 8



def _edge_body(m_ref, rbf_ref, wr1, wr2, wkj, bkj, wdown, out_ref):
    rbf_t = (rbf_ref[...] @ wr1[...]) @ wr2[...]
    xkj = m_ref[...] @ wkj[...] + bkj[...]
    out_ref[...] = (xkj * rbf_t) @ wdown[...]


def _sbf_body(sbf_ref, ws1, ws2, out_ref):
    out_ref[...] = (sbf_ref[...] @ ws1[...]) @ ws2[...]


def _epi_body(m_ref, magg_ref, a_ref, b_ref, c_ref, out_ref):
    out_ref[...] = m_ref[...] @ a_ref[...] + magg_ref[...] @ b_ref[...] + c_ref[...]


def _full(shape):
    nd = len(shape)
    return pl.BlockSpec(shape, lambda i: (0,) * nd)


def _edge_call(m, rbf, wr1, wr2, wkj, bkj, wdown):
    be = 2560
    grid = (E // be,)
    return pl.pallas_call(
        _edge_body,
        grid=grid,
        in_specs=[
            pl.BlockSpec((be, EMB), lambda i: (i, 0)),
            pl.BlockSpec((be, 6), lambda i: (i, 0)),
            _full(wr1.shape), _full(wr2.shape), _full(wkj.shape),
            _full(bkj.shape), _full(wdown.shape),
        ],
        out_specs=pl.BlockSpec((be, INT), lambda i: (i, 0)),
        out_shape=jax.ShapeDtypeStruct((E, INT), jnp.float32),
    )(m, rbf, wr1, wr2, wkj, bkj, wdown)


def _sbf_call(sbf, ws1, ws2):
    bt = 5120
    grid = (T // bt,)
    return pl.pallas_call(
        _sbf_body,
        grid=grid,
        in_specs=[
            pl.BlockSpec((bt, 42), lambda i: (i, 0)),
            _full(ws1.shape), _full(ws2.shape),
        ],
        out_specs=pl.BlockSpec((bt, INT), lambda i: (i, 0)),
        out_shape=jax.ShapeDtypeStruct((T, INT), jnp.float32),
    )(sbf, ws1, ws2)


def _epi_call(m, magg, a, b, c):
    be = 2560
    grid = (E // be,)
    return pl.pallas_call(
        _epi_body,
        grid=grid,
        in_specs=[
            pl.BlockSpec((be, EMB), lambda i: (i, 0)),
            pl.BlockSpec((be, INT), lambda i: (i, 0)),
            _full(a.shape), _full(b.shape), _full(c.shape),
        ],
        out_specs=pl.BlockSpec((be, EMB), lambda i: (i, 0)),
        out_shape=jax.ShapeDtypeStruct((E, EMB), jnp.float32),
    )(m, magg, a, b, c)



def _sc_body(src_h, dst_h, xkj_h, sbft_h, out_h,
             dstblk0, srcblk0, dstblk1, srcblk1,
             slist, tlist, dlist, sslist, stlist, sdlist,
             xrows, srows, zbuf, acc, sem1, sem2,
             semd0, semc0, semd1, semc1):
    cid = lax.axis_index("c")
    sid = lax.axis_index("s")
    zf = jnp.zeros((16,), jnp.float32)
    zi = jnp.zeros((16,), jnp.int32)
    dummy = jnp.full((16,), _R, jnp.int32)
    iota16 = lax.iota(jnp.int32, 16)

    def _zb(i, c):
        for q in range(INT // 16):
            zbuf[i, pl.ds(q * 16, 16)] = zf
        return c
    lax.fori_loop(0, _ZROWS, _zb, 0)

    def _reset_lists():
        for j in range(_GBUF // 16):
            sl = pl.ds(j * 16, 16)
            slist[sl] = zi
            tlist[sl] = zi
            dlist[sl] = dummy
    _reset_lists()

    def _gathers():
        cp1 = pltpu.make_async_copy(xkj_h.at[sslist], xrows, sem1)
        cp2 = pltpu.make_async_copy(sbft_h.at[stlist], srows, sem2)
        return cp1, cp2

    def _flush_pending():
        cp1, cp2 = _gathers()
        cp1.wait()
        cp2.wait()

        def _mul(r, c):
            for q in range(INT // 16):
                sl = pl.ds(q * 16, 16)
                srows[r, sl] = srows[r, sl] * xrows[r, sl]
            return c
        lax.fori_loop(0, _GBUF, _mul, 0)
        pltpu.sync_copy(srows, acc.at[sdlist], add=True)

    def _fill(pend):
        @pl.when(pend == 1)
        def _():
            _flush_pending()
        for j in range(_GBUF // 16):
            sl = pl.ds(j * 16, 16)
            sslist[sl] = slist[sl]
            stlist[sl] = tlist[sl]
            sdlist[sl] = dlist[sl]
        cp1, cp2 = _gathers()
        cp1.start()
        cp2.start()
        _reset_lists()
        return jnp.int32(0), jnp.int32(1)

    chunk0 = sid * _CHUNK

    def _do_pass(p):
        lo = p * _R
        r0 = sid * _SHARE
        off = 0
        while off < _SHARE:
            n = min(_ZROWS, _SHARE - off)
            zsrc = zbuf if n == _ZROWS else zbuf.at[pl.ds(0, n)]
            pltpu.sync_copy(zsrc, acc.at[pl.ds(r0 + off, n)])
            off += n
        plsc.subcore_barrier()

        def _scan_block(dblk, sblk, t0, carry):
            def _v(v, carry):
                cnt, pend = carry
                sl = pl.ds(v * 16, 16)
                d = dblk[sl]
                s = sblk[sl]
                dl = d - lo
                msk = (dl >= 0) & (dl < _R)
                mi = msk.astype(jnp.int32)
                tid = t0 + v * 16 + iota16
                pos = jnp.where(msk, cnt + plsc.cumsum(mi) - 1, _GBUF - 1)
                dl = jnp.where(msk, dl, _R)
                plsc.store_scatter(slist, [pos], s)
                plsc.store_scatter(tlist, [pos], tid)
                plsc.store_scatter(dlist, [pos], dl)
                cnt = cnt + jnp.sum(mi)
                return lax.cond(cnt >= _GB, _fill, lambda p: (cnt, p), pend)
            return lax.fori_loop(0, _VPB, _v, carry)

        def _ld(t0, dblk, sblk, semd, semc):
            cpd = pltpu.make_async_copy(dst_h.at[pl.ds(t0, _BSC)], dblk, semd)
            cpc = pltpu.make_async_copy(src_h.at[pl.ds(t0, _BSC)], sblk, semc)
            return cpd, cpc

        cpd, cpc = _ld(chunk0, dstblk0, srcblk0, semd0, semc0)
        cpd.start()
        cpc.start()

        def _pair(k, carry):
            t0 = chunk0 + (2 * k) * _BSC
            cpd, cpc = _ld(t0, dstblk0, srcblk0, semd0, semc0)
            cpd.wait()
            cpc.wait()
            cpd, cpc = _ld(t0 + _BSC, dstblk1, srcblk1, semd1, semc1)
            cpd.start()
            cpc.start()
            carry = _scan_block(dstblk0, srcblk0, t0, carry)
            cpd, cpc = _ld(t0 + _BSC, dstblk1, srcblk1, semd1, semc1)
            cpd.wait()
            cpc.wait()

            @pl.when(k < _NPAIR - 1)
            def _():
                cpd, cpc = _ld(t0 + 2 * _BSC, dstblk0, srcblk0, semd0, semc0)
                cpd.start()
                cpc.start()
            return _scan_block(dstblk1, srcblk1, t0 + _BSC, carry)

        cnt, pend = lax.fori_loop(0, _NPAIR, _pair,
                                  (jnp.int32(0), jnp.int32(0)))
        _, pend = lax.cond(cnt > 0, _fill, lambda p: (jnp.int32(0), p), pend)

        @pl.when(pend == 1)
        def _():
            _flush_pending()
        plsc.subcore_barrier()
        pltpu.sync_copy(acc.at[pl.ds(r0, _SHARE)], out_h.at[pl.ds(lo + r0, _SHARE)])
        plsc.subcore_barrier()

    def _pk(k, c):
        p = k * _NC + cid

        @pl.when(p < _NPASS)
        def _():
            _do_pass(p)
        return c
    lax.fori_loop(0, _NPASS // _NC, _pk, 0)


def _sc_segsum(src, dst, xkj, sbft):
    mesh = plsc.VectorSubcoreMesh(core_axis_name="c", subcore_axis_name="s")
    fn = functools.partial(
        pl.kernel,
        out_type=jax.ShapeDtypeStruct((_EPAD, INT), jnp.float32),
        mesh=mesh,
        scratch_types=[
            pltpu.VMEM((_BSC,), jnp.int32),
            pltpu.VMEM((_BSC,), jnp.int32),
            pltpu.VMEM((_BSC,), jnp.int32),
            pltpu.VMEM((_BSC,), jnp.int32),
            pltpu.VMEM((_GBUF,), jnp.int32),
            pltpu.VMEM((_GBUF,), jnp.int32),
            pltpu.VMEM((_GBUF,), jnp.int32),
            pltpu.VMEM((_GBUF,), jnp.int32),
            pltpu.VMEM((_GBUF,), jnp.int32),
            pltpu.VMEM((_GBUF,), jnp.int32),
            pltpu.VMEM((_GBUF, INT), jnp.float32),
            pltpu.VMEM((_GBUF, INT), jnp.float32),
            pltpu.VMEM((_ZROWS, INT), jnp.float32),
            pltpu.VMEM_SHARED((_ACC, INT), jnp.float32),
            pltpu.SemaphoreType.DMA,
            pltpu.SemaphoreType.DMA,
            pltpu.SemaphoreType.DMA,
            pltpu.SemaphoreType.DMA,
            pltpu.SemaphoreType.DMA,
            pltpu.SemaphoreType.DMA,
        ],
        compiler_params=pltpu.CompilerParams(
            needs_layout_passes=False,
            use_tc_tiling_on_sc=False,
        ),
    )(_sc_body)
    return fn(src, dst, xkj, sbft)


def kernel(m, rbf, sbf, triplet_index, W_rbf1, W_rbf2, W_sbf1, W_sbf2,
           W_ji, b_ji, W_kj, b_kj, W_down, W_up, Wb1, bb1, Wb2, bb2, Wf, bf,
           Wa1, ba1, Wa2, ba2):
    xkj = _edge_call(m, rbf, W_rbf1, W_rbf2, W_kj, b_kj, W_down)
    sbft = _sbf_call(sbf, W_sbf1, W_sbf2)
    src = triplet_index[0]
    dst = triplet_index[1]
    magg = _sc_segsum(src, dst, xkj, sbft)[:E]
    eye = jnp.eye(EMB, dtype=jnp.float32)
    mm = functools.partial(jnp.matmul, precision=lax.Precision.HIGHEST)
    s_ = mm(eye + mm(Wb1, Wb2), Wf)
    c_s = mm(mm(bb1, Wb2) + bb2, Wf) + bf
    r0 = eye + mm(Wa1[0], Wa2[0])
    r1 = eye + mm(Wa1[1], Wa2[1])
    c0 = mm(ba1[0], Wa2[0]) + ba2[0]
    c1 = mm(ba1[1], Wa2[1]) + ba2[1]
    r01 = mm(r0, r1)
    a = mm(eye + mm(W_ji, s_), r01)
    b = mm(mm(W_up, s_), r01)
    c = mm(mm(b_ji, s_) + c_s, r01) + mm(c0, r1) + c1
    return _epi_call(m, magg, a, b, c)

# --- scband reference (transcript-rebuilt; emitter-appended) ---
"""Pipeline reference for scband-interaction-ppblock-11940009083127 (READ-ONLY COPY).

The authoritative reference and input builder live on the scoring server;
editing this copy changes nothing except your own understanding.
"""

import jax, jax.numpy as jnp
import numpy as np

E = 320000
T = 1280000
EMB = 128
INT = 64
BAS = 8
NR = 6
NS = 7


def _w(k, shape):
    return jax.random.normal(k, shape, dtype=jnp.float32) * (1.0 / np.sqrt(shape[0]))


def setup_inputs(seed: int = 0):
    key = jax.random.key(seed)
    ks = jax.random.split(key, 24)
    inp = {}
    inp["m"] = jax.random.normal(ks[0], (E, EMB), dtype=jnp.float32)
    inp["rbf"] = jax.random.uniform(ks[1], (E, NR), dtype=jnp.float32)
    inp["sbf"] = jax.random.uniform(ks[2], (T, NR * NS), dtype=jnp.float32)
    inp["triplet_index"] = jax.random.randint(ks[3], (2, T), 0, E, dtype=jnp.int32)
    inp["W_rbf1"] = _w(ks[4], (NR, BAS))
    inp["W_rbf2"] = _w(ks[5], (BAS, EMB))
    inp["W_sbf1"] = _w(ks[6], (NR * NS, BAS))
    inp["W_sbf2"] = _w(ks[7], (BAS, INT))
    inp["W_ji"] = _w(ks[8], (EMB, EMB))
    inp["b_ji"] = jnp.zeros((EMB,), jnp.float32)
    inp["W_kj"] = _w(ks[9], (EMB, EMB))
    inp["b_kj"] = jnp.zeros((EMB,), jnp.float32)
    inp["W_down"] = _w(ks[10], (EMB, INT))
    inp["W_up"] = _w(ks[11], (INT, EMB))
    inp["Wb1"] = _w(ks[12], (EMB, EMB))
    inp["bb1"] = jnp.zeros((EMB,), jnp.float32)
    inp["Wb2"] = _w(ks[13], (EMB, EMB))
    inp["bb2"] = jnp.zeros((EMB,), jnp.float32)
    inp["Wf"] = _w(ks[14], (EMB, EMB))
    inp["bf"] = jnp.zeros((EMB,), jnp.float32)
    inp["Wa1"] = jnp.stack([_w(ks[15], (EMB, EMB)), _w(ks[16], (EMB, EMB))])
    inp["ba1"] = jnp.zeros((2, EMB), jnp.float32)
    inp["Wa2"] = jnp.stack([_w(ks[17], (EMB, EMB)), _w(ks[18], (EMB, EMB))])
    inp["ba2"] = jnp.zeros((2, EMB), jnp.float32)
    return inp


def reference(m, rbf, sbf, triplet_index, W_rbf1, W_rbf2, W_sbf1, W_sbf2, W_ji, b_ji, W_kj, b_kj, W_down, W_up, Wb1, bb1, Wb2, bb2, Wf, bf, Wa1, ba1, Wa2, ba2):
    # edge_transfer (activation=None)
    rbf_t = (rbf @ W_rbf1) @ W_rbf2
    x_ji = m @ W_ji + b_ji
    x_kj = m @ W_kj + b_kj
    x_kj = (x_kj * rbf_t) @ W_down
    # msg_func on reversed line graph + sum aggregation
    sbf_t = (sbf @ W_sbf1) @ W_sbf2
    src = triplet_index[0]
    dst = triplet_index[1]
    msg = jnp.take(x_kj, src, axis=0) * sbf_t
    m_agg = jax.ops.segment_sum(msg, dst, num_segments=m.shape[0])
    # up projection + skip with x_ji
    m_update = m_agg @ W_up
    m_update = m_update + x_ji
    # residual layers before skip (1 layer, no activation)
    h = m_update @ Wb1 + bb1
    h = h @ Wb2 + bb2
    m_update = m_update + h
    # final before skip
    m_update = m_update @ Wf + bf
    # skip connection
    m_out = m + m_update
    # residual layers after skip (2 layers)
    for i in range(Wa1.shape[0]):
        h = m_out @ Wa1[i] + ba1[i]
        h = h @ Wa2[i] + ba2[i]
        m_out = m_out + h
    return m_out

if __name__ == "__main__":
    import jax
    _d = setup_inputs()
    print(jax.jit(kernel)(*tuple(_d.values())))

</pallas_src>

<mosaic_0001>
#map = affine_map<(d0, d1) -> (0)>
#map1 = affine_map<(d0, d1) -> (0, 0)>
module attributes {stable_mosaic.version = 14 : i64} {
  func.func @_sc_body(%arg0: i32, %arg1: i32, %arg2: memref<1280000xi32, #tpu.memory_space<hbm>>, %arg3: memref<1280000xi32, #tpu.memory_space<hbm>>, %arg4: memref<320000x64xf32, #tpu.memory_space<hbm>>, %arg5: memref<1280000x64xf32, #tpu.memory_space<hbm>>, %arg6: memref<320768x64xf32, #tpu.memory_space<hbm>>, %arg7: memref<800xi32, #tpu.memory_space<vmem>>, %arg8: memref<800xi32, #tpu.memory_space<vmem>>, %arg9: memref<800xi32, #tpu.memory_space<vmem>>, %arg10: memref<800xi32, #tpu.memory_space<vmem>>, %arg11: memref<128xi32, #tpu.memory_space<vmem>>, %arg12: memref<128xi32, #tpu.memory_space<vmem>>, %arg13: memref<128xi32, #tpu.memory_space<vmem>>, %arg14: memref<128xi32, #tpu.memory_space<vmem>>, %arg15: memref<128xi32, #tpu.memory_space<vmem>>, %arg16: memref<128xi32, #tpu.memory_space<vmem>>, %arg17: memref<128x64xf32, #tpu.memory_space<vmem>>, %arg18: memref<128x64xf32, #tpu.memory_space<vmem>>, %arg19: memref<128x64xf32, #tpu.memory_space<vmem>>, %arg20: memref<22920x64xf32, #tpu.memory_space<vmem_shared>>, %arg21: memref<!tpu.dma_semaphore, #tpu.memory_space<semaphore_mem>>, %arg22: memref<!tpu.dma_semaphore, #tpu.memory_space<semaphore_mem>>, %arg23: memref<!tpu.dma_semaphore, #tpu.memory_space<semaphore_mem>>, %arg24: memref<!tpu.dma_semaphore, #tpu.memory_space<semaphore_mem>>, %arg25: memref<!tpu.dma_semaphore, #tpu.memory_space<semaphore_mem>>, %arg26: memref<!tpu.dma_semaphore, #tpu.memory_space<semaphore_mem>>) attributes {dimension_semantics = [#tpu.dimension_semantics<core_parallel>, #tpu.dimension_semantics<subcore_parallel>], iteration_bounds = array<i64: 2, 16>, scalar_prefetch = 0 : i64, scratch_operands = 20 : i64, tpu.core_type = #tpu.core_type<sc_vector_subcore>, window_params = [{transform_indices = #map}, {transform_indices = #map}, {transform_indices = #map1}, {transform_indices = #map1}, {transform_indices = #map1}]} {
    %broadcast_in_dim3A = arith.constant 0.000000e+00 : f32
    %broadcast_in_dim3A_0 = vector.broadcast %broadcast_in_dim3A : f32 to vector<16xf32>
    %broadcast_in_dim3A_1 = arith.constant 0 : i32
    %broadcast_in_dim3A_2 = vector.broadcast %broadcast_in_dim3A_1 : i32 to vector<16xi32>
    %broadcast_in_dim3A_3 = arith.constant 22912 : i32
    %broadcast_in_dim3A_4 = vector.broadcast %broadcast_in_dim3A_3 : i32 to vector<16xi32>
    %iota3A = tpu.iota {dimensions = array<i32: 0>} : vector<16xi32>
    %scan3A = arith.constant 0 : i32
    %scan3A_5 = arith.constant 0 : i32
    %scan3A_6 = arith.constant 128 : i32
    %scan3A_7 = arith.addi %scan3A_5, %scan3A_6 : i32
    %scan3A_8 = arith.constant 1 : i32
    scf.for %scan3A_64 = %scan3A_5 to %scan3A_7 step %scan3A_8  : i32 {
      %swap3A_65 = arith.index_cast %scan3A_64 : i32 to index
      %swap3A_66 = arith.constant 0 : index
      %swap3A_67 = tpu.vector_load %arg19[%swap3A_65, %swap3A_66] {strides = array<i32>} : memref<128x64xf32, #tpu.memory_space<vmem>>, vector<16xf32>,
      tpu.vector_store %arg19[%swap3A_65, %swap3A_66], %broadcast_in_dim3A_0 {strides = array<i32>} : memref<128x64xf32, #tpu.memory_space<vmem>>, vector<16xf32>,
      %swap3A_68 = arith.index_cast %scan3A_64 : i32 to index
      %swap3A_69 = arith.constant 16 : index
      %swap3A_70 = tpu.vector_load %arg19[%swap3A_68, %swap3A_69] {strides = array<i32>} : memref<128x64xf32, #tpu.memory_space<vmem>>, vector<16xf32>,
      tpu.vector_store %arg19[%swap3A_68, %swap3A_69], %broadcast_in_dim3A_0 {strides = array<i32>} : memref<128x64xf32, #tpu.memory_space<vmem>>, vector<16xf32>,
      %swap3A_71 = arith.index_cast %scan3A_64 : i32 to index
      %swap3A_72 = arith.constant 32 : index
      %swap3A_73 = tpu.vector_load %arg19[%swap3A_71, %swap3A_72] {strides = array<i32>} : memref<128x64xf32, #tpu.memory_space<vmem>>, vector<16xf32>,
      tpu.vector_store %arg19[%swap3A_71, %swap3A_72], %broadcast_in_dim3A_0 {strides = array<i32>} : memref<128x64xf32, #tpu.memory_space<vmem>>, vector<16xf32>,
      %swap3A_74 = arith.index_cast %scan3A_64 : i32 to index
      %swap3A_75 = arith.constant 48 : index
      %swap3A_76 = tpu.vector_load %arg19[%swap3A_74, %swap3A_75] {strides = array<i32>} : memref<128x64xf32, #tpu.memory_space<vmem>>, vector<16xf32>,
      tpu.vector_store %arg19[%swap3A_74, %swap3A_75], %broadcast_in_dim3A_0 {strides = array<i32>} : memref<128x64xf32, #tpu.memory_space<vmem>>, vector<16xf32>,
    }
    %scan3A_9 = arith.constant 128 : i32
    %swap3A = arith.constant 0 : index
    %swap3A_10 = tpu.vector_load %arg11[%swap3A] {strides = array<i32>} : memref<128xi32, #tpu.memory_space<vmem>>, vector<16xi32>,
    tpu.vector_store %arg11[%swap3A], %broadcast_in_dim3A_2 {strides = array<i32>} : memref<128xi32, #tpu.memory_space<vmem>>, vector<16xi32>,
    %swap3A_11 = arith.constant 0 : index
    %swap3A_12 = tpu.vector_load %arg12[%swap3A_11] {strides = array<i32>} : memref<128xi32, #tpu.memory_space<vmem>>, vector<16xi32>,
    tpu.vector_store %arg12[%swap3A_11], %broadcast_in_dim3A_2 {strides = array<i32>} : memref<128xi32, #tpu.memory_space<vmem>>, vector<16xi32>,
    %swap3A_13 = arith.constant 0 : index
    %swap3A_14 = tpu.vector_load %arg13[%swap3A_13] {strides = array<i32>} : memref<128xi32, #tpu.memory_space<vmem>>, vector<16xi32>,
    tpu.vector_store %arg13[%swap3A_13], %broadcast_in_dim3A_4 {strides = array<i32>} : memref<128xi32, #tpu.memory_space<vmem>>, vector<16xi32>,
    %swap3A_15 = arith.constant 16 : index
    %swap3A_16 = tpu.vector_load %arg11[%swap3A_15] {strides = array<i32>} : memref<128xi32, #tpu.memory_space<vmem>>, vector<16xi32>,
    tpu.vector_store %arg11[%swap3A_15], %broadcast_in_dim3A_2 {strides = array<i32>} : memref<128xi32, #tpu.memory_space<vmem>>, vector<16xi32>,
    %swap3A_17 = arith.constant 16 : index
    %swap3A_18 = tpu.vector_load %arg12[%swap3A_17] {strides = array<i32>} : memref<128xi32, #tpu.memory_space<vmem>>, vector<16xi32>,
    tpu.vector_store %arg12[%swap3A_17], %broadcast_in_dim3A_2 {strides = array<i32>} : memref<128xi32, #tpu.memory_space<vmem>>, vector<16xi32>,
    %swap3A_19 = arith.constant 16 : index
    %swap3A_20 = tpu.vector_load %arg13[%swap3A_19] {strides = array<i32>} : memref<128xi32, #tpu.memory_space<vmem>>, vector<16xi32>,
    tpu.vector_store %arg13[%swap3A_19], %broadcast_in_dim3A_4 {strides = array<i32>} : memref<128xi32, #tpu.memory_space<vmem>>, vector<16xi32>,
    %swap3A_21 = arith.constant 32 : index
    %swap3A_22 = tpu.vector_load %arg11[%swap3A_21] {strides = array<i32>} : memref<128xi32, #tpu.memory_space<vmem>>, vector<16xi32>,
    tpu.vector_store %arg11[%swap3A_21], %broadcast_in_dim3A_2 {strides = array<i32>} : memref<128xi32, #tpu.memory_space<vmem>>, vector<16xi32>,
    %swap3A_23 = arith.constant 32 : index
    %swap3A_24 = tpu.vector_load %arg12[%swap3A_23] {strides = array<i32>} : memref<128xi32, #tpu.memory_space<vmem>>, vector<16xi32>,
    tpu.vector_store %arg12[%swap3A_23], %broadcast_in_dim3A_2 {strides = array<i32>} : memref<128xi32, #tpu.memory_space<vmem>>, vector<16xi32>,
    %swap3A_25 = arith.constant 32 : index
    %swap3A_26 = tpu.vector_load %arg13[%swap3A_25] {strides = array<i32>} : memref<128xi32, #tpu.memory_space<vmem>>, vector<16xi32>,
    tpu.vector_store %arg13[%swap3A_25], %broadcast_in_dim3A_4 {strides = array<i32>} : memref<128xi32, #tpu.memory_space<vmem>>, vector<16xi32>,
    %swap3A_27 = arith.constant 48 : index
    %swap3A_28 = tpu.vector_load %arg11[%swap3A_27] {strides = array<i32>} : memref<128xi32, #tpu.memory_space<vmem>>, vector<16xi32>,
    tpu.vector_store %arg11[%swap3A_27], %broadcast_in_dim3A_2 {strides = array<i32>} : memref<128xi32, #tpu.memory_space<vmem>>, vector<16xi32>,
    %swap3A_29 = arith.constant 48 : index
    %swap3A_30 = tpu.vector_load %arg12[%swap3A_29] {strides = array<i32>} : memref<128xi32, #tpu.memory_space<vmem>>, vector<16xi32>,
    tpu.vector_store %arg12[%swap3A_29], %broadcast_in_dim3A_2 {strides = array<i32>} : memref<128xi32, #tpu.memory_space<vmem>>, vector<16xi32>,
    %swap3A_31 = arith.constant 48 : index
    %swap3A_32 = tpu.vector_load %arg13[%swap3A_31] {strides = array<i32>} : memref<128xi32, #tpu.memory_space<vmem>>, vector<16xi32>,
    tpu.vector_store %arg13[%swap3A_31], %broadcast_in_dim3A_4 {strides = array<i32>} : memref<128xi32, #tpu.memory_space<vmem>>, vector<16xi32>,
    %swap3A_33 = arith.constant 64 : index
    %swap3A_34 = tpu.vector_load %arg11[%swap3A_33] {strides = array<i32>} : memref<128xi32, #tpu.memory_space<vmem>>, vector<16xi32>,
    tpu.vector_store %arg11[%swap3A_33], %broadcast_in_dim3A_2 {strides = array<i32>} : memref<128xi32, #tpu.memory_space<vmem>>, vector<16xi32>,
    %swap3A_35 = arith.constant 64 : index
    %swap3A_36 = tpu.vector_load %arg12[%swap3A_35] {strides = array<i32>} : memref<128xi32, #tpu.memory_space<vmem>>, vector<16xi32>,
    tpu.vector_store %arg12[%swap3A_35], %broadcast_in_dim3A_2 {strides = array<i32>} : memref<128xi32, #tpu.memory_space<vmem>>, vector<16xi32>,
    %swap3A_37 = arith.constant 64 : index
    %swap3A_38 = tpu.vector_load %arg13[%swap3A_37] {strides = array<i32>} : memref<128xi32, #tpu.memory_space<vmem>>, vector<16xi32>,
    tpu.vector_store %arg13[%swap3A_37], %broadcast_in_dim3A_4 {strides = array<i32>} : memref<128xi32, #tpu.memory_space<vmem>>, vector<16xi32>,
    %swap3A_39 = arith.constant 80 : index
    %swap3A_40 = tpu.vector_load %arg11[%swap3A_39] {strides = array<i32>} : memref<128xi32, #tpu.memory_space<vmem>>, vector<16xi32>,
    tpu.vector_store %arg11[%swap3A_39], %broadcast_in_dim3A_2 {strides = array<i32>} : memref<128xi32, #tpu.memory_space<vmem>>, vector<16xi32>,
    %swap3A_41 = arith.constant 80 : index
    %swap3A_42 = tpu.vector_load %arg12[%swap3A_41] {strides = array<i32>} : memref<128xi32, #tpu.memory_space<vmem>>, vector<16xi32>,
    tpu.vector_store %arg12[%swap3A_41], %broadcast_in_dim3A_2 {strides = array<i32>} : memref<128xi32, #tpu.memory_space<vmem>>, vector<16xi32>,
    %swap3A_43 = arith.constant 80 : index
    %swap3A_44 = tpu.vector_load %arg13[%swap3A_43] {strides = array<i32>} : memref<128xi32, #tpu.memory_space<vmem>>, vector<16xi32>,
    tpu.vector_store %arg13[%swap3A_43], %broadcast_in_dim3A_4 {strides = array<i32>} : memref<128xi32, #tpu.memory_space<vmem>>, vector<16xi32>,
    %swap3A_45 = arith.constant 96 : index
    %swap3A_46 = tpu.vector_load %arg11[%swap3A_45] {strides = array<i32>} : memref<128xi32, #tpu.memory_space<vmem>>, vector<16xi32>,
    tpu.vector_store %arg11[%swap3A_45], %broadcast_in_dim3A_2 {strides = array<i32>} : memref<128xi32, #tpu.memory_space<vmem>>, vector<16xi32>,
    %swap3A_47 = arith.constant 96 : index
    %swap3A_48 = tpu.vector_load %arg12[%swap3A_47] {strides = array<i32>} : memref<128xi32, #tpu.memory_space<vmem>>, vector<16xi32>,
    tpu.vector_store %arg12[%swap3A_47], %broadcast_in_dim3A_2 {strides = array<i32>} : memref<128xi32, #tpu.memory_space<vmem>>, vector<16xi32>,
    %swap3A_49 = arith.constant 96 : index
    %swap3A_50 = tpu.vector_load %arg13[%swap3A_49] {strides = array<i32>} : memref<128xi32, #tpu.memory_space<vmem>>, vector<16xi32>,
    tpu.vector_store %arg13[%swap3A_49], %broadcast_in_dim3A_4 {strides = array<i32>} : memref<128xi32, #tpu.memory_space<vmem>>, vector<16xi32>,
    %swap3A_51 = arith.constant 112 : index
    %swap3A_52 = tpu.vector_load %arg11[%swap3A_51] {strides = array<i32>} : memref<128xi32, #tpu.memory_space<vmem>>, vector<16xi32>,
    tpu.vector_store %arg11[%swap3A_51], %broadcast_in_dim3A_2 {strides = array<i32>} : memref<128xi32, #tpu.memory_space<vmem>>, vector<16xi32>,
    %swap3A_53 = arith.constant 112 : index
    %swap3A_54 = tpu.vector_load %arg12[%swap3A_53] {strides = array<i32>} : memref<128xi32, #tpu.memory_space<vmem>>, vector<16xi32>,
    tpu.vector_store %arg12[%swap3A_53], %broadcast_in_dim3A_2 {strides = array<i32>} : memref<128xi32, #tpu.memory_space<vmem>>, vector<16xi32>,
    %swap3A_55 = arith.constant 112 : index
    %swap3A_56 = tpu.vector_load %arg13[%swap3A_55] {strides = array<i32>} : memref<128xi32, #tpu.memory_space<vmem>>, vector<16xi32>,
    tpu.vector_store %arg13[%swap3A_55], %broadcast_in_dim3A_4 {strides = array<i32>} : memref<128xi32, #tpu.memory_space<vmem>>, vector<16xi32>,
    %mul3A = arith.constant 80000 : i32
    %mul3A_57 = arith.muli %arg1, %mul3A : i32
    %scan3A_58 = arith.constant 0 : i32
    %scan3A_59 = arith.constant 0 : i32
    %scan3A_60 = arith.constant 7 : i32
    %scan3A_61 = arith.addi %scan3A_59, %scan3A_60 : i32
    %scan3A_62 = arith.constant 1 : i32
    scf.for %scan3A_64 = %scan3A_59 to %scan3A_61 step %scan3A_62  : i32 {
      %mul3A_65 = arith.constant 2 : i32
      %mul3A_66 = arith.muli %scan3A_64, %mul3A_65 : i32
      %add3A = arith.addi %mul3A_66, %arg0 : i32
      %lt3A = arith.constant 14 : i32
      %lt3A_67 = arith.cmpi slt, %add3A, %lt3A : i32
      %convert_element_type3A = arith.extui %lt3A_67 : i1 to i32
      %cond3A = arith.constant 0 : i32
      %cond3A_68 = arith.cmpi ne, %convert_element_type3A, %cond3A : i32
      scf.if %cond3A_68 {
        %mul3A_69 = arith.constant 22912 : i32
        %mul3A_70 = arith.muli %add3A, %mul3A_69 : i32
        %mul3A_71 = arith.constant 1432 : i32
        %mul3A_72 = arith.muli %arg1, %mul3A_71 : i32
        %add3A_73 = arith.constant 0 : i32
        %add3A_74 = arith.addi %mul3A_72, %add3A_73 : i32
        "tpu.region"() ({
          %run_scoped3A = tpu.sem_alloc : memref<!tpu.dma_semaphore, #tpu.memory_space<semaphore_mem>>
          %dma_start3A_120 = arith.constant 0 : i32
          %dma_start3A_121 = tpu.memref_slice %arg20[%add3A_74, %dma_start3A_120] : memref<22920x64xf32, #tpu.memory_space<vmem_shared>> -> memref<128x64xf32, #tpu.memory_space<vmem_shared>>
          %dma_start3A_122 = arith.constant 0 : i32
          %dma_start3A_123 = tpu.memref_slice %arg20[%add3A_74, %dma_start3A_122] : memref<22920x64xf32, #tpu.memory_space<vmem_shared>> -> memref<128x64xf32, #tpu.memory_space<vmem_shared>>
          tpu.enqueue_dma source(%arg19 : memref<128x64xf32, #tpu.memory_space<vmem>>) target(%dma_start3A_123 : memref<128x64xf32, #tpu.memory_space<vmem_shared>>) target_semaphore(%run_scoped3A : memref<!tpu.dma_semaphore, #tpu.memory_space<semaphore_mem>>)
          %dma_wait3A = arith.constant 0 : i32
          %dma_wait3A_124 = tpu.memref_slice %arg20[%add3A_74, %dma_wait3A] : memref<22920x64xf32, #tpu.memory_space<vmem_shared>> -> memref<128x64xf32, #tpu.memory_space<vmem_shared>>
          %dma_wait3A_125 = arith.constant 0 : i32
          %dma_wait3A_126 = tpu.memref_slice %arg20[%add3A_74, %dma_wait3A_125] : memref<22920x64xf32, #tpu.memory_space<vmem_shared>> -> memref<128x64xf32, #tpu.memory_space<vmem_shared>>
          tpu.wait_dma2 semaphore(%run_scoped3A : memref<!tpu.dma_semaphore, #tpu.memory_space<semaphore_mem>>) src(%arg19 : memref<128x64xf32, #tpu.memory_space<vmem>>) dst(%dma_wait3A_126 : memref<128x64xf32, #tpu.memory_space<vmem_shared>>)
          tpu.yield
        }) : () -> ()
        %add3A_75 = arith.constant 128 : i32
        %add3A_76 = arith.addi %mul3A_72, %add3A_75 : i32
        "tpu.region"() ({
          %run_scoped3A = tpu.sem_alloc : memref<!tpu.dma_semaphore, #tpu.memory_space<semaphore_mem>>
          %dma_start3A_120 = arith.constant 0 : i32
          %dma_start3A_121 = tpu.memref_slice %arg20[%add3A_76, %dma_start3A_120] : memref<22920x64xf32, #tpu.memory_space<vmem_shared>> -> memref<128x64xf32, #tpu.memory_space<vmem_shared>>
          %dma_start3A_122 = arith.constant 0 : i32
          %dma_start3A_123 = tpu.memref_slice %arg20[%add3A_76, %dma_start3A_122] : memref<22920x64xf32, #tpu.memory_space<vmem_shared>> -> memref<128x64xf32, #tpu.memory_space<vmem_shared>>
          tpu.enqueue_dma source(%arg19 : memref<128x64xf32, #tpu.memory_space<vmem>>) target(%dma_start3A_123 : memref<128x64xf32, #tpu.memory_space<vmem_shared>>) target_semaphore(%run_scoped3A : memref<!tpu.dma_semaphore, #tpu.memory_space<semaphore_mem>>)
          %dma_wait3A = arith.constant 0 : i32
          %dma_wait3A_124 = tpu.memref_slice %arg20[%add3A_76, %dma_wait3A] : memref<22920x64xf32, #tpu.memory_space<vmem_shared>> -> memref<128x64xf32, #tpu.memory_space<vmem_shared>>
          %dma_wait3A_125 = arith.constant 0 : i32
          %dma_wait3A_126 = tpu.memref_slice %arg20[%add3A_76, %dma_wait3A_125] : memref<22920x64xf32, #tpu.memory_space<vmem_shared>> -> memref<128x64xf32, #tpu.memory_space<vmem_shared>>
          tpu.wait_dma2 semaphore(%run_scoped3A : memref<!tpu.dma_semaphore, #tpu.memory_space<semaphore_mem>>) src(%arg19 : memref<128x64xf32, #tpu.memory_space<vmem>>) dst(%dma_wait3A_126 : memref<128x64xf32, #tpu.memory_space<vmem_shared>>)
          tpu.yield
        }) : () -> ()
        %add3A_77 = arith.constant 256 : i32
        %add3A_78 = arith.addi %mul3A_72, %add3A_77 : i32
        "tpu.region"() ({
          %run_scoped3A = tpu.sem_alloc : memref<!tpu.dma_semaphore, #tpu.memory_space<semaphore_mem>>
          %dma_start3A_120 = arith.constant 0 : i32
          %dma_start3A_121 = tpu.memref_slice %arg20[%add3A_78, %dma_start3A_120] : memref<22920x64xf32, #tpu.memory_space<vmem_shared>> -> memref<128x64xf32, #tpu.memory_space<vmem_shared>>
          %dma_start3A_122 = arith.constant 0 : i32
          %dma_start3A_123 = tpu.memref_slice %arg20[%add3A_78, %dma_start3A_122] : memref<22920x64xf32, #tpu.memory_space<vmem_shared>> -> memref<128x64xf32, #tpu.memory_space<vmem_shared>>
          tpu.enqueue_dma source(%arg19 : memref<128x64xf32, #tpu.memory_space<vmem>>) target(%dma_start3A_123 : memref<128x64xf32, #tpu.memory_space<vmem_shared>>) target_semaphore(%run_scoped3A : memref<!tpu.dma_semaphore, #tpu.memory_space<semaphore_mem>>)
          %dma_wait3A = arith.constant 0 : i32
          %dma_wait3A_124 = tpu.memref_slice %arg20[%add3A_78, %dma_wait3A] : memref<22920x64xf32, #tpu.memory_space<vmem_shared>> -> memref<128x64xf32, #tpu.memory_space<vmem_shared>>
          %dma_wait3A_125 = arith.constant 0 : i32
          %dma_wait3A_126 = tpu.memref_slice %arg20[%add3A_78, %dma_wait3A_125] : memref<22920x64xf32, #tpu.memory_space<vmem_shared>> -> memref<128x64xf32, #tpu.memory_space<vmem_shared>>
          tpu.wait_dma2 semaphore(%run_scoped3A : memref<!tpu.dma_semaphore, #tpu.memory_space<semaphore_mem>>) src(%arg19 : memref<128x64xf32, #tpu.memory_space<vmem>>) dst(%dma_wait3A_126 : memref<128x64xf32, #tpu.memory_space<vmem_shared>>)
          tpu.yield
        }) : () -> ()
        %add3A_79 = arith.constant 384 : i32
        %add3A_80 = arith.addi %mul3A_72, %add3A_79 : i32
        "tpu.region"() ({
          %run_scoped3A = tpu.sem_alloc : memref<!tpu.dma_semaphore, #tpu.memory_space<semaphore_mem>>
          %dma_start3A_120 = arith.constant 0 : i32
          %dma_start3A_121 = tpu.memref_slice %arg20[%add3A_80, %dma_start3A_120] : memref<22920x64xf32, #tpu.memory_space<vmem_shared>> -> memref<128x64xf32, #tpu.memory_space<vmem_shared>>
          %dma_start3A_122 = arith.constant 0 : i32
          %dma_start3A_123 = tpu.memref_slice %arg20[%add3A_80, %dma_start3A_122] : memref<22920x64xf32, #tpu.memory_space<vmem_shared>> -> memref<128x64xf32, #tpu.memory_space<vmem_shared>>
          tpu.enqueue_dma source(%arg19 : memref<128x64xf32, #tpu.memory_space<vmem>>) target(%dma_start3A_123 : memref<128x64xf32, #tpu.memory_space<vmem_shared>>) target_semaphore(%run_scoped3A : memref<!tpu.dma_semaphore, #tpu.memory_space<semaphore_mem>>)
          %dma_wait3A = arith.constant 0 : i32
          %dma_wait3A_124 = tpu.memref_slice %arg20[%add3A_80, %dma_wait3A] : memref<22920x64xf32, #tpu.memory_space<vmem_shared>> -> memref<128x64xf32, #tpu.memory_space<vmem_shared>>
          %dma_wait3A_125 = arith.constant 0 : i32
          %dma_wait3A_126 = tpu.memref_slice %arg20[%add3A_80, %dma_wait3A_125] : memref<22920x64xf32, #tpu.memory_space<vmem_shared>> -> memref<128x64xf32, #tpu.memory_space<vmem_shared>>
          tpu.wait_dma2 semaphore(%run_scoped3A : memref<!tpu.dma_semaphore, #tpu.memory_space<semaphore_mem>>) src(%arg19 : memref<128x64xf32, #tpu.memory_space<vmem>>) dst(%dma_wait3A_126 : memref<128x64xf32, #tpu.memory_space<vmem_shared>>)
          tpu.yield
        }) : () -> ()
        %add3A_81 = arith.constant 512 : i32
        %add3A_82 = arith.addi %mul3A_72, %add3A_81 : i32
        "tpu.region"() ({
          %run_scoped3A = tpu.sem_alloc : memref<!tpu.dma_semaphore, #tpu.memory_space<semaphore_mem>>
          %dma_start3A_120 = arith.constant 0 : i32
          %dma_start3A_121 = tpu.memref_slice %arg20[%add3A_82, %dma_start3A_120] : memref<22920x64xf32, #tpu.memory_space<vmem_shared>> -> memref<128x64xf32, #tpu.memory_space<vmem_shared>>
          %dma_start3A_122 = arith.constant 0 : i32
          %dma_start3A_123 = tpu.memref_slice %arg20[%add3A_82, %dma_start3A_122] : memref<22920x64xf32, #tpu.memory_space<vmem_shared>> -> memref<128x64xf32, #tpu.memory_space<vmem_shared>>
          tpu.enqueue_dma source(%arg19 : memref<128x64xf32, #tpu.memory_space<vmem>>) target(%dma_start3A_123 : memref<128x64xf32, #tpu.memory_space<vmem_shared>>) target_semaphore(%run_scoped3A : memref<!tpu.dma_semaphore, #tpu.memory_space<semaphore_mem>>)
          %dma_wait3A = arith.constant 0 : i32
          %dma_wait3A_124 = tpu.memref_slice %arg20[%add3A_82, %dma_wait3A] : memref<22920x64xf32, #tpu.memory_space<vmem_shared>> -> memref<128x64xf32, #tpu.memory_space<vmem_shared>>
          %dma_wait3A_125 = arith.constant 0 : i32
          %dma_wait3A_126 = tpu.memref_slice %arg20[%add3A_82, %dma_wait3A_125] : memref<22920x64xf32, #tpu.memory_space<vmem_shared>> -> memref<128x64xf32, #tpu.memory_space<vmem_shared>>
          tpu.wait_dma2 semaphore(%run_scoped3A : memref<!tpu.dma_semaphore, #tpu.memory_space<semaphore_mem>>) src(%arg19 : memref<128x64xf32, #tpu.memory_space<vmem>>) dst(%dma_wait3A_126 : memref<128x64xf32, #tpu.memory_space<vmem_shared>>)
          tpu.yield
        }) : () -> ()
        %add3A_83 = arith.constant 640 : i32
        %add3A_84 = arith.addi %mul3A_72, %add3A_83 : i32
        "tpu.region"() ({
          %run_scoped3A = tpu.sem_alloc : memref<!tpu.dma_semaphore, #tpu.memory_space<semaphore_mem>>
          %dma_start3A_120 = arith.constant 0 : i32
          %dma_start3A_121 = tpu.memref_slice %arg20[%add3A_84, %dma_start3A_120] : memref<22920x64xf32, #tpu.memory_space<vmem_shared>> -> memref<128x64xf32, #tpu.memory_space<vmem_shared>>
          %dma_start3A_122 = arith.constant 0 : i32
          %dma_start3A_123 = tpu.memref_slice %arg20[%add3A_84, %dma_start3A_122] : memref<22920x64xf32, #tpu.memory_space<vmem_shared>> -> memref<128x64xf32, #tpu.memory_space<vmem_shared>>
          tpu.enqueue_dma source(%arg19 : memref<128x64xf32, #tpu.memory_space<vmem>>) target(%dma_start3A_123 : memref<128x64xf32, #tpu.memory_space<vmem_shared>>) target_semaphore(%run_scoped3A : memref<!tpu.dma_semaphore, #tpu.memory_space<semaphore_mem>>)
          %dma_wait3A = arith.constant 0 : i32
          %dma_wait3A_124 = tpu.memref_slice %arg20[%add3A_84, %dma_wait3A] : memref<22920x64xf32, #tpu.memory_space<vmem_shared>> -> memref<128x64xf32, #tpu.memory_space<vmem_shared>>
          %dma_wait3A_125 = arith.constant 0 : i32
          %dma_wait3A_126 = tpu.memref_slice %arg20[%add3A_84, %dma_wait3A_125] : memref<22920x64xf32, #tpu.memory_space<vmem_shared>> -> memref<128x64xf32, #tpu.memory_space<vmem_shared>>
          tpu.wait_dma2 semaphore(%run_scoped3A : memref<!tpu.dma_semaphore, #tpu.memory_space<semaphore_mem>>) src(%arg19 : memref<128x64xf32, #tpu.memory_space<vmem>>) dst(%dma_wait3A_126 : memref<128x64xf32, #tpu.memory_space<vmem_shared>>)
          tpu.yield
        }) : () -> ()
        %add3A_85 = arith.constant 768 : i32
        %add3A_86 = arith.addi %mul3A_72, %add3A_85 : i32
        "tpu.region"() ({
          %run_scoped3A = tpu.sem_alloc : memref<!tpu.dma_semaphore, #tpu.memory_space<semaphore_mem>>
          %dma_start3A_120 = arith.constant 0 : i32
          %dma_start3A_121 = tpu.memref_slice %arg20[%add3A_86, %dma_start3A_120] : memref<22920x64xf32, #tpu.memory_space<vmem_shared>> -> memref<128x64xf32, #tpu.memory_space<vmem_shared>>
          %dma_start3A_122 = arith.constant 0 : i32
          %dma_start3A_123 = tpu.memref_slice %arg20[%add3A_86, %dma_start3A_122] : memref<22920x64xf32, #tpu.memory_space<vmem_shared>> -> memref<128x64xf32, #tpu.memory_space<vmem_shared>>
          tpu.enqueue_dma source(%arg19 : memref<128x64xf32, #tpu.memory_space<vmem>>) target(%dma_start3A_123 : memref<128x64xf32, #tpu.memory_space<vmem_shared>>) target_semaphore(%run_scoped3A : memref<!tpu.dma_semaphore, #tpu.memory_space<semaphore_mem>>)
          %dma_wait3A = arith.constant 0 : i32
          %dma_wait3A_124 = tpu.memref_slice %arg20[%add3A_86, %dma_wait3A] : memref<22920x64xf32, #tpu.memory_space<vmem_shared>> -> memref<128x64xf32, #tpu.memory_space<vmem_shared>>
          %dma_wait3A_125 = arith.constant 0 : i32
          %dma_wait3A_126 = tpu.memref_slice %arg20[%add3A_86, %dma_wait3A_125] : memref<22920x64xf32, #tpu.memory_space<vmem_shared>> -> memref<128x64xf32, #tpu.memory_space<vmem_shared>>
          tpu.wait_dma2 semaphore(%run_scoped3A : memref<!tpu.dma_semaphore, #tpu.memory_space<semaphore_mem>>) src(%arg19 : memref<128x64xf32, #tpu.memory_space<vmem>>) dst(%dma_wait3A_126 : memref<128x64xf32, #tpu.memory_space<vmem_shared>>)
          tpu.yield
        }) : () -> ()
        %add3A_87 = arith.constant 896 : i32
        %add3A_88 = arith.addi %mul3A_72, %add3A_87 : i32
        "tpu.region"() ({
          %run_scoped3A = tpu.sem_alloc : memref<!tpu.dma_semaphore, #tpu.memory_space<semaphore_mem>>
          %dma_start3A_120 = arith.constant 0 : i32
          %dma_start3A_121 = tpu.memref_slice %arg20[%add3A_88, %dma_start3A_120] : memref<22920x64xf32, #tpu.memory_space<vmem_shared>> -> memref<128x64xf32, #tpu.memory_space<vmem_shared>>
          %dma_start3A_122 = arith.constant 0 : i32
          %dma_start3A_123 = tpu.memref_slice %arg20[%add3A_88, %dma_start3A_122] : memref<22920x64xf32, #tpu.memory_space<vmem_shared>> -> memref<128x64xf32, #tpu.memory_space<vmem_shared>>
          tpu.enqueue_dma source(%arg19 : memref<128x64xf32, #tpu.memory_space<vmem>>) target(%dma_start3A_123 : memref<128x64xf32, #tpu.memory_space<vmem_shared>>) target_semaphore(%run_scoped3A : memref<!tpu.dma_semaphore, #tpu.memory_space<semaphore_mem>>)
          %dma_wait3A = arith.constant 0 : i32
          %dma_wait3A_124 = tpu.memref_slice %arg20[%add3A_88, %dma_wait3A] : memref<22920x64xf32, #tpu.memory_space<vmem_shared>> -> memref<128x64xf32, #tpu.memory_space<vmem_shared>>
          %dma_wait3A_125 = arith.constant 0 : i32
          %dma_wait3A_126 = tpu.memref_slice %arg20[%add3A_88, %dma_wait3A_125] : memref<22920x64xf32, #tpu.memory_space<vmem_shared>> -> memref<128x64xf32, #tpu.memory_space<vmem_shared>>
          tpu.wait_dma2 semaphore(%run_scoped3A : memref<!tpu.dma_semaphore, #tpu.memory_space<semaphore_mem>>) src(%arg19 : memref<128x64xf32, #tpu.memory_space<vmem>>) dst(%dma_wait3A_126 : memref<128x64xf32, #tpu.memory_space<vmem_shared>>)
          tpu.yield
        }) : () -> ()
        %add3A_89 = arith.constant 1024 : i32
        %add3A_90 = arith.addi %mul3A_72, %add3A_89 : i32
        "tpu.region"() ({
          %run_scoped3A = tpu.sem_alloc : memref<!tpu.dma_semaphore, #tpu.memory_space<semaphore_mem>>
          %dma_start3A_120 = arith.constant 0 : i32
          %dma_start3A_121 = tpu.memref_slice %arg20[%add3A_90, %dma_start3A_120] : memref<22920x64xf32, #tpu.memory_space<vmem_shared>> -> memref<128x64xf32, #tpu.memory_space<vmem_shared>>
          %dma_start3A_122 = arith.constant 0 : i32
          %dma_start3A_123 = tpu.memref_slice %arg20[%add3A_90, %dma_start3A_122] : memref<22920x64xf32, #tpu.memory_space<vmem_shared>> -> memref<128x64xf32, #tpu.memory_space<vmem_shared>>
          tpu.enqueue_dma source(%arg19 : memref<128x64xf32, #tpu.memory_space<vmem>>) target(%dma_start3A_123 : memref<128x64xf32, #tpu.memory_space<vmem_shared>>) target_semaphore(%run_scoped3A : memref<!tpu.dma_semaphore, #tpu.memory_space<semaphore_mem>>)
          %dma_wait3A = arith.constant 0 : i32
          %dma_wait3A_124 = tpu.memref_slice %arg20[%add3A_90, %dma_wait3A] : memref<22920x64xf32, #tpu.memory_space<vmem_shared>> -> memref<128x64xf32, #tpu.memory_space<vmem_shared>>
          %dma_wait3A_125 = arith.constant 0 : i32
          %dma_wait3A_126 = tpu.memref_slice %arg20[%add3A_90, %dma_wait3A_125] : memref<22920x64xf32, #tpu.memory_space<vmem_shared>> -> memref<128x64xf32, #tpu.memory_space<vmem_shared>>
          tpu.wait_dma2 semaphore(%run_scoped3A : memref<!tpu.dma_semaphore, #tpu.memory_space<semaphore_mem>>) src(%arg19 : memref<128x64xf32, #tpu.memory_space<vmem>>) dst(%dma_wait3A_126 : memref<128x64xf32, #tpu.memory_space<vmem_shared>>)
          tpu.yield
        }) : () -> ()
        %add3A_91 = arith.constant 1152 : i32
        %add3A_92 = arith.addi %mul3A_72, %add3A_91 : i32
        "tpu.region"() ({
          %run_scoped3A = tpu.sem_alloc : memref<!tpu.dma_semaphore, #tpu.memory_space<semaphore_mem>>
          %dma_start3A_120 = arith.constant 0 : i32
          %dma_start3A_121 = tpu.memref_slice %arg20[%add3A_92, %dma_start3A_120] : memref<22920x64xf32, #tpu.memory_space<vmem_shared>> -> memref<128x64xf32, #tpu.memory_space<vmem_shared>>
          %dma_start3A_122 = arith.constant 0 : i32
          %dma_start3A_123 = tpu.memref_slice %arg20[%add3A_92, %dma_start3A_122] : memref<22920x64xf32, #tpu.memory_space<vmem_shared>> -> memref<128x64xf32, #tpu.memory_space<vmem_shared>>
          tpu.enqueue_dma source(%arg19 : memref<128x64xf32, #tpu.memory_space<vmem>>) target(%dma_start3A_123 : memref<128x64xf32, #tpu.memory_space<vmem_shared>>) target_semaphore(%run_scoped3A : memref<!tpu.dma_semaphore, #tpu.memory_space<semaphore_mem>>)
          %dma_wait3A = arith.constant 0 : i32
          %dma_wait3A_124 = tpu.memref_slice %arg20[%add3A_92, %dma_wait3A] : memref<22920x64xf32, #tpu.memory_space<vmem_shared>> -> memref<128x64xf32, #tpu.memory_space<vmem_shared>>
          %dma_wait3A_125 = arith.constant 0 : i32
          %dma_wait3A_126 = tpu.memref_slice %arg20[%add3A_92, %dma_wait3A_125] : memref<22920x64xf32, #tpu.memory_space<vmem_shared>> -> memref<128x64xf32, #tpu.memory_space<vmem_shared>>
          tpu.wait_dma2 semaphore(%run_scoped3A : memref<!tpu.dma_semaphore, #tpu.memory_space<semaphore_mem>>) src(%arg19 : memref<128x64xf32, #tpu.memory_space<vmem>>) dst(%dma_wait3A_126 : memref<128x64xf32, #tpu.memory_space<vmem_shared>>)
          tpu.yield
        }) : () -> ()
        %add3A_93 = arith.constant 1280 : i32
        %add3A_94 = arith.addi %mul3A_72, %add3A_93 : i32
        "tpu.region"() ({
          %run_scoped3A = tpu.sem_alloc : memref<!tpu.dma_semaphore, #tpu.memory_space<semaphore_mem>>
          %dma_start3A_120 = arith.constant 0 : i32
          %dma_start3A_121 = tpu.memref_slice %arg20[%add3A_94, %dma_start3A_120] : memref<22920x64xf32, #tpu.memory_space<vmem_shared>> -> memref<128x64xf32, #tpu.memory_space<vmem_shared>>
          %dma_start3A_122 = arith.constant 0 : i32
          %dma_start3A_123 = tpu.memref_slice %arg20[%add3A_94, %dma_start3A_122] : memref<22920x64xf32, #tpu.memory_space<vmem_shared>> -> memref<128x64xf32, #tpu.memory_space<vmem_shared>>
          tpu.enqueue_dma source(%arg19 : memref<128x64xf32, #tpu.memory_space<vmem>>) target(%dma_start3A_123 : memref<128x64xf32, #tpu.memory_space<vmem_shared>>) target_semaphore(%run_scoped3A : memref<!tpu.dma_semaphore, #tpu.memory_space<semaphore_mem>>)
          %dma_wait3A = arith.constant 0 : i32
          %dma_wait3A_124 = tpu.memref_slice %arg20[%add3A_94, %dma_wait3A] : memref<22920x64xf32, #tpu.memory_space<vmem_shared>> -> memref<128x64xf32, #tpu.memory_space<vmem_shared>>
          %dma_wait3A_125 = arith.constant 0 : i32
          %dma_wait3A_126 = tpu.memref_slice %arg20[%add3A_94, %dma_wait3A_125] : memref<22920x64xf32, #tpu.memory_space<vmem_shared>> -> memref<128x64xf32, #tpu.memory_space<vmem_shared>>
          tpu.wait_dma2 semaphore(%run_scoped3A : memref<!tpu.dma_semaphore, #tpu.memory_space<semaphore_mem>>) src(%arg19 : memref<128x64xf32, #tpu.memory_space<vmem>>) dst(%dma_wait3A_126 : memref<128x64xf32, #tpu.memory_space<vmem_shared>>)
          tpu.yield
        }) : () -> ()
        %add3A_95 = arith.constant 1408 : i32
        %add3A_96 = arith.addi %mul3A_72, %add3A_95 : i32
        "tpu.region"() ({
          %run_scoped3A = tpu.sem_alloc : memref<!tpu.dma_semaphore, #tpu.memory_space<semaphore_mem>>
          %dma_start3A_120 = arith.constant 0 : i32
          %dma_start3A_121 = arith.constant 0 : i32
          %dma_start3A_122 = tpu.memref_slice %arg19[%dma_start3A_120, %dma_start3A_121] : memref<128x64xf32, #tpu.memory_space<vmem>> -> memref<24x64xf32, #tpu.memory_space<vmem>>
          %dma_start3A_123 = arith.constant 0 : i32
          %dma_start3A_124 = tpu.memref_slice %arg20[%add3A_96, %dma_start3A_123] : memref<22920x64xf32, #tpu.memory_space<vmem_shared>> -> memref<24x64xf32, #tpu.memory_space<vmem_shared>>
          %dma_start3A_125 = arith.constant 0 : i32
          %dma_start3A_126 = tpu.memref_slice %arg20[%add3A_96, %dma_start3A_125] : memref<22920x64xf32, #tpu.memory_space<vmem_shared>> -> memref<24x64xf32, #tpu.memory_space<vmem_shared>>
          %dma_start3A_127 = arith.constant 0 : i32
          %dma_start3A_128 = arith.constant 0 : i32
          %dma_start3A_129 = tpu.memref_slice %arg19[%dma_start3A_127, %dma_start3A_128] : memref<128x64xf32, #tpu.memory_space<vmem>> -> memref<24x64xf32, #tpu.memory_space<vmem>>
          tpu.enqueue_dma source(%dma_start3A_129 : memref<24x64xf32, #tpu.memory_space<vmem>>) target(%dma_start3A_126 : memref<24x64xf32, #tpu.memory_space<vmem_shared>>) target_semaphore(%run_scoped3A : memref<!tpu.dma_semaphore, #tpu.memory_space<semaphore_mem>>)
          %dma_wait3A = arith.constant 0 : i32
          %dma_wait3A_130 = arith.constant 0 : i32
          %dma_wait3A_131 = tpu.memref_slice %arg19[%dma_wait3A, %dma_wait3A_130] : memref<128x64xf32, #tpu.memory_space<vmem>> -> memref<24x64xf32, #tpu.memory_space<vmem>>
          %dma_wait3A_132 = arith.constant 0 : i32
          %dma_wait3A_133 = tpu.memref_slice %arg20[%add3A_96, %dma_wait3A_132] : memref<22920x64xf32, #tpu.memory_space<vmem_shared>> -> memref<24x64xf32, #tpu.memory_space<vmem_shared>>
          %dma_wait3A_134 = arith.constant 0 : i32
          %dma_wait3A_135 = tpu.memref_slice %arg20[%add3A_96, %dma_wait3A_134] : memref<22920x64xf32, #tpu.memory_space<vmem_shared>> -> memref<24x64xf32, #tpu.memory_space<vmem_shared>>
          %dma_wait3A_136 = arith.constant 0 : i32
          %dma_wait3A_137 = arith.constant 0 : i32
          %dma_wait3A_138 = tpu.memref_slice %arg19[%dma_wait3A_136, %dma_wait3A_137] : memref<128x64xf32, #tpu.memory_space<vmem>> -> memref<24x64xf32, #tpu.memory_space<vmem>>
          tpu.wait_dma2 semaphore(%run_scoped3A : memref<!tpu.dma_semaphore, #tpu.memory_space<semaphore_mem>>) src(%dma_wait3A_138 : memref<24x64xf32, #tpu.memory_space<vmem>>) dst(%dma_wait3A_135 : memref<24x64xf32, #tpu.memory_space<vmem_shared>>)
          tpu.yield
        }) : () -> ()
        %barrier3A = arith.constant 0 : index
        tpu.barrier barrier_id(%barrier3A)
        %dma_start3A = tpu.memref_slice %arg3[%mul3A_57] : memref<1280000xi32, #tpu.memory_space<hbm>> -> memref<800xi32, #tpu.memory_space<hbm>>
        %dma_start3A_97 = tpu.memref_slice %arg3[%mul3A_57] : memref<1280000xi32, #tpu.memory_space<hbm>> -> memref<800xi32, #tpu.memory_space<hbm>>
        tpu.enqueue_dma source(%dma_start3A_97 : memref<800xi32, #tpu.memory_space<hbm>>) target(%arg7 : memref<800xi32, #tpu.memory_space<vmem>>) target_semaphore(%arg23 : memref<!tpu.dma_semaphore, #tpu.memory_space<semaphore_mem>>)
        %dma_start3A_98 = tpu.memref_slice %arg2[%mul3A_57] : memref<1280000xi32, #tpu.memory_space<hbm>> -> memref<800xi32, #tpu.memory_space<hbm>>
        %dma_start3A_99 = tpu.memref_slice %arg2[%mul3A_57] : memref<1280000xi32, #tpu.memory_space<hbm>> -> memref<800xi32, #tpu.memory_space<hbm>>
        tpu.enqueue_dma source(%dma_start3A_99 : memref<800xi32, #tpu.memory_space<hbm>>) target(%arg8 : memref<800xi32, #tpu.memory_space<vmem>>) target_semaphore(%arg24 : memref<!tpu.dma_semaphore, #tpu.memory_space<semaphore_mem>>)
        %scan3A_100 = arith.constant 0 : i32
        %scan3A_101 = arith.constant 0 : i32
        %scan3A_102 = arith.constant 0 : i32
        %scan3A_103 = arith.constant 50 : i32
        %scan3A_104 = arith.addi %scan3A_102, %scan3A_103 : i32
        %scan3A_105 = arith.constant 1 : i32
        %scan3A_106:2 = scf.for %scan3A_120 = %scan3A_102 to %scan3A_104 step %scan3A_105 iter_args(%scan3A_121 = %scan3A_100, %scan3A_122 = %scan3A_101) -> (i32, i32)  : i32 {
          %mul3A_123 = arith.constant 2 : i32
          %mul3A_124 = arith.muli %mul3A_123, %scan3A_120 : i32
          %mul3A_125 = arith.constant 800 : i32
          %mul3A_126 = arith.muli %mul3A_124, %mul3A_125 : i32
          %add3A_127 = arith.addi %mul3A_57, %mul3A_126 : i32
          %dma_wait3A = tpu.memref_slice %arg3[%add3A_127] : memref<1280000xi32, #tpu.memory_space<hbm>> -> memref<800xi32, #tpu.memory_space<hbm>>
          %dma_wait3A_128 = tpu.memref_slice %arg3[%add3A_127] : memref<1280000xi32, #tpu.memory_space<hbm>> -> memref<800xi32, #tpu.memory_space<hbm>>
          tpu.wait_dma2 semaphore(%arg23 : memref<!tpu.dma_semaphore, #tpu.memory_space<semaphore_mem>>) src(%dma_wait3A_128 : memref<800xi32, #tpu.memory_space<hbm>>) dst(%arg7 : memref<800xi32, #tpu.memory_space<vmem>>)
          %dma_wait3A_129 = tpu.memref_slice %arg2[%add3A_127] : memref<1280000xi32, #tpu.memory_space<hbm>> -> memref<800xi32, #tpu.memory_space<hbm>>
          %dma_wait3A_130 = tpu.memref_slice %arg2[%add3A_127] : memref<1280000xi32, #tpu.memory_space<hbm>> -> memref<800xi32, #tpu.memory_space<hbm>>
          tpu.wait_dma2 semaphore(%arg24 : memref<!tpu.dma_semaphore, #tpu.memory_space<semaphore_mem>>) src(%dma_wait3A_130 : memref<800xi32, #tpu.memory_space<hbm>>) dst(%arg8 : memref<800xi32, #tpu.memory_space<vmem>>)
          %add3A_131 = arith.constant 800 : i32
          %add3A_132 = arith.addi %add3A_127, %add3A_131 : i32
          %dma_start3A_133 = tpu.memref_slice %arg3[%add3A_132] : memref<1280000xi32, #tpu.memory_space<hbm>> -> memref<800xi32, #tpu.memory_space<hbm>>
          %dma_start3A_134 = tpu.memref_slice %arg3[%add3A_132] : memref<1280000xi32, #tpu.memory_space<hbm>> -> memref<800xi32, #tpu.memory_space<hbm>>
          tpu.enqueue_dma source(%dma_start3A_134 : memref<800xi32, #tpu.memory_space<hbm>>) target(%arg9 : memref<800xi32, #tpu.memory_space<vmem>>) target_semaphore(%arg25 : memref<!tpu.dma_semaphore, #tpu.memory_space<semaphore_mem>>)
          %dma_start3A_135 = tpu.memref_slice %arg2[%add3A_132] : memref<1280000xi32, #tpu.memory_space<hbm>> -> memref<800xi32, #tpu.memory_space<hbm>>
          %dma_start3A_136 = tpu.memref_slice %arg2[%add3A_132] : memref<1280000xi32, #tpu.memory_space<hbm>> -> memref<800xi32, #tpu.memory_space<hbm>>
          tpu.enqueue_dma source(%dma_start3A_136 : memref<800xi32, #tpu.memory_space<hbm>>) target(%arg10 : memref<800xi32, #tpu.memory_space<vmem>>) target_semaphore(%arg26 : memref<!tpu.dma_semaphore, #tpu.memory_space<semaphore_mem>>)
          %scan3A_137 = arith.constant 0 : i32
          %scan3A_138 = arith.constant 50 : i32
          %scan3A_139 = arith.addi %scan3A_137, %scan3A_138 : i32
          %scan3A_140 = arith.constant 1 : i32
          %scan3A_141:2 = scf.for %scan3A_162 = %scan3A_137 to %scan3A_139 step %scan3A_140 iter_args(%scan3A_163 = %scan3A_121, %scan3A_164 = %scan3A_122) -> (i32, i32)  : i32 {
            %mul3A_165 = arith.constant 16 : i32
            %mul3A_166 = arith.muli %scan3A_162, %mul3A_165 : i32
            %get3A = arith.index_cast %mul3A_166 : i32 to index
            %get3A_167 = tpu.vector_load %arg7[%get3A] {strides = array<i32>} : memref<800xi32, #tpu.memory_space<vmem>>, vector<16xi32>,
            %get3A_168 = arith.index_cast %mul3A_166 : i32 to index
            %get3A_169 = tpu.vector_load %arg8[%get3A_168] {strides = array<i32>} : memref<800xi32, #tpu.memory_space<vmem>>, vector<16xi32>,
            %sub3A = vector.broadcast %mul3A_70 : i32 to vector<16xi32>
            %sub3A_170 = arith.subi %get3A_167, %sub3A : vector<16xi32>
            %ge3A = arith.constant 0 : i32
            %ge3A_171 = vector.broadcast %ge3A : i32 to vector<16xi32>
            %ge3A_172 = arith.cmpi sge, %sub3A_170, %ge3A_171 : vector<16xi32>
            %lt3A_173 = arith.constant 22912 : i32
            %lt3A_174 = vector.broadcast %lt3A_173 : i32 to vector<16xi32>
            %lt3A_175 = arith.cmpi slt, %sub3A_170, %lt3A_174 : vector<16xi32>
            %and3A = arith.andi %ge3A_172, %lt3A_175 : vector<16xi1>
            %convert_element_type3A_176 = arith.extui %and3A : vector<16xi1> to vector<16xi32>
            %mul3A_177 = arith.constant 16 : i32
            %mul3A_178 = arith.muli %scan3A_162, %mul3A_177 : i32
            %add3A_179 = arith.addi %add3A_127, %mul3A_178 : i32
            %add3A_180 = vector.broadcast %add3A_179 : i32 to vector<16xi32>
            %add3A_181 = arith.addi %add3A_180, %iota3A : vector<16xi32>
            %broadcast_in_dim3A_182 = arith.constant true
            %broadcast_in_dim3A_183 = vector.broadcast %broadcast_in_dim3A_182 : i1 to vector<16xi1>
            %masked_cumsum3A = tpu.scan <sum>, %convert_element_type3A_176 masked %broadcast_in_dim3A_183 : vector<16xi32>, vector<16xi1> -> vector<16xi32>
            %add3A_184 = vector.broadcast %scan3A_163 : i32 to vector<16xi32>
            %add3A_185 = arith.addi %add3A_184, %masked_cumsum3A : vector<16xi32>
            %sub3A_186 = arith.constant 1 : i32
            %sub3A_187 = vector.broadcast %sub3A_186 : i32 to vector<16xi32>
            %sub3A_188 = arith.subi %add3A_185, %sub3A_187 : vector<16xi32>
            %jit3A = arith.constant 127 : i32
            %broadcast_in_dim3A_189 = vector.broadcast %jit3A : i32 to vector<16xi32>
            %select_n3A = arith.select %and3A, %sub3A_188, %broadcast_in_dim3A_189 : vector<16xi1>, vector<16xi32>
            %jit3A_190 = arith.constant 22912 : i32
            %broadcast_in_dim3A_191 = vector.broadcast %jit3A_190 : i32 to vector<16xi32>
            %select_n3A_192 = arith.select %and3A, %sub3A_170, %broadcast_in_dim3A_191 : vector<16xi1>, vector<16xi32>
            tpu.vector_store_idx %arg11[%select_n3A], %get3A_169 : memref<128xi32, #tpu.memory_space<vmem>>[vector<16xi32>], vector<16xi32>,
            tpu.vector_store_idx %arg12[%select_n3A], %add3A_181 : memref<128xi32, #tpu.memory_space<vmem>>[vector<16xi32>], vector<16xi32>,
            tpu.vector_store_idx %arg13[%select_n3A], %select_n3A_192 : memref<128xi32, #tpu.memory_space<vmem>>[vector<16xi32>], vector<16xi32>,
            %reduce_sum3A = arith.constant true
            %reduce_sum3A_193 = vector.broadcast %reduce_sum3A : i1 to vector<16xi1>
            %reduce_sum3A_194 = tpu.scan <sum>, %convert_element_type3A_176 masked %reduce_sum3A_193 : vector<16xi32>, vector<16xi1> -> vector<16xi32>
            %reduce_sum3A_195 = vector.extract %reduce_sum3A_194[15] : i32 from vector<16xi32>
            %add3A_196 = arith.addi %scan3A_163, %reduce_sum3A_195 : i32
            %ge3A_197 = arith.constant 112 : i32
            %ge3A_198 = arith.cmpi sge, %add3A_196, %ge3A_197 : i32
            %convert_element_type3A_199 = arith.extui %ge3A_198 : i1 to i32
            %cond3A_200 = arith.constant 0 : i32
            %cond3A_201 = arith.cmpi ne, %convert_element_type3A_199, %cond3A_200 : i32
            %cond3A_202:2 = scf.if %cond3A_201 -> (i32, i32) {
              %eq3A_203 = arith.constant 1 : i32
              %eq3A_204 = arith.cmpi eq, %scan3A_164, %eq3A_203 : i32
              %convert_element_type3A_205 = arith.extui %eq3A_204 : i1 to i32
              %cond3A_206 = arith.constant 0 : i32
              %cond3A_207 = arith.cmpi ne, %convert_element_type3A_205, %cond3A_206 : i32
              scf.if %cond3A_207 {
                %dma_wait3A_360 = arith.constant 0 : i32
                %dma_wait3A_361 = arith.constant 0 : i32
                %dma_wait3A_362 = tpu.memref_slice %arg4[%dma_wait3A_360, %dma_wait3A_361] : memref<320000x64xf32, #tpu.memory_space<hbm>> -> memref<320000x64xf32, #tpu.memory_space<hbm>>
                tpu.wait_indirect_dma semaphore(%arg21 : memref<!tpu.dma_semaphore, #tpu.memory_space<semaphore_mem>>) src(%dma_wait3A_362 : memref<320000x64xf32, #tpu.memory_space<hbm>>) dst(%arg17 : memref<128x64xf32, #tpu.memory_space<vmem>>)
                %dma_wait3A_363 = arith.constant 0 : i32
                %dma_wait3A_364 = arith.constant 0 : i32
                %dma_wait3A_365 = tpu.memref_slice %arg5[%dma_wait3A_363, %dma_wait3A_364] : memref<1280000x64xf32, #tpu.memory_space<hbm>> -> memref<1280000x64xf32, #tpu.memory_space<hbm>>
                tpu.wait_indirect_dma semaphore(%arg22 : memref<!tpu.dma_semaphore, #tpu.memory_space<semaphore_mem>>) src(%dma_wait3A_365 : memref<1280000x64xf32, #tpu.memory_space<hbm>>) dst(%arg18 : memref<128x64xf32, #tpu.memory_space<vmem>>)
                %scan3A_366 = arith.constant 0 : i32
                %scan3A_367 = arith.constant 0 : i32
                %scan3A_368 = arith.constant 128 : i32
                %scan3A_369 = arith.addi %scan3A_367, %scan3A_368 : i32
                %scan3A_370 = arith.constant 1 : i32
                scf.for %scan3A_372 = %scan3A_367 to %scan3A_369 step %scan3A_370  : i32 {
                  %get3A_373 = arith.index_cast %scan3A_372 : i32 to index
                  %get3A_374 = arith.constant 0 : index
                  %get3A_375 = tpu.vector_load %arg18[%get3A_373, %get3A_374] {strides = array<i32>} : memref<128x64xf32, #tpu.memory_space<vmem>>, vector<16xf32>,
                  %get3A_376 = arith.index_cast %scan3A_372 : i32 to index
                  %get3A_377 = arith.constant 0 : index
                  %get3A_378 = tpu.vector_load %arg17[%get3A_376, %get3A_377] {strides = array<i32>} : memref<128x64xf32, #tpu.memory_space<vmem>>, vector<16xf32>,
                  %mul3A_379 = arith.mulf %get3A_375, %get3A_378 : vector<16xf32>
                  %swap3A_380 = arith.index_cast %scan3A_372 : i32 to index
                  %swap3A_381 = arith.constant 0 : index
                  %swap3A_382 = tpu.vector_load %arg18[%swap3A_380, %swap3A_381] {strides = array<i32>} : memref<128x64xf32, #tpu.memory_space<vmem>>, vector<16xf32>,
                  tpu.vector_store %arg18[%swap3A_380, %swap3A_381], %mul3A_379 {strides = array<i32>} : memref<128x64xf32, #tpu.memory_space<vmem>>, vector<16xf32>,
                  %get3A_383 = arith.index_cast %scan3A_372 : i32 to index
                  %get3A_384 = arith.constant 16 : index
                  %get3A_385 = tpu.vector_load %arg18[%get3A_383, %get3A_384] {strides = array<i32>} : memref<128x64xf32, #tpu.memory_space<vmem>>, vector<16xf32>,
                  %get3A_386 = arith.index_cast %scan3A_372 : i32 to index
                  %get3A_387 = arith.constant 16 : index
                  %get3A_388 = tpu.vector_load %arg17[%get3A_386, %get3A_387] {strides = array<i32>} : memref<128x64xf32, #tpu.memory_space<vmem>>, vector<16xf32>,
                  %mul3A_389 = arith.mulf %get3A_385, %get3A_388 : vector<16xf32>
                  %swap3A_390 = arith.index_cast %scan3A_372 : i32 to index
                  %swap3A_391 = arith.constant 16 : index
                  %swap3A_392 = tpu.vector_load %arg18[%swap3A_390, %swap3A_391] {strides = array<i32>} : memref<128x64xf32, #tpu.memory_space<vmem>>, vector<16xf32>,
                  tpu.vector_store %arg18[%swap3A_390, %swap3A_391], %mul3A_389 {strides = array<i32>} : memref<128x64xf32, #tpu.memory_space<vmem>>, vector<16xf32>,
                  %get3A_393 = arith.index_cast %scan3A_372 : i32 to index
                  %get3A_394 = arith.constant 32 : index
                  %get3A_395 = tpu.vector_load %arg18[%get3A_393, %get3A_394] {strides = array<i32>} : memref<128x64xf32, #tpu.memory_space<vmem>>, vector<16xf32>,
                  %get3A_396 = arith.index_cast %scan3A_372 : i32 to index
                  %get3A_397 = arith.constant 32 : index
                  %get3A_398 = tpu.vector_load %arg17[%get3A_396, %get3A_397] {strides = array<i32>} : memref<128x64xf32, #tpu.memory_space<vmem>>, vector<16xf32>,
                  %mul3A_399 = arith.mulf %get3A_395, %get3A_398 : vector<16xf32>
                  %swap3A_400 = arith.index_cast %scan3A_372 : i32 to index
                  %swap3A_401 = arith.constant 32 : index
                  %swap3A_402 = tpu.vector_load %arg18[%swap3A_400, %swap3A_401] {strides = array<i32>} : memref<128x64xf32, #tpu.memory_space<vmem>>, vector<16xf32>,
                  tpu.vector_store %arg18[%swap3A_400, %swap3A_401], %mul3A_399 {strides = array<i32>} : memref<128x64xf32, #tpu.memory_space<vmem>>, vector<16xf32>,
                  %get3A_403 = arith.index_cast %scan3A_372 : i32 to index
                  %get3A_404 = arith.constant 48 : index
                  %get3A_405 = tpu.vector_load %arg18[%get3A_403, %get3A_404] {strides = array<i32>} : memref<128x64xf32, #tpu.memory_space<vmem>>, vector<16xf32>,
                  %get3A_406 = arith.index_cast %scan3A_372 : i32 to index
                  %get3A_407 = arith.constant 48 : index
                  %get3A_408 = tpu.vector_load %arg17[%get3A_406, %get3A_407] {strides = array<i32>} : memref<128x64xf32, #tpu.memory_space<vmem>>, vector<16xf32>,
                  %mul3A_409 = arith.mulf %get3A_405, %get3A_408 : vector<16xf32>
                  %swap3A_410 = arith.index_cast %scan3A_372 : i32 to index
                  %swap3A_411 = arith.constant 48 : index
                  %swap3A_412 = tpu.vector_load %arg18[%swap3A_410, %swap3A_411] {strides = array<i32>} : memref<128x64xf32, #tpu.memory_space<vmem>>, vector<16xf32>,
                  tpu.vector_store %arg18[%swap3A_410, %swap3A_411], %mul3A_409 {strides = array<i32>} : memref<128x64xf32, #tpu.memory_space<vmem>>, vector<16xf32>,
                }
                %scan3A_371 = arith.constant 128 : i32
                "tpu.region"() ({
                  %run_scoped3A = tpu.sem_alloc : memref<!tpu.dma_semaphore, #tpu.memory_space<semaphore_mem>>
                  %dma_start3A_372 = arith.constant 0 : i32
                  %dma_start3A_373 = arith.constant 0 : i32
                  %dma_start3A_374 = tpu.memref_slice %arg20[%dma_start3A_372, %dma_start3A_373] : memref<22920x64xf32, #tpu.memory_space<vmem_shared>> -> memref<22920x64xf32, #tpu.memory_space<vmem_shared>>
                  tpu.enqueue_indirect_dma source(%arg18 : memref<128x64xf32, #tpu.memory_space<vmem>>) target(%dma_start3A_374 : memref<22920x64xf32, #tpu.memory_space<vmem_shared>>) offsets(%arg16 : memref<128xi32, #tpu.memory_space<vmem>>) semaphore(%run_scoped3A : memref<!tpu.dma_semaphore, #tpu.memory_space<semaphore_mem>>) {add = true}
                  %dma_wait3A_375 = arith.constant 0 : i32
                  %dma_wait3A_376 = arith.constant 0 : i32
                  %dma_wait3A_377 = tpu.memref_slice %arg20[%dma_wait3A_375, %dma_wait3A_376] : memref<22920x64xf32, #tpu.memory_space<vmem_shared>> -> memref<22920x64xf32, #tpu.memory_space<vmem_shared>>
                  tpu.wait_indirect_dma semaphore(%run_scoped3A : memref<!tpu.dma_semaphore, #tpu.memory_space<semaphore_mem>>) src(%arg18 : memref<128x64xf32, #tpu.memory_space<vmem>>) dst(%dma_wait3A_377 : memref<22920x64xf32, #tpu.memory_space<vmem_shared>>)
                  tpu.yield
                }) : () -> ()
              } else {
              }
              %get3A_208 = arith.constant 0 : index
              %get3A_209 = tpu.vector_load %arg11[%get3A_208] {strides = array<i32>} : memref<128xi32, #tpu.memory_space<vmem>>, vector<16xi32>,
              %swap3A_210 = arith.constant 0 : index
              %swap3A_211 = tpu.vector_load %arg14[%swap3A_210] {strides = array<i32>} : memref<128xi32, #tpu.memory_space<vmem>>, vector<16xi32>,
              tpu.vector_store %arg14[%swap3A_210], %get3A_209 {strides = array<i32>} : memref<128xi32, #tpu.memory_space<vmem>>, vector<16xi32>,
              %get3A_212 = arith.constant 0 : index
              %get3A_213 = tpu.vector_load %arg12[%get3A_212] {strides = array<i32>} : memref<128xi32, #tpu.memory_space<vmem>>, vector<16xi32>,
              %swap3A_214 = arith.constant 0 : index
              %swap3A_215 = tpu.vector_load %arg15[%swap3A_214] {strides = array<i32>} : memref<128xi32, #tpu.memory_space<vmem>>, vector<16xi32>,
              tpu.vector_store %arg15[%swap3A_214], %get3A_213 {strides = array<i32>} : memref<128xi32, #tpu.memory_space<vmem>>, vector<16xi32>,
              %get3A_216 = arith.constant 0 : index
              %get3A_217 = tpu.vector_load %arg13[%get3A_216] {strides = array<i32>} : memref<128xi32, #tpu.memory_space<vmem>>, vector<16xi32>,
              %swap3A_218 = arith.constant 0 : index
              %swap3A_219 = tpu.vector_load %arg16[%swap3A_218] {strides = array<i32>} : memref<128xi32, #tpu.memory_space<vmem>>, vector<16xi32>,
              tpu.vector_store %arg16[%swap3A_218], %get3A_217 {strides = array<i32>} : memref<128xi32, #tpu.memory_space<vmem>>, vector<16xi32>,
              %get3A_220 = arith.constant 16 : index
              %get3A_221 = tpu.vector_load %arg11[%get3A_220] {strides = array<i32>} : memref<128xi32, #tpu.memory_space<vmem>>, vector<16xi32>,
              %swap3A_222 = arith.constant 16 : index
              %swap3A_223 = tpu.vector_load %arg14[%swap3A_222] {strides = array<i32>} : memref<128xi32, #tpu.memory_space<vmem>>, vector<16xi32>,
              tpu.vector_store %arg14[%swap3A_222], %get3A_221 {strides = array<i32>} : memref<128xi32, #tpu.memory_space<vmem>>, vector<16xi32>,
              %get3A_224 = arith.constant 16 : index
              %get3A_225 = tpu.vector_load %arg12[%get3A_224] {strides = array<i32>} : memref<128xi32, #tpu.memory_space<vmem>>, vector<16xi32>,
              %swap3A_226 = arith.constant 16 : index
              %swap3A_227 = tpu.vector_load %arg15[%swap3A_226] {strides = array<i32>} : memref<128xi32, #tpu.memory_space<vmem>>, vector<16xi32>,
              tpu.vector_store %arg15[%swap3A_226], %get3A_225 {strides = array<i32>} : memref<128xi32, #tpu.memory_space<vmem>>, vector<16xi32>,
              %get3A_228 = arith.constant 16 : index
              %get3A_229 = tpu.vector_load %arg13[%get3A_228] {strides = array<i32>} : memref<128xi32, #tpu.memory_space<vmem>>, vector<16xi32>,
              %swap3A_230 = arith.constant 16 : index
              %swap3A_231 = tpu.vector_load %arg16[%swap3A_230] {strides = array<i32>} : memref<128xi32, #tpu.memory_space<vmem>>, vector<16xi32>,
              tpu.vector_store %arg16[%swap3A_230], %get3A_229 {strides = array<i32>} : memref<128xi32, #tpu.memory_space<vmem>>, vector<16xi32>,
              %get3A_232 = arith.constant 32 : index
              %get3A_233 = tpu.vector_load %arg11[%get3A_232] {strides = array<i32>} : memref<128xi32, #tpu.memory_space<vmem>>, vector<16xi32>,
              %swap3A_234 = arith.constant 32 : index
              %swap3A_235 = tpu.vector_load %arg14[%swap3A_234] {strides = array<i32>} : memref<128xi32, #tpu.memory_space<vmem>>, vector<16xi32>,
              tpu.vector_store %arg14[%swap3A_234], %get3A_233 {strides = array<i32>} : memref<128xi32, #tpu.memory_space<vmem>>, vector<16xi32>,
              %get3A_236 = arith.constant 32 : index
              %get3A_237 = tpu.vector_load %arg12[%get3A_236] {strides = array<i32>} : memref<128xi32, #tpu.memory_space<vmem>>, vector<16xi32>,
              %swap3A_238 = arith.constant 32 : index
              %swap3A_239 = tpu.vector_load %arg15[%swap3A_238] {strides = array<i32>} : memref<128xi32, #tpu.memory_space<vmem>>, vector<16xi32>,
              tpu.vector_store %arg15[%swap3A_238], %get3A_237 {strides = array<i32>} : memref<128xi32, #tpu.memory_space<vmem>>, vector<16xi32>,
              %get3A_240 = arith.constant 32 : index
              %get3A_241 = tpu.vector_load %arg13[%get3A_240] {strides = array<i32>} : memref<128xi32, #tpu.memory_space<vmem>>, vector<16xi32>,
              %swap3A_242 = arith.constant 32 : index
              %swap3A_243 = tpu.vector_load %arg16[%swap3A_242] {strides = array<i32>} : memref<128xi32, #tpu.memory_space<vmem>>, vector<16xi32>,
              tpu.vector_store %arg16[%swap3A_242], %get3A_241 {strides = array<i32>} : memref<128xi32, #tpu.memory_space<vmem>>, vector<16xi32>,
              %get3A_244 = arith.constant 48 : index
              %get3A_245 = tpu.vector_load %arg11[%get3A_244] {strides = array<i32>} : memref<128xi32, #tpu.memory_space<vmem>>, vector<16xi32>,
              %swap3A_246 = arith.constant 48 : index
              %swap3A_247 = tpu.vector_load %arg14[%swap3A_246] {strides = array<i32>} : memref<128xi32, #tpu.memory_space<vmem>>, vector<16xi32>,
              tpu.vector_store %arg14[%swap3A_246], %get3A_245 {strides = array<i32>} : memref<128xi32, #tpu.memory_space<vmem>>, vector<16xi32>,
              %get3A_248 = arith.constant 48 : index
              %get3A_249 = tpu.vector_load %arg12[%get3A_248] {strides = array<i32>} : memref<128xi32, #tpu.memory_space<vmem>>, vector<16xi32>,
              %swap3A_250 = arith.constant 48 : index
              %swap3A_251 = tpu.vector_load %arg15[%swap3A_250] {strides = array<i32>} : memref<128xi32, #tpu.memory_space<vmem>>, vector<16xi32>,
              tpu.vector_store %arg15[%swap3A_250], %get3A_249 {strides = array<i32>} : memref<128xi32, #tpu.memory_space<vmem>>, vector<16xi32>,
              %get3A_252 = arith.constant 48 : index
              %get3A_253 = tpu.vector_load %arg13[%get3A_252] {strides = array<i32>} : memref<128xi32, #tpu.memory_space<vmem>>, vector<16xi32>,
              %swap3A_254 = arith.constant 48 : index
              %swap3A_255 = tpu.vector_load %arg16[%swap3A_254] {strides = array<i32>} : memref<128xi32, #tpu.memory_space<vmem>>, vector<16xi32>,
              tpu.vector_store %arg16[%swap3A_254], %get3A_253 {strides = array<i32>} : memref<128xi32, #tpu.memory_space<vmem>>, vector<16xi32>,
              %get3A_256 = arith.constant 64 : index
              %get3A_257 = tpu.vector_load %arg11[%get3A_256] {strides = array<i32>} : memref<128xi32, #tpu.memory_space<vmem>>, vector<16xi32>,
              %swap3A_258 = arith.constant 64 : index
              %swap3A_259 = tpu.vector_load %arg14[%swap3A_258] {strides = array<i32>} : memref<128xi32, #tpu.memory_space<vmem>>, vector<16xi32>,
              tpu.vector_store %arg14[%swap3A_258], %get3A_257 {strides = array<i32>} : memref<128xi32, #tpu.memory_space<vmem>>, vector<16xi32>,
              %get3A_260 = arith.constant 64 : index
              %get3A_261 = tpu.vector_load %arg12[%get3A_260] {strides = array<i32>} : memref<128xi32, #tpu.memory_space<vmem>>, vector<16xi32>,
              %swap3A_262 = arith.constant 64 : index
              %swap3A_263 = tpu.vector_load %arg15[%swap3A_262] {strides = array<i32>} : memref<128xi32, #tpu.memory_space<vmem>>, vector<16xi32>,
              tpu.vector_store %arg15[%swap3A_262], %get3A_261 {strides = array<i32>} : memref<128xi32, #tpu.memory_space<vmem>>, vector<16xi32>,
              %get3A_264 = arith.constant 64 : index
              %get3A_265 = tpu.vector_load %arg13[%get3A_264] {strides = array<i32>} : memref<128xi32, #tpu.memory_space<vmem>>, vector<16xi32>,
              %swap3A_266 = arith.constant 64 : index
              %swap3A_267 = tpu.vector_load %arg16[%swap3A_266] {strides = array<i32>} : memref<128xi32, #tpu.memory_space<vmem>>, vector<16xi32>,
              tpu.vector_store %arg16[%swap3A_266], %get3A_265 {strides = array<i32>} : memref<128xi32, #tpu.memory_space<vmem>>, vector<16xi32>,
              %get3A_268 = arith.constant 80 : index
              %get3A_269 = tpu.vector_load %arg11[%get3A_268] {strides = array<i32>} : memref<128xi32, #tpu.memory_space<vmem>>, vector<16xi32>,
              %swap3A_270 = arith.constant 80 : index
              %swap3A_271 = tpu.vector_load %arg14[%swap3A_270] {strides = array<i32>} : memref<128xi32, #tpu.memory_space<vmem>>, vector<16xi32>,
              tpu.vector_store %arg14[%swap3A_270], %get3A_269 {strides = array<i32>} : memref<128xi32, #tpu.memory_space<vmem>>, vector<16xi32>,
              %get3A_272 = arith.constant 80 : index
              %get3A_273 = tpu.vector_load %arg12[%get3A_272] {strides = array<i32>} : memref<128xi32, #tpu.memory_space<vmem>>, vector<16xi32>,
              %swap3A_274 = arith.constant 80 : index
              %swap3A_275 = tpu.vector_load %arg15[%swap3A_274] {strides = array<i32>} : memref<128xi32, #tpu.memory_space<vmem>>, vector<16xi32>,
              tpu.vector_store %arg15[%swap3A_274], %get3A_273 {strides = array<i32>} : memref<128xi32, #tpu.memory_space<vmem>>, vector<16xi32>,
              %get3A_276 = arith.constant 80 : index
              %get3A_277 = tpu.vector_load %arg13[%get3A_276] {strides = array<i32>} : memref<128xi32, #tpu.memory_space<vmem>>, vector<16xi32>,
              %swap3A_278 = arith.constant 80 : index
              %swap3A_279 = tpu.vector_load %arg16[%swap3A_278] {strides = array<i32>} : memref<128xi32, #tpu.memory_space<vmem>>, vector<16xi32>,
              tpu.vector_store %arg16[%swap3A_278], %get3A_277 {strides = array<i32>} : memref<128xi32, #tpu.memory_space<vmem>>, vector<16xi32>,
              %get3A_280 = arith.constant 96 : index
              %get3A_281 = tpu.vector_load %arg11[%get3A_280] {strides = array<i32>} : memref<128xi32, #tpu.memory_space<vmem>>, vector<16xi32>,
              %swap3A_282 = arith.constant 96 : index
              %swap3A_283 = tpu.vector_load %arg14[%swap3A_282] {strides = array<i32>} : memref<128xi32, #tpu.memory_space<vmem>>, vector<16xi32>,
              tpu.vector_store %arg14[%swap3A_282], %get3A_281 {strides = array<i32>} : memref<128xi32, #tpu.memory_space<vmem>>, vector<16xi32>,
              %get3A_284 = arith.constant 96 : index
              %get3A_285 = tpu.vector_load %arg12[%get3A_284] {strides = array<i32>} : memref<128xi32, #tpu.memory_space<vmem>>, vector<16xi32>,
              %swap3A_286 = arith.constant 96 : index
              %swap3A_287 = tpu.vector_load %arg15[%swap3A_286] {strides = array<i32>} : memref<128xi32, #tpu.memory_space<vmem>>, vector<16xi32>,
              tpu.vector_store %arg15[%swap3A_286], %get3A_285 {strides = array<i32>} : memref<128xi32, #tpu.memory_space<vmem>>, vector<16xi32>,
              %get3A_288 = arith.constant 96 : index
              %get3A_289 = tpu.vector_load %arg13[%get3A_288] {strides = array<i32>} : memref<128xi32, #tpu.memory_space<vmem>>, vector<16xi32>,
              %swap3A_290 = arith.constant 96 : index
              %swap3A_291 = tpu.vector_load %arg16[%swap3A_290] {strides = array<i32>} : memref<128xi32, #tpu.memory_space<vmem>>, vector<16xi32>,
              tpu.vector_store %arg16[%swap3A_290], %get3A_289 {strides = array<i32>} : memref<128xi32, #tpu.memory_space<vmem>>, vector<16xi32>,
              %get3A_292 = arith.constant 112 : index
              %get3A_293 = tpu.vector_load %arg11[%get3A_292] {strides = array<i32>} : memref<128xi32, #tpu.memory_space<vmem>>, vector<16xi32>,
              %swap3A_294 = arith.constant 112 : index
              %swap3A_295 = tpu.vector_load %arg14[%swap3A_294] {strides = array<i32>} : memref<128xi32, #tpu.memory_space<vmem>>, vector<16xi32>,
              tpu.vector_store %arg14[%swap3A_294], %get3A_293 {strides = array<i32>} : memref<128xi32, #tpu.memory_space<vmem>>, vector<16xi32>,
              %get3A_296 = arith.constant 112 : index
              %get3A_297 = tpu.vector_load %arg12[%get3A_296] {strides = array<i32>} : memref<128xi32, #tpu.memory_space<vmem>>, vector<16xi32>,
              %swap3A_298 = arith.constant 112 : index
              %swap3A_299 = tpu.vector_load %arg15[%swap3A_298] {strides = array<i32>} : memref<128xi32, #tpu.memory_space<vmem>>, vector<16xi32>,
              tpu.vector_store %arg15[%swap3A_298], %get3A_297 {strides = array<i32>} : memref<128xi32, #tpu.memory_space<vmem>>, vector<16xi32>,
              %get3A_300 = arith.constant 112 : index
              %get3A_301 = tpu.vector_load %arg13[%get3A_300] {strides = array<i32>} : memref<128xi32, #tpu.memory_space<vmem>>, vector<16xi32>,
              %swap3A_302 = arith.constant 112 : index
              %swap3A_303 = tpu.vector_load %arg16[%swap3A_302] {strides = array<i32>} : memref<128xi32, #tpu.memory_space<vmem>>, vector<16xi32>,
              tpu.vector_store %arg16[%swap3A_302], %get3A_301 {strides = array<i32>} : memref<128xi32, #tpu.memory_space<vmem>>, vector<16xi32>,
              %dma_start3A_304 = arith.constant 0 : i32
              %dma_start3A_305 = arith.constant 0 : i32
              %dma_start3A_306 = tpu.memref_slice %arg4[%dma_start3A_304, %dma_start3A_305] : memref<320000x64xf32, #tpu.memory_space<hbm>> -> memref<320000x64xf32, #tpu.memory_space<hbm>>
              tpu.enqueue_indirect_dma source(%dma_start3A_306 : memref<320000x64xf32, #tpu.memory_space<hbm>>) target(%arg17 : memref<128x64xf32, #tpu.memory_space<vmem>>) offsets(%arg14 : memref<128xi32, #tpu.memory_space<vmem>>) semaphore(%arg21 : memref<!tpu.dma_semaphore, #tpu.memory_space<semaphore_mem>>)
              %dma_start3A_307 = arith.constant 0 : i32
              %dma_start3A_308 = arith.constant 0 : i32
              %dma_start3A_309 = tpu.memref_slice %arg5[%dma_start3A_307, %dma_start3A_308] : memref<1280000x64xf32, #tpu.memory_space<hbm>> -> memref<1280000x64xf32, #tpu.memory_space<hbm>>
              tpu.enqueue_indirect_dma source(%dma_start3A_309 : memref<1280000x64xf32, #tpu.memory_space<hbm>>) target(%arg18 : memref<128x64xf32, #tpu.memory_space<vmem>>) offsets(%arg15 : memref<128xi32, #tpu.memory_space<vmem>>) semaphore(%arg22 : memref<!tpu.dma_semaphore, #tpu.memory_space<semaphore_mem>>)
              %swap3A_310 = arith.constant 0 : index
              %swap3A_311 = tpu.vector_load %arg11[%swap3A_310] {strides = array<i32>} : memref<128xi32, #tpu.memory_space<vmem>>, vector<16xi32>,
              tpu.vector_store %arg11[%swap3A_310], %broadcast_in_dim3A_2 {strides = array<i32>} : memref<128xi32, #tpu.memory_space<vmem>>, vector<16xi32>,
              %swap3A_312 = arith.constant 0 : index
              %swap3A_313 = tpu.vector_load %arg12[%swap3A_312] {strides = array<i32>} : memref<128xi32, #tpu.memory_space<vmem>>, vector<16xi32>,
              tpu.vector_store %arg12[%swap3A_312], %broadcast_in_dim3A_2 {strides = array<i32>} : memref<128xi32, #tpu.memory_space<vmem>>, vector<16xi32>,
              %swap3A_314 = arith.constant 0 : index
              %swap3A_315 = tpu.vector_load %arg13[%swap3A_314] {strides = array<i32>} : memref<128xi32, #tpu.memory_space<vmem>>, vector<16xi32>,
              tpu.vector_store %arg13[%swap3A_314], %broadcast_in_dim3A_4 {strides = array<i32>} : memref<128xi32, #tpu.memory_space<vmem>>, vector<16xi32>,
              %swap3A_316 = arith.constant 16 : index
              %swap3A_317 = tpu.vector_load %arg11[%swap3A_316] {strides = array<i32>} : memref<128xi32, #tpu.memory_space<vmem>>, vector<16xi32>,
              tpu.vector_store %arg11[%swap3A_316], %broadcast_in_dim3A_2 {strides = array<i32>} : memref<128xi32, #tpu.memory_space<vmem>>, vector<16xi32>,
              %swap3A_318 = arith.constant 16 : index
              %swap3A_319 = tpu.vector_load %arg12[%swap3A_318] {strides = array<i32>} : memref<128xi32, #tpu.memory_space<vmem>>, vector<16xi32>,
              tpu.vector_store %arg12[%swap3A_318], %broadcast_in_dim3A_2 {strides = array<i32>} : memref<128xi32, #tpu.memory_space<vmem>>, vector<16xi32>,
              %swap3A_320 = arith.constant 16 : index
              %swap3A_321 = tpu.vector_load %arg13[%swap3A_320] {strides = array<i32>} : memref<128xi32, #tpu.memory_space<vmem>>, vector<16xi32>,
              tpu.vector_store %arg13[%swap3A_320], %broadcast_in_dim3A_4 {strides = array<i32>} : memref<128xi32, #tpu.memory_space<vmem>>, vector<16xi32>,
              %swap3A_322 = arith.constant 32 : index
              %swap3A_323 = tpu.vector_load %arg11[%swap3A_322] {strides = array<i32>} : memref<128xi32, #tpu.memory_space<vmem>>, vector<16xi32>,
              tpu.vector_store %arg11[%swap3A_322], %broadcast_in_dim3A_2 {strides = array<i32>} : memref<128xi32, #tpu.memory_space<vmem>>, vector<16xi32>,
              %swap3A_324 = arith.constant 32 : index
              %swap3A_325 = tpu.vector_load %arg12[%swap3A_324] {strides = array<i32>} : memref<128xi32, #tpu.memory_space<vmem>>, vector<16xi32>,
              tpu.vector_store %arg12[%swap3A_324], %broadcast_in_dim3A_2 {strides = array<i32>} : memref<128xi32, #tpu.memory_space<vmem>>, vector<16xi32>,
              %swap3A_326 = arith.constant 32 : index
              %swap3A_327 = tpu.vector_load %arg13[%swap3A_326] {strides = array<i32>} : memref<128xi32, #tpu.memory_space<vmem>>, vector<16xi32>,
              tpu.vector_store %arg13[%swap3A_326], %broadcast_in_dim3A_4 {strides = array<i32>} : memref<128xi32, #tpu.memory_space<vmem>>, vector<16xi32>,
              %swap3A_328 = arith.constant 48 : index
              %swap3A_329 = tpu.vector_load %arg11[%swap3A_328] {strides = array<i32>} : memref<128xi32, #tpu.memory_space<vmem>>, vector<16xi32>,
              tpu.vector_store %arg11[%swap3A_328], %broadcast_in_dim3A_2 {strides = array<i32>} : memref<128xi32, #tpu.memory_space<vmem>>, vector<16xi32>,
              %swap3A_330 = arith.constant 48 : index
              %swap3A_331 = tpu.vector_load %arg12[%swap3A_330] {strides = array<i32>} : memref<128xi32, #tpu.memory_space<vmem>>, vector<16xi32>,
              tpu.vector_store %arg12[%swap3A_330], %broadcast_in_dim3A_2 {strides = array<i32>} : memref<128xi32, #tpu.memory_space<vmem>>, vector<16xi32>,
              %swap3A_332 = arith.constant 48 : index
              %swap3A_333 = tpu.vector_load %arg13[%swap3A_332] {strides = array<i32>} : memref<128xi32, #tpu.memory_space<vmem>>, vector<16xi32>,
              tpu.vector_store %arg13[%swap3A_332], %broadcast_in_dim3A_4 {strides = array<i32>} : memref<128xi32, #tpu.memory_space<vmem>>, vector<16xi32>,
              %swap3A_334 = arith.constant 64 : index
              %swap3A_335 = tpu.vector_load %arg11[%swap3A_334] {strides = array<i32>} : memref<128xi32, #tpu.memory_space<vmem>>, vector<16xi32>,
              tpu.vector_store %arg11[%swap3A_334], %broadcast_in_dim3A_2 {strides = array<i32>} : memref<128xi32, #tpu.memory_space<vmem>>, vector<16xi32>,
              %swap3A_336 = arith.constant 64 : index
              %swap3A_337 = tpu.vector_load %arg12[%swap3A_336] {strides = array<i32>} : memref<128xi32, #tpu.memory_space<vmem>>, vector<16xi32>,
              tpu.vector_store %arg12[%swap3A_336], %broadcast_in_dim3A_2 {strides = array<i32>} : memref<128xi32, #tpu.memory_space<vmem>>, vector<16xi32>,
              %swap3A_338 = arith.constant 64 : index
              %swap3A_339 = tpu.vector_load %arg13[%swap3A_338] {strides = array<i32>} : memref<128xi32, #tpu.memory_space<vmem>>, vector<16xi32>,
              tpu.vector_store %arg13[%swap3A_338], %broadcast_in_dim3A_4 {strides = array<i32>} : memref<128xi32, #tpu.memory_space<vmem>>, vector<16xi32>,
              %swap3A_340 = arith.constant 80 : index
              %swap3A_341 = tpu.vector_load %arg11[%swap3A_340] {strides = array<i32>} : memref<128xi32, #tpu.memory_space<vmem>>, vector<16xi32>,
              tpu.vector_store %arg11[%swap3A_340], %broadcast_in_dim3A_2 {strides = array<i32>} : memref<128xi32, #tpu.memory_space<vmem>>, vector<16xi32>,
              %swap3A_342 = arith.constant 80 : index
              %swap3A_343 = tpu.vector_load %arg12[%swap3A_342] {strides = array<i32>} : memref<128xi32, #tpu.memory_space<vmem>>, vector<16xi32>,
              tpu.vector_store %arg12[%swap3A_342], %broadcast_in_dim3A_2 {strides = array<i32>} : memref<128xi32, #tpu.memory_space<vmem>>, vector<16xi32>,
              %swap3A_344 = arith.constant 80 : index
              %swap3A_345 = tpu.vector_load %arg13[%swap3A_344] {strides = array<i32>} : memref<128xi32, #tpu.memory_space<vmem>>, vector<16xi32>,
              tpu.vector_store %arg13[%swap3A_344], %broadcast_in_dim3A_4 {strides = array<i32>} : memref<128xi32, #tpu.memory_space<vmem>>, vector<16xi32>,
              %swap3A_346 = arith.constant 96 : index
              %swap3A_347 = tpu.vector_load %arg11[%swap3A_346] {strides = array<i32>} : memref<128xi32, #tpu.memory_space<vmem>>, vector<16xi32>,
              tpu.vector_store %arg11[%swap3A_346], %broadcast_in_dim3A_2 {strides = array<i32>} : memref<128xi32, #tpu.memory_space<vmem>>, vector<16xi32>,
              %swap3A_348 = arith.constant 96 : index
              %swap3A_349 = tpu.vector_load %arg12[%swap3A_348] {strides = array<i32>} : memref<128xi32, #tpu.memory_space<vmem>>, vector<16xi32>,
              tpu.vector_store %arg12[%swap3A_348], %broadcast_in_dim3A_2 {strides = array<i32>} : memref<128xi32, #tpu.memory_space<vmem>>, vector<16xi32>,
              %swap3A_350 = arith.constant 96 : index
              %swap3A_351 = tpu.vector_load %arg13[%swap3A_350] {strides = array<i32>} : memref<128xi32, #tpu.memory_space<vmem>>, vector<16xi32>,
              tpu.vector_store %arg13[%swap3A_350], %broadcast_in_dim3A_4 {strides = array<i32>} : memref<128xi32, #tpu.memory_space<vmem>>, vector<16xi32>,
              %swap3A_352 = arith.constant 112 : index
              %swap3A_353 = tpu.vector_load %arg11[%swap3A_352] {strides = array<i32>} : memref<128xi32, #tpu.memory_space<vmem>>, vector<16xi32>,
              tpu.vector_store %arg11[%swap3A_352], %broadcast_in_dim3A_2 {strides = array<i32>} : memref<128xi32, #tpu.memory_space<vmem>>, vector<16xi32>,
              %swap3A_354 = arith.constant 112 : index
              %swap3A_355 = tpu.vector_load %arg12[%swap3A_354] {strides = array<i32>} : memref<128xi32, #tpu.memory_space<vmem>>, vector<16xi32>,
              tpu.vector_store %arg12[%swap3A_354], %broadcast_in_dim3A_2 {strides = array<i32>} : memref<128xi32, #tpu.memory_space<vmem>>, vector<16xi32>,
              %swap3A_356 = arith.constant 112 : index
              %swap3A_357 = tpu.vector_load %arg13[%swap3A_356] {strides = array<i32>} : memref<128xi32, #tpu.memory_space<vmem>>, vector<16xi32>,
              tpu.vector_store %arg13[%swap3A_356], %broadcast_in_dim3A_4 {strides = array<i32>} : memref<128xi32, #tpu.memory_space<vmem>>, vector<16xi32>,
              %cond3A_358 = arith.constant 0 : i32
              %cond3A_359 = arith.constant 1 : i32
              scf.yield %cond3A_358, %cond3A_359 : i32, i32
            } else {
              scf.yield %add3A_196, %scan3A_164 : i32, i32
            }
            scf.yield %cond3A_202#0, %cond3A_202#1 : i32, i32
          }
          %scan3A_142 = arith.constant 50 : i32
          %add3A_143 = arith.constant 800 : i32
          %add3A_144 = arith.addi %add3A_127, %add3A_143 : i32
          %dma_wait3A_145 = tpu.memref_slice %arg3[%add3A_144] : memref<1280000xi32, #tpu.memory_space<hbm>> -> memref<800xi32, #tpu.memory_space<hbm>>
          %dma_wait3A_146 = tpu.memref_slice %arg3[%add3A_144] : memref<1280000xi32, #tpu.memory_space<hbm>> -> memref<800xi32, #tpu.memory_space<hbm>>
          tpu.wait_dma2 semaphore(%arg25 : memref<!tpu.dma_semaphore, #tpu.memory_space<semaphore_mem>>) src(%dma_wait3A_146 : memref<800xi32, #tpu.memory_space<hbm>>) dst(%arg9 : memref<800xi32, #tpu.memory_space<vmem>>)
          %dma_wait3A_147 = tpu.memref_slice %arg2[%add3A_144] : memref<1280000xi32, #tpu.memory_space<hbm>> -> memref<800xi32, #tpu.memory_space<hbm>>
          %dma_wait3A_148 = tpu.memref_slice %arg2[%add3A_144] : memref<1280000xi32, #tpu.memory_space<hbm>> -> memref<800xi32, #tpu.memory_space<hbm>>
          tpu.wait_dma2 semaphore(%arg26 : memref<!tpu.dma_semaphore, #tpu.memory_space<semaphore_mem>>) src(%dma_wait3A_148 : memref<800xi32, #tpu.memory_space<hbm>>) dst(%arg10 : memref<800xi32, #tpu.memory_space<vmem>>)
          %lt3A_149 = arith.constant 49 : i32
          %lt3A_150 = arith.cmpi slt, %scan3A_120, %lt3A_149 : i32
          %convert_element_type3A_151 = arith.extui %lt3A_150 : i1 to i32
          %cond3A_152 = arith.constant 0 : i32
          %cond3A_153 = arith.cmpi ne, %convert_element_type3A_151, %cond3A_152 : i32
          scf.if %cond3A_153 {
            %add3A_162 = arith.constant 1600 : i32
            %add3A_163 = arith.addi %add3A_127, %add3A_162 : i32
            %dma_start3A_164 = tpu.memref_slice %arg3[%add3A_163] : memref<1280000xi32, #tpu.memory_space<hbm>> -> memref<800xi32, #tpu.memory_space<hbm>>
            %dma_start3A_165 = tpu.memref_slice %arg3[%add3A_163] : memref<1280000xi32, #tpu.memory_space<hbm>> -> memref<800xi32, #tpu.memory_space<hbm>>
            tpu.enqueue_dma source(%dma_start3A_165 : memref<800xi32, #tpu.memory_space<hbm>>) target(%arg7 : memref<800xi32, #tpu.memory_space<vmem>>) target_semaphore(%arg23 : memref<!tpu.dma_semaphore, #tpu.memory_space<semaphore_mem>>)
            %dma_start3A_166 = tpu.memref_slice %arg2[%add3A_163] : memref<1280000xi32, #tpu.memory_space<hbm>> -> memref<800xi32, #tpu.memory_space<hbm>>
            %dma_start3A_167 = tpu.memref_slice %arg2[%add3A_163] : memref<1280000xi32, #tpu.memory_space<hbm>> -> memref<800xi32, #tpu.memory_space<hbm>>
            tpu.enqueue_dma source(%dma_start3A_167 : memref<800xi32, #tpu.memory_space<hbm>>) target(%arg8 : memref<800xi32, #tpu.memory_space<vmem>>) target_semaphore(%arg24 : memref<!tpu.dma_semaphore, #tpu.memory_space<semaphore_mem>>)
          } else {
          }
          %add3A_154 = arith.constant 800 : i32
          %add3A_155 = arith.addi %add3A_127, %add3A_154 : i32
          %scan3A_156 = arith.constant 0 : i32
          %scan3A_157 = arith.constant 50 : i32
          %scan3A_158 = arith.addi %scan3A_156, %scan3A_157 : i32
          %scan3A_159 = arith.constant 1 : i32
          %scan3A_160:2 = scf.for %scan3A_162 = %scan3A_156 to %scan3A_158 step %scan3A_159 iter_args(%scan3A_163 = %scan3A_141#0, %scan3A_164 = %scan3A_141#1) -> (i32, i32)  : i32 {
            %mul3A_165 = arith.constant 16 : i32
            %mul3A_166 = arith.muli %scan3A_162, %mul3A_165 : i32
            %get3A = arith.index_cast %mul3A_166 : i32 to index
            %get3A_167 = tpu.vector_load %arg9[%get3A] {strides = array<i32>} : memref<800xi32, #tpu.memory_space<vmem>>, vector<16xi32>,
            %get3A_168 = arith.index_cast %mul3A_166 : i32 to index
            %get3A_169 = tpu.vector_load %arg10[%get3A_168] {strides = array<i32>} : memref<800xi32, #tpu.memory_space<vmem>>, vector<16xi32>,
            %sub3A = vector.broadcast %mul3A_70 : i32 to vector<16xi32>
            %sub3A_170 = arith.subi %get3A_167, %sub3A : vector<16xi32>
            %ge3A = arith.constant 0 : i32
            %ge3A_171 = vector.broadcast %ge3A : i32 to vector<16xi32>
            %ge3A_172 = arith.cmpi sge, %sub3A_170, %ge3A_171 : vector<16xi32>
            %lt3A_173 = arith.constant 22912 : i32
            %lt3A_174 = vector.broadcast %lt3A_173 : i32 to vector<16xi32>
            %lt3A_175 = arith.cmpi slt, %sub3A_170, %lt3A_174 : vector<16xi32>
            %and3A = arith.andi %ge3A_172, %lt3A_175 : vector<16xi1>
            %convert_element_type3A_176 = arith.extui %and3A : vector<16xi1> to vector<16xi32>
            %mul3A_177 = arith.constant 16 : i32
            %mul3A_178 = arith.muli %scan3A_162, %mul3A_177 : i32
            %add3A_179 = arith.addi %add3A_155, %mul3A_178 : i32
            %add3A_180 = vector.broadcast %add3A_179 : i32 to vector<16xi32>
            %add3A_181 = arith.addi %add3A_180, %iota3A : vector<16xi32>
            %broadcast_in_dim3A_182 = arith.constant true
            %broadcast_in_dim3A_183 = vector.broadcast %broadcast_in_dim3A_182 : i1 to vector<16xi1>
            %masked_cumsum3A = tpu.scan <sum>, %convert_element_type3A_176 masked %broadcast_in_dim3A_183 : vector<16xi32>, vector<16xi1> -> vector<16xi32>
            %add3A_184 = vector.broadcast %scan3A_163 : i32 to vector<16xi32>
            %add3A_185 = arith.addi %add3A_184, %masked_cumsum3A : vector<16xi32>
            %sub3A_186 = arith.constant 1 : i32
            %sub3A_187 = vector.broadcast %sub3A_186 : i32 to vector<16xi32>
            %sub3A_188 = arith.subi %add3A_185, %sub3A_187 : vector<16xi32>
            %jit3A = arith.constant 127 : i32
            %broadcast_in_dim3A_189 = vector.broadcast %jit3A : i32 to vector<16xi32>
            %select_n3A = arith.select %and3A, %sub3A_188, %broadcast_in_dim3A_189 : vector<16xi1>, vector<16xi32>
            %jit3A_190 = arith.constant 22912 : i32
            %broadcast_in_dim3A_191 = vector.broadcast %jit3A_190 : i32 to vector<16xi32>
            %select_n3A_192 = arith.select %and3A, %sub3A_170, %broadcast_in_dim3A_191 : vector<16xi1>, vector<16xi32>
            tpu.vector_store_idx %arg11[%select_n3A], %get3A_169 : memref<128xi32, #tpu.memory_space<vmem>>[vector<16xi32>], vector<16xi32>,
            tpu.vector_store_idx %arg12[%select_n3A], %add3A_181 : memref<128xi32, #tpu.memory_space<vmem>>[vector<16xi32>], vector<16xi32>,
            tpu.vector_store_idx %arg13[%select_n3A], %select_n3A_192 : memref<128xi32, #tpu.memory_space<vmem>>[vector<16xi32>], vector<16xi32>,
            %reduce_sum3A = arith.constant true
            %reduce_sum3A_193 = vector.broadcast %reduce_sum3A : i1 to vector<16xi1>
            %reduce_sum3A_194 = tpu.scan <sum>, %convert_element_type3A_176 masked %reduce_sum3A_193 : vector<16xi32>, vector<16xi1> -> vector<16xi32>
            %reduce_sum3A_195 = vector.extract %reduce_sum3A_194[15] : i32 from vector<16xi32>
            %add3A_196 = arith.addi %scan3A_163, %reduce_sum3A_195 : i32
            %ge3A_197 = arith.constant 112 : i32
            %ge3A_198 = arith.cmpi sge, %add3A_196, %ge3A_197 : i32
            %convert_element_type3A_199 = arith.extui %ge3A_198 : i1 to i32
            %cond3A_200 = arith.constant 0 : i32
            %cond3A_201 = arith.cmpi ne, %convert_element_type3A_199, %cond3A_200 : i32
            %cond3A_202:2 = scf.if %cond3A_201 -> (i32, i32) {
              %eq3A_203 = arith.constant 1 : i32
              %eq3A_204 = arith.cmpi eq, %scan3A_164, %eq3A_203 : i32
              %convert_element_type3A_205 = arith.extui %eq3A_204 : i1 to i32
              %cond3A_206 = arith.constant 0 : i32
              %cond3A_207 = arith.cmpi ne, %convert_element_type3A_205, %cond3A_206 : i32
              scf.if %cond3A_207 {
                %dma_wait3A_360 = arith.constant 0 : i32
                %dma_wait3A_361 = arith.constant 0 : i32
                %dma_wait3A_362 = tpu.memref_slice %arg4[%dma_wait3A_360, %dma_wait3A_361] : memref<320000x64xf32, #tpu.memory_space<hbm>> -> memref<320000x64xf32, #tpu.memory_space<hbm>>
                tpu.wait_indirect_dma semaphore(%arg21 : memref<!tpu.dma_semaphore, #tpu.memory_space<semaphore_mem>>) src(%dma_wait3A_362 : memref<320000x64xf32, #tpu.memory_space<hbm>>) dst(%arg17 : memref<128x64xf32, #tpu.memory_space<vmem>>)
                %dma_wait3A_363 = arith.constant 0 : i32
                %dma_wait3A_364 = arith.constant 0 : i32
                %dma_wait3A_365 = tpu.memref_slice %arg5[%dma_wait3A_363, %dma_wait3A_364] : memref<1280000x64xf32, #tpu.memory_space<hbm>> -> memref<1280000x64xf32, #tpu.memory_space<hbm>>
                tpu.wait_indirect_dma semaphore(%arg22 : memref<!tpu.dma_semaphore, #tpu.memory_space<semaphore_mem>>) src(%dma_wait3A_365 : memref<1280000x64xf32, #tpu.memory_space<hbm>>) dst(%arg18 : memref<128x64xf32, #tpu.memory_space<vmem>>)
                %scan3A_366 = arith.constant 0 : i32
                %scan3A_367 = arith.constant 0 : i32
                %scan3A_368 = arith.constant 128 : i32
                %scan3A_369 = arith.addi %scan3A_367, %scan3A_368 : i32
                %scan3A_370 = arith.constant 1 : i32
                scf.for %scan3A_372 = %scan3A_367 to %scan3A_369 step %scan3A_370  : i32 {
                  %get3A_373 = arith.index_cast %scan3A_372 : i32 to index
                  %get3A_374 = arith.constant 0 : index
                  %get3A_375 = tpu.vector_load %arg18[%get3A_373, %get3A_374] {strides = array<i32>} : memref<128x64xf32, #tpu.memory_space<vmem>>, vector<16xf32>,
                  %get3A_376 = arith.index_cast %scan3A_372 : i32 to index
                  %get3A_377 = arith.constant 0 : index
                  %get3A_378 = tpu.vector_load %arg17[%get3A_376, %get3A_377] {strides = array<i32>} : memref<128x64xf32, #tpu.memory_space<vmem>>, vector<16xf32>,
                  %mul3A_379 = arith.mulf %get3A_375, %get3A_378 : vector<16xf32>
                  %swap3A_380 = arith.index_cast %scan3A_372 : i32 to index
                  %swap3A_381 = arith.constant 0 : index
                  %swap3A_382 = tpu.vector_load %arg18[%swap3A_380, %swap3A_381] {strides = array<i32>} : memref<128x64xf32, #tpu.memory_space<vmem>>, vector<16xf32>,
                  tpu.vector_store %arg18[%swap3A_380, %swap3A_381], %mul3A_379 {strides = array<i32>} : memref<128x64xf32, #tpu.memory_space<vmem>>, vector<16xf32>,
                  %get3A_383 = arith.index_cast %scan3A_372 : i32 to index
                  %get3A_384 = arith.constant 16 : index
                  %get3A_385 = tpu.vector_load %arg18[%get3A_383, %get3A_384] {strides = array<i32>} : memref<128x64xf32, #tpu.memory_space<vmem>>, vector<16xf32>,
                  %get3A_386 = arith.index_cast %scan3A_372 : i32 to index
                  %get3A_387 = arith.constant 16 : index
                  %get3A_388 = tpu.vector_load %arg17[%get3A_386, %get3A_387] {strides = array<i32>} : memref<128x64xf32, #tpu.memory_space<vmem>>, vector<16xf32>,
                  %mul3A_389 = arith.mulf %get3A_385, %get3A_388 : vector<16xf32>
                  %swap3A_390 = arith.index_cast %scan3A_372 : i32 to index
                  %swap3A_391 = arith.constant 16 : index
                  %swap3A_392 = tpu.vector_load %arg18[%swap3A_390, %swap3A_391] {strides = array<i32>} : memref<128x64xf32, #tpu.memory_space<vmem>>, vector<16xf32>,
                  tpu.vector_store %arg18[%swap3A_390, %swap3A_391], %mul3A_389 {strides = array<i32>} : memref<128x64xf32, #tpu.memory_space<vmem>>, vector<16xf32>,
                  %get3A_393 = arith.index_cast %scan3A_372 : i32 to index
                  %get3A_394 = arith.constant 32 : index
                  %get3A_395 = tpu.vector_load %arg18[%get3A_393, %get3A_394] {strides = array<i32>} : memref<128x64xf32, #tpu.memory_space<vmem>>, vector<16xf32>,
                  %get3A_396 = arith.index_cast %scan3A_372 : i32 to index
                  %get3A_397 = arith.constant 32 : index
                  %get3A_398 = tpu.vector_load %arg17[%get3A_396, %get3A_397] {strides = array<i32>} : memref<128x64xf32, #tpu.memory_space<vmem>>, vector<16xf32>,
                  %mul3A_399 = arith.mulf %get3A_395, %get3A_398 : vector<16xf32>
                  %swap3A_400 = arith.index_cast %scan3A_372 : i32 to index
                  %swap3A_401 = arith.constant 32 : index
                  %swap3A_402 = tpu.vector_load %arg18[%swap3A_400, %swap3A_401] {strides = array<i32>} : memref<128x64xf32, #tpu.memory_space<vmem>>, vector<16xf32>,
                  tpu.vector_store %arg18[%swap3A_400, %swap3A_401], %mul3A_399 {strides = array<i32>} : memref<128x64xf32, #tpu.memory_space<vmem>>, vector<16xf32>,
                  %get3A_403 = arith.index_cast %scan3A_372 : i32 to index
                  %get3A_404 = arith.constant 48 : index
                  %get3A_405 = tpu.vector_load %arg18[%get3A_403, %get3A_404] {strides = array<i32>} : memref<128x64xf32, #tpu.memory_space<vmem>>, vector<16xf32>,
                  %get3A_406 = arith.index_cast %scan3A_372 : i32 to index
                  %get3A_407 = arith.constant 48 : index
                  %get3A_408 = tpu.vector_load %arg17[%get3A_406, %get3A_407] {strides = array<i32>} : memref<128x64xf32, #tpu.memory_space<vmem>>, vector<16xf32>,
                  %mul3A_409 = arith.mulf %get3A_405, %get3A_408 : vector<16xf32>
                  %swap3A_410 = arith.index_cast %scan3A_372 : i32 to index
                  %swap3A_411 = arith.constant 48 : index
                  %swap3A_412 = tpu.vector_load %arg18[%swap3A_410, %swap3A_411] {strides = array<i32>} : memref<128x64xf32, #tpu.memory_space<vmem>>, vector<16xf32>,
                  tpu.vector_store %arg18[%swap3A_410, %swap3A_411], %mul3A_409 {strides = array<i32>} : memref<128x64xf32, #tpu.memory_space<vmem>>, vector<16xf32>,
                }
                %scan3A_371 = arith.constant 128 : i32
                "tpu.region"() ({
                  %run_scoped3A = tpu.sem_alloc : memref<!tpu.dma_semaphore, #tpu.memory_space<semaphore_mem>>
                  %dma_start3A_372 = arith.constant 0 : i32
                  %dma_start3A_373 = arith.constant 0 : i32
                  %dma_start3A_374 = tpu.memref_slice %arg20[%dma_start3A_372, %dma_start3A_373] : memref<22920x64xf32, #tpu.memory_space<vmem_shared>> -> memref<22920x64xf32, #tpu.memory_space<vmem_shared>>
                  tpu.enqueue_indirect_dma source(%arg18 : memref<128x64xf32, #tpu.memory_space<vmem>>) target(%dma_start3A_374 : memref<22920x64xf32, #tpu.memory_space<vmem_shared>>) offsets(%arg16 : memref<128xi32, #tpu.memory_space<vmem>>) semaphore(%run_scoped3A : memref<!tpu.dma_semaphore, #tpu.memory_space<semaphore_mem>>) {add = true}
                  %dma_wait3A_375 = arith.constant 0 : i32
                  %dma_wait3A_376 = arith.constant 0 : i32
                  %dma_wait3A_377 = tpu.memref_slice %arg20[%dma_wait3A_375, %dma_wait3A_376] : memref<22920x64xf32, #tpu.memory_space<vmem_shared>> -> memref<22920x64xf32, #tpu.memory_space<vmem_shared>>
                  tpu.wait_indirect_dma semaphore(%run_scoped3A : memref<!tpu.dma_semaphore, #tpu.memory_space<semaphore_mem>>) src(%arg18 : memref<128x64xf32, #tpu.memory_space<vmem>>) dst(%dma_wait3A_377 : memref<22920x64xf32, #tpu.memory_space<vmem_shared>>)
                  tpu.yield
                }) : () -> ()
              } else {
              }
              %get3A_208 = arith.constant 0 : index
              %get3A_209 = tpu.vector_load %arg11[%get3A_208] {strides = array<i32>} : memref<128xi32, #tpu.memory_space<vmem>>, vector<16xi32>,
              %swap3A_210 = arith.constant 0 : index
              %swap3A_211 = tpu.vector_load %arg14[%swap3A_210] {strides = array<i32>} : memref<128xi32, #tpu.memory_space<vmem>>, vector<16xi32>,
              tpu.vector_store %arg14[%swap3A_210], %get3A_209 {strides = array<i32>} : memref<128xi32, #tpu.memory_space<vmem>>, vector<16xi32>,
              %get3A_212 = arith.constant 0 : index
              %get3A_213 = tpu.vector_load %arg12[%get3A_212] {strides = array<i32>} : memref<128xi32, #tpu.memory_space<vmem>>, vector<16xi32>,
              %swap3A_214 = arith.constant 0 : index
              %swap3A_215 = tpu.vector_load %arg15[%swap3A_214] {strides = array<i32>} : memref<128xi32, #tpu.memory_space<vmem>>, vector<16xi32>,
              tpu.vector_store %arg15[%swap3A_214], %get3A_213 {strides = array<i32>} : memref<128xi32, #tpu.memory_space<vmem>>, vector<16xi32>,
              %get3A_216 = arith.constant 0 : index
              %get3A_217 = tpu.vector_load %arg13[%get3A_216] {strides = array<i32>} : memref<128xi32, #tpu.memory_space<vmem>>, vector<16xi32>,
              %swap3A_218 = arith.constant 0 : index
              %swap3A_219 = tpu.vector_load %arg16[%swap3A_218] {strides = array<i32>} : memref<128xi32, #tpu.memory_space<vmem>>, vector<16xi32>,
              tpu.vector_store %arg16[%swap3A_218], %get3A_217 {strides = array<i32>} : memref<128xi32, #tpu.memory_space<vmem>>, vector<16xi32>,
              %get3A_220 = arith.constant 16 : index
              %get3A_221 = tpu.vector_load %arg11[%get3A_220] {strides = array<i32>} : memref<128xi32, #tpu.memory_space<vmem>>, vector<16xi32>,
              %swap3A_222 = arith.constant 16 : index
              %swap3A_223 = tpu.vector_load %arg14[%swap3A_222] {strides = array<i32>} : memref<128xi32, #tpu.memory_space<vmem>>, vector<16xi32>,
              tpu.vector_store %arg14[%swap3A_222], %get3A_221 {strides = array<i32>} : memref<128xi32, #tpu.memory_space<vmem>>, vector<16xi32>,
              %get3A_224 = arith.constant 16 : index
              %get3A_225 = tpu.vector_load %arg12[%get3A_224] {strides = array<i32>} : memref<128xi32, #tpu.memory_space<vmem>>, vector<16xi32>,
              %swap3A_226 = arith.constant 16 : index
              %swap3A_227 = tpu.vector_load %arg15[%swap3A_226] {strides = array<i32>} : memref<128xi32, #tpu.memory_space<vmem>>, vector<16xi32>,
              tpu.vector_store %arg15[%swap3A_226], %get3A_225 {strides = array<i32>} : memref<128xi32, #tpu.memory_space<vmem>>, vector<16xi32>,
              %get3A_228 = arith.constant 16 : index
              %get3A_229 = tpu.vector_load %arg13[%get3A_228] {strides = array<i32>} : memref<128xi32, #tpu.memory_space<vmem>>, vector<16xi32>,
              %swap3A_230 = arith.constant 16 : index
              %swap3A_231 = tpu.vector_load %arg16[%swap3A_230] {strides = array<i32>} : memref<128xi32, #tpu.memory_space<vmem>>, vector<16xi32>,
              tpu.vector_store %arg16[%swap3A_230], %get3A_229 {strides = array<i32>} : memref<128xi32, #tpu.memory_space<vmem>>, vector<16xi32>,
              %get3A_232 = arith.constant 32 : index
              %get3A_233 = tpu.vector_load %arg11[%get3A_232] {strides = array<i32>} : memref<128xi32, #tpu.memory_space<vmem>>, vector<16xi32>,
              %swap3A_234 = arith.constant 32 : index
              %swap3A_235 = tpu.vector_load %arg14[%swap3A_234] {strides = array<i32>} : memref<128xi32, #tpu.memory_space<vmem>>, vector<16xi32>,
              tpu.vector_store %arg14[%swap3A_234], %get3A_233 {strides = array<i32>} : memref<128xi32, #tpu.memory_space<vmem>>, vector<16xi32>,
              %get3A_236 = arith.constant 32 : index
              %get3A_237 = tpu.vector_load %arg12[%get3A_236] {strides = array<i32>} : memref<128xi32, #tpu.memory_space<vmem>>, vector<16xi32>,
              %swap3A_238 = arith.constant 32 : index
              %swap3A_239 = tpu.vector_load %arg15[%swap3A_238] {strides = array<i32>} : memref<128xi32, #tpu.memory_space<vmem>>, vector<16xi32>,
              tpu.vector_store %arg15[%swap3A_238], %get3A_237 {strides = array<i32>} : memref<128xi32, #tpu.memory_space<vmem>>, vector<16xi32>,
              %get3A_240 = arith.constant 32 : index
              %get3A_241 = tpu.vector_load %arg13[%get3A_240] {strides = array<i32>} : memref<128xi32, #tpu.memory_space<vmem>>, vector<16xi32>,
              %swap3A_242 = arith.constant 32 : index
              %swap3A_243 = tpu.vector_load %arg16[%swap3A_242] {strides = array<i32>} : memref<128xi32, #tpu.memory_space<vmem>>, vector<16xi32>,
              tpu.vector_store %arg16[%swap3A_242], %get3A_241 {strides = array<i32>} : memref<128xi32, #tpu.memory_space<vmem>>, vector<16xi32>,
              %get3A_244 = arith.constant 48 : index
              %get3A_245 = tpu.vector_load %arg11[%get3A_244] {strides = array<i32>} : memref<128xi32, #tpu.memory_space<vmem>>, vector<16xi32>,
              %swap3A_246 = arith.constant 48 : index
              %swap3A_247 = tpu.vector_load %arg14[%swap3A_246] {strides = array<i32>} : memref<128xi32, #tpu.memory_space<vmem>>, vector<16xi32>,
              tpu.vector_store %arg14[%swap3A_246], %get3A_245 {strides = array<i32>} : memref<128xi32, #tpu.memory_space<vmem>>, vector<16xi32>,
              %get3A_248 = arith.constant 48 : index
              %get3A_249 = tpu.vector_load %arg12[%get3A_248] {strides = array<i32>} : memref<128xi32, #tpu.memory_space<vmem>>, vector<16xi32>,
              %swap3A_250 = arith.constant 48 : index
              %swap3A_251 = tpu.vector_load %arg15[%swap3A_250] {strides = array<i32>} : memref<128xi32, #tpu.memory_space<vmem>>, vector<16xi32>,
              tpu.vector_store %arg15[%swap3A_250], %get3A_249 {strides = array<i32>} : memref<128xi32, #tpu.memory_space<vmem>>, vector<16xi32>,
              %get3A_252 = arith.constant 48 : index
              %get3A_253 = tpu.vector_load %arg13[%get3A_252] {strides = array<i32>} : memref<128xi32, #tpu.memory_space<vmem>>, vector<16xi32>,
              %swap3A_254 = arith.constant 48 : index
              %swap3A_255 = tpu.vector_load %arg16[%swap3A_254] {strides = array<i32>} : memref<128xi32, #tpu.memory_space<vmem>>, vector<16xi32>,
              tpu.vector_store %arg16[%swap3A_254], %get3A_253 {strides = array<i32>} : memref<128xi32, #tpu.memory_space<vmem>>, vector<16xi32>,
              %get3A_256 = arith.constant 64 : index
              %get3A_257 = tpu.vector_load %arg11[%get3A_256] {strides = array<i32>} : memref<128xi32, #tpu.memory_space<vmem>>, vector<16xi32>,
              %swap3A_258 = arith.constant 64 : index
              %swap3A_259 = tpu.vector_load %arg14[%swap3A_258] {strides = array<i32>} : memref<128xi32, #tpu.memory_space<vmem>>, vector<16xi32>,
              tpu.vector_store %arg14[%swap3A_258], %get3A_257 {strides = array<i32>} : memref<128xi32, #tpu.memory_space<vmem>>, vector<16xi32>,
              %get3A_260 = arith.constant 64 : index
              %get3A_261 = tpu.vector_load %arg12[%get3A_260] {strides = array<i32>} : memref<128xi32, #tpu.memory_space<vmem>>, vector<16xi32>,
              %swap3A_262 = arith.constant 64 : index
              %swap3A_263 = tpu.vector_load %arg15[%swap3A_262] {strides = array<i32>} : memref<128xi32, #tpu.memory_space<vmem>>, vector<16xi32>,
              tpu.vector_store %arg15[%swap3A_262], %get3A_261 {strides = array<i32>} : memref<128xi32, #tpu.memory_space<vmem>>, vector<16xi32>,
              %get3A_264 = arith.constant 64 : index
              %get3A_265 = tpu.vector_load %arg13[%get3A_264] {strides = array<i32>} : memref<128xi32, #tpu.memory_space<vmem>>, vector<16xi32>,
              %swap3A_266 = arith.constant 64 : index
              %swap3A_267 = tpu.vector_load %arg16[%swap3A_266] {strides = array<i32>} : memref<128xi32, #tpu.memory_space<vmem>>, vector<16xi32>,
              tpu.vector_store %arg16[%swap3A_266], %get3A_265 {strides = array<i32>} : memref<128xi32, #tpu.memory_space<vmem>>, vector<16xi32>,
              %get3A_268 = arith.constant 80 : index
              %get3A_269 = tpu.vector_load %arg11[%get3A_268] {strides = array<i32>} : memref<128xi32, #tpu.memory_space<vmem>>, vector<16xi32>,
              %swap3A_270 = arith.constant 80 : index
              %swap3A_271 = tpu.vector_load %arg14[%swap3A_270] {strides = array<i32>} : memref<128xi32, #tpu.memory_space<vmem>>, vector<16xi32>,
              tpu.vector_store %arg14[%swap3A_270], %get3A_269 {strides = array<i32>} : memref<128xi32, #tpu.memory_space<vmem>>, vector<16xi32>,
              %get3A_272 = arith.constant 80 : index
              %get3A_273 = tpu.vector_load %arg12[%get3A_272] {strides = array<i32>} : memref<128xi32, #tpu.memory_space<vmem>>, vector<16xi32>,
              %swap3A_274 = arith.constant 80 : index
              %swap3A_275 = tpu.vector_load %arg15[%swap3A_274] {strides = array<i32>} : memref<128xi32, #tpu.memory_space<vmem>>, vector<16xi32>,
              tpu.vector_store %arg15[%swap3A_274], %get3A_273 {strides = array<i32>} : memref<128xi32, #tpu.memory_space<vmem>>, vector<16xi32>,
              %get3A_276 = arith.constant 80 : index
              %get3A_277 = tpu.vector_load %arg13[%get3A_276] {strides = array<i32>} : memref<128xi32, #tpu.memory_space<vmem>>, vector<16xi32>,
              %swap3A_278 = arith.constant 80 : index
              %swap3A_279 = tpu.vector_load %arg16[%swap3A_278] {strides = array<i32>} : memref<128xi32, #tpu.memory_space<vmem>>, vector<16xi32>,
              tpu.vector_store %arg16[%swap3A_278], %get3A_277 {strides = array<i32>} : memref<128xi32, #tpu.memory_space<vmem>>, vector<16xi32>,
              %get3A_280 = arith.constant 96 : index
              %get3A_281 = tpu.vector_load %arg11[%get3A_280] {strides = array<i32>} : memref<128xi32, #tpu.memory_space<vmem>>, vector<16xi32>,
              %swap3A_282 = arith.constant 96 : index
              %swap3A_283 = tpu.vector_load %arg14[%swap3A_282] {strides = array<i32>} : memref<128xi32, #tpu.memory_space<vmem>>, vector<16xi32>,
              tpu.vector_store %arg14[%swap3A_282], %get3A_281 {strides = array<i32>} : memref<128xi32, #tpu.memory_space<vmem>>, vector<16xi32>,
              %get3A_284 = arith.constant 96 : index
              %get3A_285 = tpu.vector_load %arg12[%get3A_284] {strides = array<i32>} : memref<128xi32, #tpu.memory_space<vmem>>, vector<16xi32>,
              %swap3A_286 = arith.constant 96 : index
              %swap3A_287 = tpu.vector_load %arg15[%swap3A_286] {strides = array<i32>} : memref<128xi32, #tpu.memory_space<vmem>>, vector<16xi32>,
              tpu.vector_store %arg15[%swap3A_286], %get3A_285 {strides = array<i32>} : memref<128xi32, #tpu.memory_space<vmem>>, vector<16xi32>,
              %get3A_288 = arith.constant 96 : index
              %get3A_289 = tpu.vector_load %arg13[%get3A_288] {strides = array<i32>} : memref<128xi32, #tpu.memory_space<vmem>>, vector<16xi32>,
              %swap3A_290 = arith.constant 96 : index
              %swap3A_291 = tpu.vector_load %arg16[%swap3A_290] {strides = array<i32>} : memref<128xi32, #tpu.memory_space<vmem>>, vector<16xi32>,
              tpu.vector_store %arg16[%swap3A_290], %get3A_289 {strides = array<i32>} : memref<128xi32, #tpu.memory_space<vmem>>, vector<16xi32>,
              %get3A_292 = arith.constant 112 : index
              %get3A_293 = tpu.vector_load %arg11[%get3A_292] {strides = array<i32>} : memref<128xi32, #tpu.memory_space<vmem>>, vector<16xi32>,
              %swap3A_294 = arith.constant 112 : index
              %swap3A_295 = tpu.vector_load %arg14[%swap3A_294] {strides = array<i32>} : memref<128xi32, #tpu.memory_space<vmem>>, vector<16xi32>,
              tpu.vector_store %arg14[%swap3A_294], %get3A_293 {strides = array<i32>} : memref<128xi32, #tpu.memory_space<vmem>>, vector<16xi32>,
              %get3A_296 = arith.constant 112 : index
              %get3A_297 = tpu.vector_load %arg12[%get3A_296] {strides = array<i32>} : memref<128xi32, #tpu.memory_space<vmem>>, vector<16xi32>,
              %swap3A_298 = arith.constant 112 : index
              %swap3A_299 = tpu.vector_load %arg15[%swap3A_298] {strides = array<i32>} : memref<128xi32, #tpu.memory_space<vmem>>, vector<16xi32>,
              tpu.vector_store %arg15[%swap3A_298], %get3A_297 {strides = array<i32>} : memref<128xi32, #tpu.memory_space<vmem>>, vector<16xi32>,
              %get3A_300 = arith.constant 112 : index
              %get3A_301 = tpu.vector_load %arg13[%get3A_300] {strides = array<i32>} : memref<128xi32, #tpu.memory_space<vmem>>, vector<16xi32>,
              %swap3A_302 = arith.constant 112 : index
              %swap3A_303 = tpu.vector_load %arg16[%swap3A_302] {strides = array<i32>} : memref<128xi32, #tpu.memory_space<vmem>>, vector<16xi32>,
              tpu.vector_store %arg16[%swap3A_302], %get3A_301 {strides = array<i32>} : memref<128xi32, #tpu.memory_space<vmem>>, vector<16xi32>,
              %dma_start3A_304 = arith.constant 0 : i32
              %dma_start3A_305 = arith.constant 0 : i32
              %dma_start3A_306 = tpu.memref_slice %arg4[%dma_start3A_304, %dma_start3A_305] : memref<320000x64xf32, #tpu.memory_space<hbm>> -> memref<320000x64xf32, #tpu.memory_space<hbm>>
              tpu.enqueue_indirect_dma source(%dma_start3A_306 : memref<320000x64xf32, #tpu.memory_space<hbm>>) target(%arg17 : memref<128x64xf32, #tpu.memory_space<vmem>>) offsets(%arg14 : memref<128xi32, #tpu.memory_space<vmem>>) semaphore(%arg21 : memref<!tpu.dma_semaphore, #tpu.memory_space<semaphore_mem>>)
              %dma_start3A_307 = arith.constant 0 : i32
              %dma_start3A_308 = arith.constant 0 : i32
              %dma_start3A_309 = tpu.memref_slice %arg5[%dma_start3A_307, %dma_start3A_308] : memref<1280000x64xf32, #tpu.memory_space<hbm>> -> memref<1280000x64xf32, #tpu.memory_space<hbm>>
              tpu.enqueue_indirect_dma source(%dma_start3A_309 : memref<1280000x64xf32, #tpu.memory_space<hbm>>) target(%arg18 : memref<128x64xf32, #tpu.memory_space<vmem>>) offsets(%arg15 : memref<128xi32, #tpu.memory_space<vmem>>) semaphore(%arg22 : memref<!tpu.dma_semaphore, #tpu.memory_space<semaphore_mem>>)
              %swap3A_310 = arith.constant 0 : index
              %swap3A_311 = tpu.vector_load %arg11[%swap3A_310] {strides = array<i32>} : memref<128xi32, #tpu.memory_space<vmem>>, vector<16xi32>,
              tpu.vector_store %arg11[%swap3A_310], %broadcast_in_dim3A_2 {strides = array<i32>} : memref<128xi32, #tpu.memory_space<vmem>>, vector<16xi32>,
              %swap3A_312 = arith.constant 0 : index
              %swap3A_313 = tpu.vector_load %arg12[%swap3A_312] {strides = array<i32>} : memref<128xi32, #tpu.memory_space<vmem>>, vector<16xi32>,
              tpu.vector_store %arg12[%swap3A_312], %broadcast_in_dim3A_2 {strides = array<i32>} : memref<128xi32, #tpu.memory_space<vmem>>, vector<16xi32>,
              %swap3A_314 = arith.constant 0 : index
              %swap3A_315 = tpu.vector_load %arg13[%swap3A_314] {strides = array<i32>} : memref<128xi32, #tpu.memory_space<vmem>>, vector<16xi32>,
              tpu.vector_store %arg13[%swap3A_314], %broadcast_in_dim3A_4 {strides = array<i32>} : memref<128xi32, #tpu.memory_space<vmem>>, vector<16xi32>,
              %swap3A_316 = arith.constant 16 : index
              %swap3A_317 = tpu.vector_load %arg11[%swap3A_316] {strides = array<i32>} : memref<128xi32, #tpu.memory_space<vmem>>, vector<16xi32>,
              tpu.vector_store %arg11[%swap3A_316], %broadcast_in_dim3A_2 {strides = array<i32>} : memref<128xi32, #tpu.memory_space<vmem>>, vector<16xi32>,
              %swap3A_318 = arith.constant 16 : index
              %swap3A_319 = tpu.vector_load %arg12[%swap3A_318] {strides = array<i32>} : memref<128xi32, #tpu.memory_space<vmem>>, vector<16xi32>,
              tpu.vector_store %arg12[%swap3A_318], %broadcast_in_dim3A_2 {strides = array<i32>} : memref<128xi32, #tpu.memory_space<vmem>>, vector<16xi32>,
              %swap3A_320 = arith.constant 16 : index
              %swap3A_321 = tpu.vector_load %arg13[%swap3A_320] {strides = array<i32>} : memref<128xi32, #tpu.memory_space<vmem>>, vector<16xi32>,
              tpu.vector_store %arg13[%swap3A_320], %broadcast_in_dim3A_4 {strides = array<i32>} : memref<128xi32, #tpu.memory_space<vmem>>, vector<16xi32>,
              %swap3A_322 = arith.constant 32 : index
              %swap3A_323 = tpu.vector_load %arg11[%swap3A_322] {strides = array<i32>} : memref<128xi32, #tpu.memory_space<vmem>>, vector<16xi32>,
              tpu.vector_store %arg11[%swap3A_322], %broadcast_in_dim3A_2 {strides = array<i32>} : memref<128xi32, #tpu.memory_space<vmem>>, vector<16xi32>,
              %swap3A_324 = arith.constant 32 : index
              %swap3A_325 = tpu.vector_load %arg12[%swap3A_324] {strides = array<i32>} : memref<128xi32, #tpu.memory_space<vmem>>, vector<16xi32>,
              tpu.vector_store %arg12[%swap3A_324], %broadcast_in_dim3A_2 {strides = array<i32>} : memref<128xi32, #tpu.memory_space<vmem>>, vector<16xi32>,
              %swap3A_326 = arith.constant 32 : index
              %swap3A_327 = tpu.vector_load %arg13[%swap3A_326] {strides = array<i32>} : memref<128xi32, #tpu.memory_space<vmem>>, vector<16xi32>,
              tpu.vector_store %arg13[%swap3A_326], %broadcast_in_dim3A_4 {strides = array<i32>} : memref<128xi32, #tpu.memory_space<vmem>>, vector<16xi32>,
              %swap3A_328 = arith.constant 48 : index
              %swap3A_329 = tpu.vector_load %arg11[%swap3A_328] {strides = array<i32>} : memref<128xi32, #tpu.memory_space<vmem>>, vector<16xi32>,
              tpu.vector_store %arg11[%swap3A_328], %broadcast_in_dim3A_2 {strides = array<i32>} : memref<128xi32, #tpu.memory_space<vmem>>, vector<16xi32>,
              %swap3A_330 = arith.constant 48 : index
              %swap3A_331 = tpu.vector_load %arg12[%swap3A_330] {strides = array<i32>} : memref<128xi32, #tpu.memory_space<vmem>>, vector<16xi32>,
              tpu.vector_store %arg12[%swap3A_330], %broadcast_in_dim3A_2 {strides = array<i32>} : memref<128xi32, #tpu.memory_space<vmem>>, vector<16xi32>,
              %swap3A_332 = arith.constant 48 : index
              %swap3A_333 = tpu.vector_load %arg13[%swap3A_332] {strides = array<i32>} : memref<128xi32, #tpu.memory_space<vmem>>, vector<16xi32>,
              tpu.vector_store %arg13[%swap3A_332], %broadcast_in_dim3A_4 {strides = array<i32>} : memref<128xi32, #tpu.memory_space<vmem>>, vector<16xi32>,
              %swap3A_334 = arith.constant 64 : index
              %swap3A_335 = tpu.vector_load %arg11[%swap3A_334] {strides = array<i32>} : memref<128xi32, #tpu.memory_space<vmem>>, vector<16xi32>,
              tpu.vector_store %arg11[%swap3A_334], %broadcast_in_dim3A_2 {strides = array<i32>} : memref<128xi32, #tpu.memory_space<vmem>>, vector<16xi32>,
              %swap3A_336 = arith.constant 64 : index
              %swap3A_337 = tpu.vector_load %arg12[%swap3A_336] {strides = array<i32>} : memref<128xi32, #tpu.memory_space<vmem>>, vector<16xi32>,
              tpu.vector_store %arg12[%swap3A_336], %broadcast_in_dim3A_2 {strides = array<i32>} : memref<128xi32, #tpu.memory_space<vmem>>, vector<16xi32>,
              %swap3A_338 = arith.constant 64 : index
              %swap3A_339 = tpu.vector_load %arg13[%swap3A_338] {strides = array<i32>} : memref<128xi32, #tpu.memory_space<vmem>>, vector<16xi32>,
              tpu.vector_store %arg13[%swap3A_338], %broadcast_in_dim3A_4 {strides = array<i32>} : memref<128xi32, #tpu.memory_space<vmem>>, vector<16xi32>,
              %swap3A_340 = arith.constant 80 : index
              %swap3A_341 = tpu.vector_load %arg11[%swap3A_340] {strides = array<i32>} : memref<128xi32, #tpu.memory_space<vmem>>, vector<16xi32>,
              tpu.vector_store %arg11[%swap3A_340], %broadcast_in_dim3A_2 {strides = array<i32>} : memref<128xi32, #tpu.memory_space<vmem>>, vector<16xi32>,
              %swap3A_342 = arith.constant 80 : index
              %swap3A_343 = tpu.vector_load %arg12[%swap3A_342] {strides = array<i32>} : memref<128xi32, #tpu.memory_space<vmem>>, vector<16xi32>,
              tpu.vector_store %arg12[%swap3A_342], %broadcast_in_dim3A_2 {strides = array<i32>} : memref<128xi32, #tpu.memory_space<vmem>>, vector<16xi32>,
              %swap3A_344 = arith.constant 80 : index
              %swap3A_345 = tpu.vector_load %arg13[%swap3A_344] {strides = array<i32>} : memref<128xi32, #tpu.memory_space<vmem>>, vector<16xi32>,
              tpu.vector_store %arg13[%swap3A_344], %broadcast_in_dim3A_4 {strides = array<i32>} : memref<128xi32, #tpu.memory_space<vmem>>, vector<16xi32>,
              %swap3A_346 = arith.constant 96 : index
              %swap3A_347 = tpu.vector_load %arg11[%swap3A_346] {strides = array<i32>} : memref<128xi32, #tpu.memory_space<vmem>>, vector<16xi32>,
              tpu.vector_store %arg11[%swap3A_346], %broadcast_in_dim3A_2 {strides = array<i32>} : memref<128xi32, #tpu.memory_space<vmem>>, vector<16xi32>,
              %swap3A_348 = arith.constant 96 : index
              %swap3A_349 = tpu.vector_load %arg12[%swap3A_348] {strides = array<i32>} : memref<128xi32, #tpu.memory_space<vmem>>, vector<16xi32>,
              tpu.vector_store %arg12[%swap3A_348], %broadcast_in_dim3A_2 {strides = array<i32>} : memref<128xi32, #tpu.memory_space<vmem>>, vector<16xi32>,
              %swap3A_350 = arith.constant 96 : index
              %swap3A_351 = tpu.vector_load %arg13[%swap3A_350] {strides = array<i32>} : memref<128xi32, #tpu.memory_space<vmem>>, vector<16xi32>,
              tpu.vector_store %arg13[%swap3A_350], %broadcast_in_dim3A_4 {strides = array<i32>} : memref<128xi32, #tpu.memory_space<vmem>>, vector<16xi32>,
              %swap3A_352 = arith.constant 112 : index
              %swap3A_353 = tpu.vector_load %arg11[%swap3A_352] {strides = array<i32>} : memref<128xi32, #tpu.memory_space<vmem>>, vector<16xi32>,
              tpu.vector_store %arg11[%swap3A_352], %broadcast_in_dim3A_2 {strides = array<i32>} : memref<128xi32, #tpu.memory_space<vmem>>, vector<16xi32>,
              %swap3A_354 = arith.constant 112 : index
              %swap3A_355 = tpu.vector_load %arg12[%swap3A_354] {strides = array<i32>} : memref<128xi32, #tpu.memory_space<vmem>>, vector<16xi32>,
              tpu.vector_store %arg12[%swap3A_354], %broadcast_in_dim3A_2 {strides = array<i32>} : memref<128xi32, #tpu.memory_space<vmem>>, vector<16xi32>,
              %swap3A_356 = arith.constant 112 : index
              %swap3A_357 = tpu.vector_load %arg13[%swap3A_356] {strides = array<i32>} : memref<128xi32, #tpu.memory_space<vmem>>, vector<16xi32>,
              tpu.vector_store %arg13[%swap3A_356], %broadcast_in_dim3A_4 {strides = array<i32>} : memref<128xi32, #tpu.memory_space<vmem>>, vector<16xi32>,
              %cond3A_358 = arith.constant 0 : i32
              %cond3A_359 = arith.constant 1 : i32
              scf.yield %cond3A_358, %cond3A_359 : i32, i32
            } else {
              scf.yield %add3A_196, %scan3A_164 : i32, i32
            }
            scf.yield %cond3A_202#0, %cond3A_202#1 : i32, i32
          }
          %scan3A_161 = arith.constant 50 : i32
          scf.yield %scan3A_160#0, %scan3A_160#1 : i32, i32
        }
        %scan3A_107 = arith.constant 50 : i32
        %gt3A = arith.constant 0 : i32
        %gt3A_108 = arith.cmpi sgt, %scan3A_106#0, %gt3A : i32
        %convert_element_type3A_109 = arith.extui %gt3A_108 : i1 to i32
        %cond3A_110 = arith.constant 0 : i32
        %cond3A_111 = arith.cmpi ne, %convert_element_type3A_109, %cond3A_110 : i32
        %cond3A_112:2 = scf.if %cond3A_111 -> (i32, i32) {
          %eq3A_120 = arith.constant 1 : i32
          %eq3A_121 = arith.cmpi eq, %scan3A_106#1, %eq3A_120 : i32
          %convert_element_type3A_122 = arith.extui %eq3A_121 : i1 to i32
          %cond3A_123 = arith.constant 0 : i32
          %cond3A_124 = arith.cmpi ne, %convert_element_type3A_122, %cond3A_123 : i32
          scf.if %cond3A_124 {
            %dma_wait3A = arith.constant 0 : i32
            %dma_wait3A_276 = arith.constant 0 : i32
            %dma_wait3A_277 = tpu.memref_slice %arg4[%dma_wait3A, %dma_wait3A_276] : memref<320000x64xf32, #tpu.memory_space<hbm>> -> memref<320000x64xf32, #tpu.memory_space<hbm>>
            tpu.wait_indirect_dma semaphore(%arg21 : memref<!tpu.dma_semaphore, #tpu.memory_space<semaphore_mem>>) src(%dma_wait3A_277 : memref<320000x64xf32, #tpu.memory_space<hbm>>) dst(%arg17 : memref<128x64xf32, #tpu.memory_space<vmem>>)
            %dma_wait3A_278 = arith.constant 0 : i32
            %dma_wait3A_279 = arith.constant 0 : i32
            %dma_wait3A_280 = tpu.memref_slice %arg5[%dma_wait3A_278, %dma_wait3A_279] : memref<1280000x64xf32, #tpu.memory_space<hbm>> -> memref<1280000x64xf32, #tpu.memory_space<hbm>>
            tpu.wait_indirect_dma semaphore(%arg22 : memref<!tpu.dma_semaphore, #tpu.memory_space<semaphore_mem>>) src(%dma_wait3A_280 : memref<1280000x64xf32, #tpu.memory_space<hbm>>) dst(%arg18 : memref<128x64xf32, #tpu.memory_space<vmem>>)
            %scan3A_281 = arith.constant 0 : i32
            %scan3A_282 = arith.constant 0 : i32
            %scan3A_283 = arith.constant 128 : i32
            %scan3A_284 = arith.addi %scan3A_282, %scan3A_283 : i32
            %scan3A_285 = arith.constant 1 : i32
            scf.for %scan3A_287 = %scan3A_282 to %scan3A_284 step %scan3A_285  : i32 {
              %get3A_288 = arith.index_cast %scan3A_287 : i32 to index
              %get3A_289 = arith.constant 0 : index
              %get3A_290 = tpu.vector_load %arg18[%get3A_288, %get3A_289] {strides = array<i32>} : memref<128x64xf32, #tpu.memory_space<vmem>>, vector<16xf32>,
              %get3A_291 = arith.index_cast %scan3A_287 : i32 to index
              %get3A_292 = arith.constant 0 : index
              %get3A_293 = tpu.vector_load %arg17[%get3A_291, %get3A_292] {strides = array<i32>} : memref<128x64xf32, #tpu.memory_space<vmem>>, vector<16xf32>,
              %mul3A_294 = arith.mulf %get3A_290, %get3A_293 : vector<16xf32>
              %swap3A_295 = arith.index_cast %scan3A_287 : i32 to index
              %swap3A_296 = arith.constant 0 : index
              %swap3A_297 = tpu.vector_load %arg18[%swap3A_295, %swap3A_296] {strides = array<i32>} : memref<128x64xf32, #tpu.memory_space<vmem>>, vector<16xf32>,
              tpu.vector_store %arg18[%swap3A_295, %swap3A_296], %mul3A_294 {strides = array<i32>} : memref<128x64xf32, #tpu.memory_space<vmem>>, vector<16xf32>,
              %get3A_298 = arith.index_cast %scan3A_287 : i32 to index
              %get3A_299 = arith.constant 16 : index
              %get3A_300 = tpu.vector_load %arg18[%get3A_298, %get3A_299] {strides = array<i32>} : memref<128x64xf32, #tpu.memory_space<vmem>>, vector<16xf32>,
              %get3A_301 = arith.index_cast %scan3A_287 : i32 to index
              %get3A_302 = arith.constant 16 : index
              %get3A_303 = tpu.vector_load %arg17[%get3A_301, %get3A_302] {strides = array<i32>} : memref<128x64xf32, #tpu.memory_space<vmem>>, vector<16xf32>,
              %mul3A_304 = arith.mulf %get3A_300, %get3A_303 : vector<16xf32>
              %swap3A_305 = arith.index_cast %scan3A_287 : i32 to index
              %swap3A_306 = arith.constant 16 : index
              %swap3A_307 = tpu.vector_load %arg18[%swap3A_305, %swap3A_306] {strides = array<i32>} : memref<128x64xf32, #tpu.memory_space<vmem>>, vector<16xf32>,
              tpu.vector_store %arg18[%swap3A_305, %swap3A_306], %mul3A_304 {strides = array<i32>} : memref<128x64xf32, #tpu.memory_space<vmem>>, vector<16xf32>,
              %get3A_308 = arith.index_cast %scan3A_287 : i32 to index
              %get3A_309 = arith.constant 32 : index
              %get3A_310 = tpu.vector_load %arg18[%get3A_308, %get3A_309] {strides = array<i32>} : memref<128x64xf32, #tpu.memory_space<vmem>>, vector<16xf32>,
              %get3A_311 = arith.index_cast %scan3A_287 : i32 to index
              %get3A_312 = arith.constant 32 : index
              %get3A_313 = tpu.vector_load %arg17[%get3A_311, %get3A_312] {strides = array<i32>} : memref<128x64xf32, #tpu.memory_space<vmem>>, vector<16xf32>,
              %mul3A_314 = arith.mulf %get3A_310, %get3A_313 : vector<16xf32>
              %swap3A_315 = arith.index_cast %scan3A_287 : i32 to index
              %swap3A_316 = arith.constant 32 : index
              %swap3A_317 = tpu.vector_load %arg18[%swap3A_315, %swap3A_316] {strides = array<i32>} : memref<128x64xf32, #tpu.memory_space<vmem>>, vector<16xf32>,
              tpu.vector_store %arg18[%swap3A_315, %swap3A_316], %mul3A_314 {strides = array<i32>} : memref<128x64xf32, #tpu.memory_space<vmem>>, vector<16xf32>,
              %get3A_318 = arith.index_cast %scan3A_287 : i32 to index
              %get3A_319 = arith.constant 48 : index
              %get3A_320 = tpu.vector_load %arg18[%get3A_318, %get3A_319] {strides = array<i32>} : memref<128x64xf32, #tpu.memory_space<vmem>>, vector<16xf32>,
              %get3A_321 = arith.index_cast %scan3A_287 : i32 to index
              %get3A_322 = arith.constant 48 : index
              %get3A_323 = tpu.vector_load %arg17[%get3A_321, %get3A_322] {strides = array<i32>} : memref<128x64xf32, #tpu.memory_space<vmem>>, vector<16xf32>,
              %mul3A_324 = arith.mulf %get3A_320, %get3A_323 : vector<16xf32>
              %swap3A_325 = arith.index_cast %scan3A_287 : i32 to index
              %swap3A_326 = arith.constant 48 : index
              %swap3A_327 = tpu.vector_load %arg18[%swap3A_325, %swap3A_326] {strides = array<i32>} : memref<128x64xf32, #tpu.memory_space<vmem>>, vector<16xf32>,
              tpu.vector_store %arg18[%swap3A_325, %swap3A_326], %mul3A_324 {strides = array<i32>} : memref<128x64xf32, #tpu.memory_space<vmem>>, vector<16xf32>,
            }
            %scan3A_286 = arith.constant 128 : i32
            "tpu.region"() ({
              %run_scoped3A = tpu.sem_alloc : memref<!tpu.dma_semaphore, #tpu.memory_space<semaphore_mem>>
              %dma_start3A_287 = arith.constant 0 : i32
              %dma_start3A_288 = arith.constant 0 : i32
              %dma_start3A_289 = tpu.memref_slice %arg20[%dma_start3A_287, %dma_start3A_288] : memref<22920x64xf32, #tpu.memory_space<vmem_shared>> -> memref<22920x64xf32, #tpu.memory_space<vmem_shared>>
              tpu.enqueue_indirect_dma source(%arg18 : memref<128x64xf32, #tpu.memory_space<vmem>>) target(%dma_start3A_289 : memref<22920x64xf32, #tpu.memory_space<vmem_shared>>) offsets(%arg16 : memref<128xi32, #tpu.memory_space<vmem>>) semaphore(%run_scoped3A : memref<!tpu.dma_semaphore, #tpu.memory_space<semaphore_mem>>) {add = true}
              %dma_wait3A_290 = arith.constant 0 : i32
              %dma_wait3A_291 = arith.constant 0 : i32
              %dma_wait3A_292 = tpu.memref_slice %arg20[%dma_wait3A_290, %dma_wait3A_291] : memref<22920x64xf32, #tpu.memory_space<vmem_shared>> -> memref<22920x64xf32, #tpu.memory_space<vmem_shared>>
              tpu.wait_indirect_dma semaphore(%run_scoped3A : memref<!tpu.dma_semaphore, #tpu.memory_space<semaphore_mem>>) src(%arg18 : memref<128x64xf32, #tpu.memory_space<vmem>>) dst(%dma_wait3A_292 : memref<22920x64xf32, #tpu.memory_space<vmem_shared>>)
              tpu.yield
            }) : () -> ()
          } else {
          }
          %get3A = arith.constant 0 : index
          %get3A_125 = tpu.vector_load %arg11[%get3A] {strides = array<i32>} : memref<128xi32, #tpu.memory_space<vmem>>, vector<16xi32>,
          %swap3A_126 = arith.constant 0 : index
          %swap3A_127 = tpu.vector_load %arg14[%swap3A_126] {strides = array<i32>} : memref<128xi32, #tpu.memory_space<vmem>>, vector<16xi32>,
          tpu.vector_store %arg14[%swap3A_126], %get3A_125 {strides = array<i32>} : memref<128xi32, #tpu.memory_space<vmem>>, vector<16xi32>,
          %get3A_128 = arith.constant 0 : index
          %get3A_129 = tpu.vector_load %arg12[%get3A_128] {strides = array<i32>} : memref<128xi32, #tpu.memory_space<vmem>>, vector<16xi32>,
          %swap3A_130 = arith.constant 0 : index
          %swap3A_131 = tpu.vector_load %arg15[%swap3A_130] {strides = array<i32>} : memref<128xi32, #tpu.memory_space<vmem>>, vector<16xi32>,
          tpu.vector_store %arg15[%swap3A_130], %get3A_129 {strides = array<i32>} : memref<128xi32, #tpu.memory_space<vmem>>, vector<16xi32>,
          %get3A_132 = arith.constant 0 : index
          %get3A_133 = tpu.vector_load %arg13[%get3A_132] {strides = array<i32>} : memref<128xi32, #tpu.memory_space<vmem>>, vector<16xi32>,
          %swap3A_134 = arith.constant 0 : index
          %swap3A_135 = tpu.vector_load %arg16[%swap3A_134] {strides = array<i32>} : memref<128xi32, #tpu.memory_space<vmem>>, vector<16xi32>,
          tpu.vector_store %arg16[%swap3A_134], %get3A_133 {strides = array<i32>} : memref<128xi32, #tpu.memory_space<vmem>>, vector<16xi32>,
          %get3A_136 = arith.constant 16 : index
          %get3A_137 = tpu.vector_load %arg11[%get3A_136] {strides = array<i32>} : memref<128xi32, #tpu.memory_space<vmem>>, vector<16xi32>,
          %swap3A_138 = arith.constant 16 : index
          %swap3A_139 = tpu.vector_load %arg14[%swap3A_138] {strides = array<i32>} : memref<128xi32, #tpu.memory_space<vmem>>, vector<16xi32>,
          tpu.vector_store %arg14[%swap3A_138], %get3A_137 {strides = array<i32>} : memref<128xi32, #tpu.memory_space<vmem>>, vector<16xi32>,
          %get3A_140 = arith.constant 16 : index
          %get3A_141 = tpu.vector_load %arg12[%get3A_140] {strides = array<i32>} : memref<128xi32, #tpu.memory_space<vmem>>, vector<16xi32>,
          %swap3A_142 = arith.constant 16 : index
          %swap3A_143 = tpu.vector_load %arg15[%swap3A_142] {strides = array<i32>} : memref<128xi32, #tpu.memory_space<vmem>>, vector<16xi32>,
          tpu.vector_store %arg15[%swap3A_142], %get3A_141 {strides = array<i32>} : memref<128xi32, #tpu.memory_space<vmem>>, vector<16xi32>,
          %get3A_144 = arith.constant 16 : index
          %get3A_145 = tpu.vector_load %arg13[%get3A_144] {strides = array<i32>} : memref<128xi32, #tpu.memory_space<vmem>>, vector<16xi32>,
          %swap3A_146 = arith.constant 16 : index
          %swap3A_147 = tpu.vector_load %arg16[%swap3A_146] {strides = array<i32>} : memref<128xi32, #tpu.memory_space<vmem>>, vector<16xi32>,
          tpu.vector_store %arg16[%swap3A_146], %get3A_145 {strides = array<i32>} : memref<128xi32, #tpu.memory_space<vmem>>, vector<16xi32>,
          %get3A_148 = arith.constant 32 : index
          %get3A_149 = tpu.vector_load %arg11[%get3A_148] {strides = array<i32>} : memref<128xi32, #tpu.memory_space<vmem>>, vector<16xi32>,
          %swap3A_150 = arith.constant 32 : index
          %swap3A_151 = tpu.vector_load %arg14[%swap3A_150] {strides = array<i32>} : memref<128xi32, #tpu.memory_space<vmem>>, vector<16xi32>,
          tpu.vector_store %arg14[%swap3A_150], %get3A_149 {strides = array<i32>} : memref<128xi32, #tpu.memory_space<vmem>>, vector<16xi32>,
          %get3A_152 = arith.constant 32 : index
          %get3A_153 = tpu.vector_load %arg12[%get3A_152] {strides = array<i32>} : memref<128xi32, #tpu.memory_space<vmem>>, vector<16xi32>,
          %swap3A_154 = arith.constant 32 : index
          %swap3A_155 = tpu.vector_load %arg15[%swap3A_154] {strides = array<i32>} : memref<128xi32, #tpu.memory_space<vmem>>, vector<16xi32>,
          tpu.vector_store %arg15[%swap3A_154], %get3A_153 {strides = array<i32>} : memref<128xi32, #tpu.memory_space<vmem>>, vector<16xi32>,
          %get3A_156 = arith.constant 32 : index
          %get3A_157 = tpu.vector_load %arg13[%get3A_156] {strides = array<i32>} : memref<128xi32, #tpu.memory_space<vmem>>, vector<16xi32>,
          %swap3A_158 = arith.constant 32 : index
          %swap3A_159 = tpu.vector_load %arg16[%swap3A_158] {strides = array<i32>} : memref<128xi32, #tpu.memory_space<vmem>>, vector<16xi32>,
          tpu.vector_store %arg16[%swap3A_158], %get3A_157 {strides = array<i32>} : memref<128xi32, #tpu.memory_space<vmem>>, vector<16xi32>,
          %get3A_160 = arith.constant 48 : index
          %get3A_161 = tpu.vector_load %arg11[%get3A_160] {strides = array<i32>} : memref<128xi32, #tpu.memory_space<vmem>>, vector<16xi32>,
          %swap3A_162 = arith.constant 48 : index
          %swap3A_163 = tpu.vector_load %arg14[%swap3A_162] {strides = array<i32>} : memref<128xi32, #tpu.memory_space<vmem>>, vector<16xi32>,
          tpu.vector_store %arg14[%swap3A_162], %get3A_161 {strides = array<i32>} : memref<128xi32, #tpu.memory_space<vmem>>, vector<16xi32>,
          %get3A_164 = arith.constant 48 : index
          %get3A_165 = tpu.vector_load %arg12[%get3A_164] {strides = array<i32>} : memref<128xi32, #tpu.memory_space<vmem>>, vector<16xi32>,
          %swap3A_166 = arith.constant 48 : index
          %swap3A_167 = tpu.vector_load %arg15[%swap3A_166] {strides = array<i32>} : memref<128xi32, #tpu.memory_space<vmem>>, vector<16xi32>,
          tpu.vector_store %arg15[%swap3A_166], %get3A_165 {strides = array<i32>} : memref<128xi32, #tpu.memory_space<vmem>>, vector<16xi32>,
          %get3A_168 = arith.constant 48 : index
          %get3A_169 = tpu.vector_load %arg13[%get3A_168] {strides = array<i32>} : memref<128xi32, #tpu.memory_space<vmem>>, vector<16xi32>,
          %swap3A_170 = arith.constant 48 : index
          %swap3A_171 = tpu.vector_load %arg16[%swap3A_170] {strides = array<i32>} : memref<128xi32, #tpu.memory_space<vmem>>, vector<16xi32>,
          tpu.vector_store %arg16[%swap3A_170], %get3A_169 {strides = array<i32>} : memref<128xi32, #tpu.memory_space<vmem>>, vector<16xi32>,
          %get3A_172 = arith.constant 64 : index
          %get3A_173 = tpu.vector_load %arg11[%get3A_172] {strides = array<i32>} : memref<128xi32, #tpu.memory_space<vmem>>, vector<16xi32>,
          %swap3A_174 = arith.constant 64 : index
          %swap3A_175 = tpu.vector_load %arg14[%swap3A_174] {strides = array<i32>} : memref<128xi32, #tpu.memory_space<vmem>>, vector<16xi32>,
          tpu.vector_store %arg14[%swap3A_174], %get3A_173 {strides = array<i32>} : memref<128xi32, #tpu.memory_space<vmem>>, vector<16xi32>,
          %get3A_176 = arith.constant 64 : index
          %get3A_177 = tpu.vector_load %arg12[%get3A_176] {strides = array<i32>} : memref<128xi32, #tpu.memory_space<vmem>>, vector<16xi32>,
          %swap3A_178 = arith.constant 64 : index
          %swap3A_179 = tpu.vector_load %arg15[%swap3A_178] {strides = array<i32>} : memref<128xi32, #tpu.memory_space<vmem>>, vector<16xi32>,
          tpu.vector_store %arg15[%swap3A_178], %get3A_177 {strides = array<i32>} : memref<128xi32, #tpu.memory_space<vmem>>, vector<16xi32>,
          %get3A_180 = arith.constant 64 : index
          %get3A_181 = tpu.vector_load %arg13[%get3A_180] {strides = array<i32>} : memref<128xi32, #tpu.memory_space<vmem>>, vector<16xi32>,
          %swap3A_182 = arith.constant 64 : index
          %swap3A_183 = tpu.vector_load %arg16[%swap3A_182] {strides = array<i32>} : memref<128xi32, #tpu.memory_space<vmem>>, vector<16xi32>,
          tpu.vector_store %arg16[%swap3A_182], %get3A_181 {strides = array<i32>} : memref<128xi32, #tpu.memory_space<vmem>>, vector<16xi32>,
          %get3A_184 = arith.constant 80 : index
          %get3A_185 = tpu.vector_load %arg11[%get3A_184] {strides = array<i32>} : memref<128xi32, #tpu.memory_space<vmem>>, vector<16xi32>,
          %swap3A_186 = arith.constant 80 : index
          %swap3A_187 = tpu.vector_load %arg14[%swap3A_186] {strides = array<i32>} : memref<128xi32, #tpu.memory_space<vmem>>, vector<16xi32>,
          tpu.vector_store %arg14[%swap3A_186], %get3A_185 {strides = array<i32>} : memref<128xi32, #tpu.memory_space<vmem>>, vector<16xi32>,
          %get3A_188 = arith.constant 80 : index
          %get3A_189 = tpu.vector_load %arg12[%get3A_188] {strides = array<i32>} : memref<128xi32, #tpu.memory_space<vmem>>, vector<16xi32>,
          %swap3A_190 = arith.constant 80 : index
          %swap3A_191 = tpu.vector_load %arg15[%swap3A_190] {strides = array<i32>} : memref<128xi32, #tpu.memory_space<vmem>>, vector<16xi32>,
          tpu.vector_store %arg15[%swap3A_190], %get3A_189 {strides = array<i32>} : memref<128xi32, #tpu.memory_space<vmem>>, vector<16xi32>,
          %get3A_192 = arith.constant 80 : index
          %get3A_193 = tpu.vector_load %arg13[%get3A_192] {strides = array<i32>} : memref<128xi32, #tpu.memory_space<vmem>>, vector<16xi32>,
          %swap3A_194 = arith.constant 80 : index
          %swap3A_195 = tpu.vector_load %arg16[%swap3A_194] {strides = array<i32>} : memref<128xi32, #tpu.memory_space<vmem>>, vector<16xi32>,
          tpu.vector_store %arg16[%swap3A_194], %get3A_193 {strides = array<i32>} : memref<128xi32, #tpu.memory_space<vmem>>, vector<16xi32>,
          %get3A_196 = arith.constant 96 : index
          %get3A_197 = tpu.vector_load %arg11[%get3A_196] {strides = array<i32>} : memref<128xi32, #tpu.memory_space<vmem>>, vector<16xi32>,
          %swap3A_198 = arith.constant 96 : index
          %swap3A_199 = tpu.vector_load %arg14[%swap3A_198] {strides = array<i32>} : memref<128xi32, #tpu.memory_space<vmem>>, vector<16xi32>,
          tpu.vector_store %arg14[%swap3A_198], %get3A_197 {strides = array<i32>} : memref<128xi32, #tpu.memory_space<vmem>>, vector<16xi32>,
          %get3A_200 = arith.constant 96 : index
          %get3A_201 = tpu.vector_load %arg12[%get3A_200] {strides = array<i32>} : memref<128xi32, #tpu.memory_space<vmem>>, vector<16xi32>,
          %swap3A_202 = arith.constant 96 : index
          %swap3A_203 = tpu.vector_load %arg15[%swap3A_202] {strides = array<i32>} : memref<128xi32, #tpu.memory_space<vmem>>, vector<16xi32>,
          tpu.vector_store %arg15[%swap3A_202], %get3A_201 {strides = array<i32>} : memref<128xi32, #tpu.memory_space<vmem>>, vector<16xi32>,
          %get3A_204 = arith.constant 96 : index
          %get3A_205 = tpu.vector_load %arg13[%get3A_204] {strides = array<i32>} : memref<128xi32, #tpu.memory_space<vmem>>, vector<16xi32>,
          %swap3A_206 = arith.constant 96 : index
          %swap3A_207 = tpu.vector_load %arg16[%swap3A_206] {strides = array<i32>} : memref<128xi32, #tpu.memory_space<vmem>>, vector<16xi32>,
          tpu.vector_store %arg16[%swap3A_206], %get3A_205 {strides = array<i32>} : memref<128xi32, #tpu.memory_space<vmem>>, vector<16xi32>,
          %get3A_208 = arith.constant 112 : index
          %get3A_209 = tpu.vector_load %arg11[%get3A_208] {strides = array<i32>} : memref<128xi32, #tpu.memory_space<vmem>>, vector<16xi32>,
          %swap3A_210 = arith.constant 112 : index
          %swap3A_211 = tpu.vector_load %arg14[%swap3A_210] {strides = array<i32>} : memref<128xi32, #tpu.memory_space<vmem>>, vector<16xi32>,
          tpu.vector_store %arg14[%swap3A_210], %get3A_209 {strides = array<i32>} : memref<128xi32, #tpu.memory_space<vmem>>, vector<16xi32>,
          %get3A_212 = arith.constant 112 : index
          %get3A_213 = tpu.vector_load %arg12[%get3A_212] {strides = array<i32>} : memref<128xi32, #tpu.memory_space<vmem>>, vector<16xi32>,
          %swap3A_214 = arith.constant 112 : index
          %swap3A_215 = tpu.vector_load %arg15[%swap3A_214] {strides = array<i32>} : memref<128xi32, #tpu.memory_space<vmem>>, vector<16xi32>,
          tpu.vector_store %arg15[%swap3A_214], %get3A_213 {strides = array<i32>} : memref<128xi32, #tpu.memory_space<vmem>>, vector<16xi32>,
          %get3A_216 = arith.constant 112 : index
          %get3A_217 = tpu.vector_load %arg13[%get3A_216] {strides = array<i32>} : memref<128xi32, #tpu.memory_space<vmem>>, vector<16xi32>,
          %swap3A_218 = arith.constant 112 : index
          %swap3A_219 = tpu.vector_load %arg16[%swap3A_218] {strides = array<i32>} : memref<128xi32, #tpu.memory_space<vmem>>, vector<16xi32>,
          tpu.vector_store %arg16[%swap3A_218], %get3A_217 {strides = array<i32>} : memref<128xi32, #tpu.memory_space<vmem>>, vector<16xi32>,
          %dma_start3A_220 = arith.constant 0 : i32
          %dma_start3A_221 = arith.constant 0 : i32
          %dma_start3A_222 = tpu.memref_slice %arg4[%dma_start3A_220, %dma_start3A_221] : memref<320000x64xf32, #tpu.memory_space<hbm>> -> memref<320000x64xf32, #tpu.memory_space<hbm>>
          tpu.enqueue_indirect_dma source(%dma_start3A_222 : memref<320000x64xf32, #tpu.memory_space<hbm>>) target(%arg17 : memref<128x64xf32, #tpu.memory_space<vmem>>) offsets(%arg14 : memref<128xi32, #tpu.memory_space<vmem>>) semaphore(%arg21 : memref<!tpu.dma_semaphore, #tpu.memory_space<semaphore_mem>>)
          %dma_start3A_223 = arith.constant 0 : i32
          %dma_start3A_224 = arith.constant 0 : i32
          %dma_start3A_225 = tpu.memref_slice %arg5[%dma_start3A_223, %dma_start3A_224] : memref<1280000x64xf32, #tpu.memory_space<hbm>> -> memref<1280000x64xf32, #tpu.memory_space<hbm>>
          tpu.enqueue_indirect_dma source(%dma_start3A_225 : memref<1280000x64xf32, #tpu.memory_space<hbm>>) target(%arg18 : memref<128x64xf32, #tpu.memory_space<vmem>>) offsets(%arg15 : memref<128xi32, #tpu.memory_space<vmem>>) semaphore(%arg22 : memref<!tpu.dma_semaphore, #tpu.memory_space<semaphore_mem>>)
          %swap3A_226 = arith.constant 0 : index
          %swap3A_227 = tpu.vector_load %arg11[%swap3A_226] {strides = array<i32>} : memref<128xi32, #tpu.memory_space<vmem>>, vector<16xi32>,
          tpu.vector_store %arg11[%swap3A_226], %broadcast_in_dim3A_2 {strides = array<i32>} : memref<128xi32, #tpu.memory_space<vmem>>, vector<16xi32>,
          %swap3A_228 = arith.constant 0 : index
          %swap3A_229 = tpu.vector_load %arg12[%swap3A_228] {strides = array<i32>} : memref<128xi32, #tpu.memory_space<vmem>>, vector<16xi32>,
          tpu.vector_store %arg12[%swap3A_228], %broadcast_in_dim3A_2 {strides = array<i32>} : memref<128xi32, #tpu.memory_space<vmem>>, vector<16xi32>,
          %swap3A_230 = arith.constant 0 : index
          %swap3A_231 = tpu.vector_load %arg13[%swap3A_230] {strides = array<i32>} : memref<128xi32, #tpu.memory_space<vmem>>, vector<16xi32>,
          tpu.vector_store %arg13[%swap3A_230], %broadcast_in_dim3A_4 {strides = array<i32>} : memref<128xi32, #tpu.memory_space<vmem>>, vector<16xi32>,
          %swap3A_232 = arith.constant 16 : index
          %swap3A_233 = tpu.vector_load %arg11[%swap3A_232] {strides = array<i32>} : memref<128xi32, #tpu.memory_space<vmem>>, vector<16xi32>,
          tpu.vector_store %arg11[%swap3A_232], %broadcast_in_dim3A_2 {strides = array<i32>} : memref<128xi32, #tpu.memory_space<vmem>>, vector<16xi32>,
          %swap3A_234 = arith.constant 16 : index
          %swap3A_235 = tpu.vector_load %arg12[%swap3A_234] {strides = array<i32>} : memref<128xi32, #tpu.memory_space<vmem>>, vector<16xi32>,
          tpu.vector_store %arg12[%swap3A_234], %broadcast_in_dim3A_2 {strides = array<i32>} : memref<128xi32, #tpu.memory_space<vmem>>, vector<16xi32>,
          %swap3A_236 = arith.constant 16 : index
          %swap3A_237 = tpu.vector_load %arg13[%swap3A_236] {strides = array<i32>} : memref<128xi32, #tpu.memory_space<vmem>>, vector<16xi32>,
          tpu.vector_store %arg13[%swap3A_236], %broadcast_in_dim3A_4 {strides = array<i32>} : memref<128xi32, #tpu.memory_space<vmem>>, vector<16xi32>,
          %swap3A_238 = arith.constant 32 : index
          %swap3A_239 = tpu.vector_load %arg11[%swap3A_238] {strides = array<i32>} : memref<128xi32, #tpu.memory_space<vmem>>, vector<16xi32>,
          tpu.vector_store %arg11[%swap3A_238], %broadcast_in_dim3A_2 {strides = array<i32>} : memref<128xi32, #tpu.memory_space<vmem>>, vector<16xi32>,
          %swap3A_240 = arith.constant 32 : index
          %swap3A_241 = tpu.vector_load %arg12[%swap3A_240] {strides = array<i32>} : memref<128xi32, #tpu.memory_space<vmem>>, vector<16xi32>,
          tpu.vector_store %arg12[%swap3A_240], %broadcast_in_dim3A_2 {strides = array<i32>} : memref<128xi32, #tpu.memory_space<vmem>>, vector<16xi32>,
          %swap3A_242 = arith.constant 32 : index
          %swap3A_243 = tpu.vector_load %arg13[%swap3A_242] {strides = array<i32>} : memref<128xi32, #tpu.memory_space<vmem>>, vector<16xi32>,
          tpu.vector_store %arg13[%swap3A_242], %broadcast_in_dim3A_4 {strides = array<i32>} : memref<128xi32, #tpu.memory_space<vmem>>, vector<16xi32>,
          %swap3A_244 = arith.constant 48 : index
          %swap3A_245 = tpu.vector_load %arg11[%swap3A_244] {strides = array<i32>} : memref<128xi32, #tpu.memory_space<vmem>>, vector<16xi32>,
          tpu.vector_store %arg11[%swap3A_244], %broadcast_in_dim3A_2 {strides = array<i32>} : memref<128xi32, #tpu.memory_space<vmem>>, vector<16xi32>,
          %swap3A_246 = arith.constant 48 : index
          %swap3A_247 = tpu.vector_load %arg12[%swap3A_246] {strides = array<i32>} : memref<128xi32, #tpu.memory_space<vmem>>, vector<16xi32>,
          tpu.vector_store %arg12[%swap3A_246], %broadcast_in_dim3A_2 {strides = array<i32>} : memref<128xi32, #tpu.memory_space<vmem>>, vector<16xi32>,
          %swap3A_248 = arith.constant 48 : index
          %swap3A_249 = tpu.vector_load %arg13[%swap3A_248] {strides = array<i32>} : memref<128xi32, #tpu.memory_space<vmem>>, vector<16xi32>,
          tpu.vector_store %arg13[%swap3A_248], %broadcast_in_dim3A_4 {strides = array<i32>} : memref<128xi32, #tpu.memory_space<vmem>>, vector<16xi32>,
          %swap3A_250 = arith.constant 64 : index
          %swap3A_251 = tpu.vector_load %arg11[%swap3A_250] {strides = array<i32>} : memref<128xi32, #tpu.memory_space<vmem>>, vector<16xi32>,
          tpu.vector_store %arg11[%swap3A_250], %broadcast_in_dim3A_2 {strides = array<i32>} : memref<128xi32, #tpu.memory_space<vmem>>, vector<16xi32>,
          %swap3A_252 = arith.constant 64 : index
          %swap3A_253 = tpu.vector_load %arg12[%swap3A_252] {strides = array<i32>} : memref<128xi32, #tpu.memory_space<vmem>>, vector<16xi32>,
          tpu.vector_store %arg12[%swap3A_252], %broadcast_in_dim3A_2 {strides = array<i32>} : memref<128xi32, #tpu.memory_space<vmem>>, vector<16xi32>,
          %swap3A_254 = arith.constant 64 : index
          %swap3A_255 = tpu.vector_load %arg13[%swap3A_254] {strides = array<i32>} : memref<128xi32, #tpu.memory_space<vmem>>, vector<16xi32>,
          tpu.vector_store %arg13[%swap3A_254], %broadcast_in_dim3A_4 {strides = array<i32>} : memref<128xi32, #tpu.memory_space<vmem>>, vector<16xi32>,
          %swap3A_256 = arith.constant 80 : index
          %swap3A_257 = tpu.vector_load %arg11[%swap3A_256] {strides = array<i32>} : memref<128xi32, #tpu.memory_space<vmem>>, vector<16xi32>,
          tpu.vector_store %arg11[%swap3A_256], %broadcast_in_dim3A_2 {strides = array<i32>} : memref<128xi32, #tpu.memory_space<vmem>>, vector<16xi32>,
          %swap3A_258 = arith.constant 80 : index
          %swap3A_259 = tpu.vector_load %arg12[%swap3A_258] {strides = array<i32>} : memref<128xi32, #tpu.memory_space<vmem>>, vector<16xi32>,
          tpu.vector_store %arg12[%swap3A_258], %broadcast_in_dim3A_2 {strides = array<i32>} : memref<128xi32, #tpu.memory_space<vmem>>, vector<16xi32>,
          %swap3A_260 = arith.constant 80 : index
          %swap3A_261 = tpu.vector_load %arg13[%swap3A_260] {strides = array<i32>} : memref<128xi32, #tpu.memory_space<vmem>>, vector<16xi32>,
          tpu.vector_store %arg13[%swap3A_260], %broadcast_in_dim3A_4 {strides = array<i32>} : memref<128xi32, #tpu.memory_space<vmem>>, vector<16xi32>,
          %swap3A_262 = arith.constant 96 : index
          %swap3A_263 = tpu.vector_load %arg11[%swap3A_262] {strides = array<i32>} : memref<128xi32, #tpu.memory_space<vmem>>, vector<16xi32>,
          tpu.vector_store %arg11[%swap3A_262], %broadcast_in_dim3A_2 {strides = array<i32>} : memref<128xi32, #tpu.memory_space<vmem>>, vector<16xi32>,
          %swap3A_264 = arith.constant 96 : index
          %swap3A_265 = tpu.vector_load %arg12[%swap3A_264] {strides = array<i32>} : memref<128xi32, #tpu.memory_space<vmem>>, vector<16xi32>,
          tpu.vector_store %arg12[%swap3A_264], %broadcast_in_dim3A_2 {strides = array<i32>} : memref<128xi32, #tpu.memory_space<vmem>>, vector<16xi32>,
          %swap3A_266 = arith.constant 96 : index
          %swap3A_267 = tpu.vector_load %arg13[%swap3A_266] {strides = array<i32>} : memref<128xi32, #tpu.memory_space<vmem>>, vector<16xi32>,
          tpu.vector_store %arg13[%swap3A_266], %broadcast_in_dim3A_4 {strides = array<i32>} : memref<128xi32, #tpu.memory_space<vmem>>, vector<16xi32>,
          %swap3A_268 = arith.constant 112 : index
          %swap3A_269 = tpu.vector_load %arg11[%swap3A_268] {strides = array<i32>} : memref<128xi32, #tpu.memory_space<vmem>>, vector<16xi32>,
          tpu.vector_store %arg11[%swap3A_268], %broadcast_in_dim3A_2 {strides = array<i32>} : memref<128xi32, #tpu.memory_space<vmem>>, vector<16xi32>,
          %swap3A_270 = arith.constant 112 : index
          %swap3A_271 = tpu.vector_load %arg12[%swap3A_270] {strides = array<i32>} : memref<128xi32, #tpu.memory_space<vmem>>, vector<16xi32>,
          tpu.vector_store %arg12[%swap3A_270], %broadcast_in_dim3A_2 {strides = array<i32>} : memref<128xi32, #tpu.memory_space<vmem>>, vector<16xi32>,
          %swap3A_272 = arith.constant 112 : index
          %swap3A_273 = tpu.vector_load %arg13[%swap3A_272] {strides = array<i32>} : memref<128xi32, #tpu.memory_space<vmem>>, vector<16xi32>,
          tpu.vector_store %arg13[%swap3A_272], %broadcast_in_dim3A_4 {strides = array<i32>} : memref<128xi32, #tpu.memory_space<vmem>>, vector<16xi32>,
          %cond3A_274 = arith.constant 0 : i32
          %cond3A_275 = arith.constant 1 : i32
          scf.yield %cond3A_274, %cond3A_275 : i32, i32
        } else {
          %cond3A_120 = arith.constant 0 : i32
          scf.yield %cond3A_120, %scan3A_106#1 : i32, i32
        }
        %eq3A = arith.constant 1 : i32
        %eq3A_113 = arith.cmpi eq, %cond3A_112#1, %eq3A : i32
        %convert_element_type3A_114 = arith.extui %eq3A_113 : i1 to i32
        %cond3A_115 = arith.constant 0 : i32
        %cond3A_116 = arith.cmpi ne, %convert_element_type3A_114, %cond3A_115 : i32
        scf.if %cond3A_116 {
          %dma_wait3A = arith.constant 0 : i32
          %dma_wait3A_120 = arith.constant 0 : i32
          %dma_wait3A_121 = tpu.memref_slice %arg4[%dma_wait3A, %dma_wait3A_120] : memref<320000x64xf32, #tpu.memory_space<hbm>> -> memref<320000x64xf32, #tpu.memory_space<hbm>>
          tpu.wait_indirect_dma semaphore(%arg21 : memref<!tpu.dma_semaphore, #tpu.memory_space<semaphore_mem>>) src(%dma_wait3A_121 : memref<320000x64xf32, #tpu.memory_space<hbm>>) dst(%arg17 : memref<128x64xf32, #tpu.memory_space<vmem>>)
          %dma_wait3A_122 = arith.constant 0 : i32
          %dma_wait3A_123 = arith.constant 0 : i32
          %dma_wait3A_124 = tpu.memref_slice %arg5[%dma_wait3A_122, %dma_wait3A_123] : memref<1280000x64xf32, #tpu.memory_space<hbm>> -> memref<1280000x64xf32, #tpu.memory_space<hbm>>
          tpu.wait_indirect_dma semaphore(%arg22 : memref<!tpu.dma_semaphore, #tpu.memory_space<semaphore_mem>>) src(%dma_wait3A_124 : memref<1280000x64xf32, #tpu.memory_space<hbm>>) dst(%arg18 : memref<128x64xf32, #tpu.memory_space<vmem>>)
          %scan3A_125 = arith.constant 0 : i32
          %scan3A_126 = arith.constant 0 : i32
          %scan3A_127 = arith.constant 128 : i32
          %scan3A_128 = arith.addi %scan3A_126, %scan3A_127 : i32
          %scan3A_129 = arith.constant 1 : i32
          scf.for %scan3A_131 = %scan3A_126 to %scan3A_128 step %scan3A_129  : i32 {
            %get3A = arith.index_cast %scan3A_131 : i32 to index
            %get3A_132 = arith.constant 0 : index
            %get3A_133 = tpu.vector_load %arg18[%get3A, %get3A_132] {strides = array<i32>} : memref<128x64xf32, #tpu.memory_space<vmem>>, vector<16xf32>,
            %get3A_134 = arith.index_cast %scan3A_131 : i32 to index
            %get3A_135 = arith.constant 0 : index
            %get3A_136 = tpu.vector_load %arg17[%get3A_134, %get3A_135] {strides = array<i32>} : memref<128x64xf32, #tpu.memory_space<vmem>>, vector<16xf32>,
            %mul3A_137 = arith.mulf %get3A_133, %get3A_136 : vector<16xf32>
            %swap3A_138 = arith.index_cast %scan3A_131 : i32 to index
            %swap3A_139 = arith.constant 0 : index
            %swap3A_140 = tpu.vector_load %arg18[%swap3A_138, %swap3A_139] {strides = array<i32>} : memref<128x64xf32, #tpu.memory_space<vmem>>, vector<16xf32>,
            tpu.vector_store %arg18[%swap3A_138, %swap3A_139], %mul3A_137 {strides = array<i32>} : memref<128x64xf32, #tpu.memory_space<vmem>>, vector<16xf32>,
            %get3A_141 = arith.index_cast %scan3A_131 : i32 to index
            %get3A_142 = arith.constant 16 : index
            %get3A_143 = tpu.vector_load %arg18[%get3A_141, %get3A_142] {strides = array<i32>} : memref<128x64xf32, #tpu.memory_space<vmem>>, vector<16xf32>,
            %get3A_144 = arith.index_cast %scan3A_131 : i32 to index
            %get3A_145 = arith.constant 16 : index
            %get3A_146 = tpu.vector_load %arg17[%get3A_144, %get3A_145] {strides = array<i32>} : memref<128x64xf32, #tpu.memory_space<vmem>>, vector<16xf32>,
            %mul3A_147 = arith.mulf %get3A_143, %get3A_146 : vector<16xf32>
            %swap3A_148 = arith.index_cast %scan3A_131 : i32 to index
            %swap3A_149 = arith.constant 16 : index
            %swap3A_150 = tpu.vector_load %arg18[%swap3A_148, %swap3A_149] {strides = array<i32>} : memref<128x64xf32, #tpu.memory_space<vmem>>, vector<16xf32>,
            tpu.vector_store %arg18[%swap3A_148, %swap3A_149], %mul3A_147 {strides = array<i32>} : memref<128x64xf32, #tpu.memory_space<vmem>>, vector<16xf32>,
            %get3A_151 = arith.index_cast %scan3A_131 : i32 to index
            %get3A_152 = arith.constant 32 : index
            %get3A_153 = tpu.vector_load %arg18[%get3A_151, %get3A_152] {strides = array<i32>} : memref<128x64xf32, #tpu.memory_space<vmem>>, vector<16xf32>,
            %get3A_154 = arith.index_cast %scan3A_131 : i32 to index
            %get3A_155 = arith.constant 32 : index
            %get3A_156 = tpu.vector_load %arg17[%get3A_154, %get3A_155] {strides = array<i32>} : memref<128x64xf32, #tpu.memory_space<vmem>>, vector<16xf32>,
            %mul3A_157 = arith.mulf %get3A_153, %get3A_156 : vector<16xf32>
            %swap3A_158 = arith.index_cast %scan3A_131 : i32 to index
            %swap3A_159 = arith.constant 32 : index
            %swap3A_160 = tpu.vector_load %arg18[%swap3A_158, %swap3A_159] {strides = array<i32>} : memref<128x64xf32, #tpu.memory_space<vmem>>, vector<16xf32>,
            tpu.vector_store %arg18[%swap3A_158, %swap3A_159], %mul3A_157 {strides = array<i32>} : memref<128x64xf32, #tpu.memory_space<vmem>>, vector<16xf32>,
            %get3A_161 = arith.index_cast %scan3A_131 : i32 to index
            %get3A_162 = arith.constant 48 : index
            %get3A_163 = tpu.vector_load %arg18[%get3A_161, %get3A_162] {strides = array<i32>} : memref<128x64xf32, #tpu.memory_space<vmem>>, vector<16xf32>,
            %get3A_164 = arith.index_cast %scan3A_131 : i32 to index
            %get3A_165 = arith.constant 48 : index
            %get3A_166 = tpu.vector_load %arg17[%get3A_164, %get3A_165] {strides = array<i32>} : memref<128x64xf32, #tpu.memory_space<vmem>>, vector<16xf32>,
            %mul3A_167 = arith.mulf %get3A_163, %get3A_166 : vector<16xf32>
            %swap3A_168 = arith.index_cast %scan3A_131 : i32 to index
            %swap3A_169 = arith.constant 48 : index
            %swap3A_170 = tpu.vector_load %arg18[%swap3A_168, %swap3A_169] {strides = array<i32>} : memref<128x64xf32, #tpu.memory_space<vmem>>, vector<16xf32>,
            tpu.vector_store %arg18[%swap3A_168, %swap3A_169], %mul3A_167 {strides = array<i32>} : memref<128x64xf32, #tpu.memory_space<vmem>>, vector<16xf32>,
          }
          %scan3A_130 = arith.constant 128 : i32
          "tpu.region"() ({
            %run_scoped3A = tpu.sem_alloc : memref<!tpu.dma_semaphore, #tpu.memory_space<semaphore_mem>>
            %dma_start3A_131 = arith.constant 0 : i32
            %dma_start3A_132 = arith.constant 0 : i32
            %dma_start3A_133 = tpu.memref_slice %arg20[%dma_start3A_131, %dma_start3A_132] : memref<22920x64xf32, #tpu.memory_space<vmem_shared>> -> memref<22920x64xf32, #tpu.memory_space<vmem_shared>>
            tpu.enqueue_indirect_dma source(%arg18 : memref<128x64xf32, #tpu.memory_space<vmem>>) target(%dma_start3A_133 : memref<22920x64xf32, #tpu.memory_space<vmem_shared>>) offsets(%arg16 : memref<128xi32, #tpu.memory_space<vmem>>) semaphore(%run_scoped3A : memref<!tpu.dma_semaphore, #tpu.memory_space<semaphore_mem>>) {add = true}
            %dma_wait3A_134 = arith.constant 0 : i32
            %dma_wait3A_135 = arith.constant 0 : i32
            %dma_wait3A_136 = tpu.memref_slice %arg20[%dma_wait3A_134, %dma_wait3A_135] : memref<22920x64xf32, #tpu.memory_space<vmem_shared>> -> memref<22920x64xf32, #tpu.memory_space<vmem_shared>>
            tpu.wait_indirect_dma semaphore(%run_scoped3A : memref<!tpu.dma_semaphore, #tpu.memory_space<semaphore_mem>>) src(%arg18 : memref<128x64xf32, #tpu.memory_space<vmem>>) dst(%dma_wait3A_136 : memref<22920x64xf32, #tpu.memory_space<vmem_shared>>)
            tpu.yield
          }) : () -> ()
        } else {
        }
        %barrier3A_117 = arith.constant 0 : index
        tpu.barrier barrier_id(%barrier3A_117)
        %add3A_118 = arith.addi %mul3A_70, %mul3A_72 : i32
        "tpu.region"() ({
          %run_scoped3A = tpu.sem_alloc : memref<!tpu.dma_semaphore, #tpu.memory_space<semaphore_mem>>
          %dma_start3A_120 = arith.constant 0 : i32
          %dma_start3A_121 = tpu.memref_slice %arg6[%add3A_118, %dma_start3A_120] : memref<320768x64xf32, #tpu.memory_space<hbm>> -> memref<1432x64xf32, #tpu.memory_space<hbm>>
          %dma_start3A_122 = arith.constant 0 : i32
          %dma_start3A_123 = tpu.memref_slice %arg20[%mul3A_72, %dma_start3A_122] : memref<22920x64xf32, #tpu.memory_space<vmem_shared>> -> memref<1432x64xf32, #tpu.memory_space<vmem_shared>>
          tpu.enqueue_dma source(%dma_start3A_123 : memref<1432x64xf32, #tpu.memory_space<vmem_shared>>) target(%dma_start3A_121 : memref<1432x64xf32, #tpu.memory_space<hbm>>) target_semaphore(%run_scoped3A : memref<!tpu.dma_semaphore, #tpu.memory_space<semaphore_mem>>)
          %dma_wait3A = arith.constant 0 : i32
          %dma_wait3A_124 = tpu.memref_slice %arg6[%add3A_118, %dma_wait3A] : memref<320768x64xf32, #tpu.memory_space<hbm>> -> memref<1432x64xf32, #tpu.memory_space<hbm>>
          %dma_wait3A_125 = arith.constant 0 : i32
          %dma_wait3A_126 = tpu.memref_slice %arg20[%mul3A_72, %dma_wait3A_125] : memref<22920x64xf32, #tpu.memory_space<vmem_shared>> -> memref<1432x64xf32, #tpu.memory_space<vmem_shared>>
          tpu.wait_dma2 semaphore(%run_scoped3A : memref<!tpu.dma_semaphore, #tpu.memory_space<semaphore_mem>>) src(%dma_wait3A_126 : memref<1432x64xf32, #tpu.memory_space<vmem_shared>>) dst(%dma_wait3A_124 : memref<1432x64xf32, #tpu.memory_space<hbm>>)
          tpu.yield
        }) : () -> ()
        %barrier3A_119 = arith.constant 0 : index
        tpu.barrier barrier_id(%barrier3A_119)
      } else {
      }
    }
    %scan3A_63 = arith.constant 7 : i32
    return
  }
}

module attributes {stable_mosaic.version = 14 : i64} {
  func.func @_sbf_body(%arg0: i32, %arg1: memref<5120x42xf32, #tpu.memory_space<vmem>>, %arg2: memref<42x8xf32, #tpu.memory_space<vmem>>, %arg3: memref<8x64xf32, #tpu.memory_space<vmem>>, %arg4: memref<5120x64xf32, #tpu.memory_space<vmem>>) attributes {dimension_semantics = [#tpu.dimension_semantics<arbitrary>], iteration_bounds = array<i64: 250>, scalar_prefetch = 0 : i64, scratch_operands = 0 : i64, tpu.core_type = #tpu.core_type<tc>, window_params = [{transform_indices = @transform_0, window_bounds = array<i64: 5120, 42>}, {pipeline_mode = #tpu.pipeline_mode<synchronous>, transform_indices = @transform_1, window_bounds = array<i64: 42, 8>}, {pipeline_mode = #tpu.pipeline_mode<synchronous>, transform_indices = @transform_2, window_bounds = array<i64: 8, 64>}, {transform_indices = @transform_3, window_bounds = array<i64: 5120, 64>}]} {
    %get3A = arith.constant 0 : index
    %get3A_0 = arith.constant 0 : index
    %get3A_1 = vector.load %arg1[%get3A, %get3A_0] : memref<5120x42xf32, #tpu.memory_space<vmem>>, vector<5120x42xf32>
    %get3A_2 = arith.constant 0 : index
    %get3A_3 = arith.constant 0 : index
    %get3A_4 = vector.load %arg2[%get3A_2, %get3A_3] : memref<42x8xf32, #tpu.memory_space<vmem>>, vector<42x8xf32>
    %dot_general3A = arith.constant dense<0.000000e+00> : vector<5120x8xf32>
    %dot_general3A_5 = tpu.matmul %get3A_1, %get3A_4, %dot_general3A {dimension_numbers = #tpu.dot_dimension_numbers<[1], [0], [0], [1], [0, 0, 1, 1], [], []>, transpose_lhs_hint = false} : vector<5120x42xf32>, vector<42x8xf32>, vector<5120x8xf32> -> vector<5120x8xf32>
    %get3A_6 = arith.constant 0 : index
    %get3A_7 = arith.constant 0 : index
    %get3A_8 = vector.load %arg3[%get3A_6, %get3A_7] : memref<8x64xf32, #tpu.memory_space<vmem>>, vector<8x64xf32>
    %dot_general3A_9 = arith.constant dense<0.000000e+00> : vector<5120x64xf32>
    %dot_general3A_10 = tpu.matmul %dot_general3A_5, %get3A_8, %dot_general3A_9 {dimension_numbers = #tpu.dot_dimension_numbers<[1], [0], [0], [1], [0, 0, 1, 1], [], []>, transpose_lhs_hint = false} : vector<5120x8xf32>, vector<8x64xf32>, vector<5120x64xf32> -> vector<5120x64xf32>
    %swap3A = arith.constant 0 : index
    %swap3A_11 = arith.constant 0 : index
    %swap3A_12 = vector.load %arg4[%swap3A, %swap3A_11] : memref<5120x64xf32, #tpu.memory_space<vmem>>, vector<5120x64xf32>
    tpu.vector_store %arg4[%swap3A, %swap3A_11], %dot_general3A_10 {strides = array<i32>} : memref<5120x64xf32, #tpu.memory_space<vmem>>, vector<5120x64xf32>,
    return
  }
  func.func @transform_0(%arg0: i32) -> (i32, i32) {
    %c0_i32 = arith.constant 0 : i32
    %c0_i32_0 = arith.constant 0 : i32
    return %arg0, %c0_i32 : i32, i32
  }
  func.func @transform_1(%arg0: i32) -> (i32, i32) {
    %c0_i32 = arith.constant 0 : i32
    %c0_i32_0 = arith.constant 0 : i32
    %c0_i32_1 = arith.constant 0 : i32
    return %c0_i32, %c0_i32_0 : i32, i32
  }
  func.func @transform_2(%arg0: i32) -> (i32, i32) {
    %c0_i32 = arith.constant 0 : i32
    %c0_i32_0 = arith.constant 0 : i32
    %c0_i32_1 = arith.constant 0 : i32
    return %c0_i32, %c0_i32_0 : i32, i32
  }
  func.func @transform_3(%arg0: i32) -> (i32, i32) {
    %c0_i32 = arith.constant 0 : i32
    %c0_i32_0 = arith.constant 0 : i32
    return %arg0, %c0_i32 : i32, i32
  }
}

module attributes {stable_mosaic.version = 14 : i64} {
  func.func @_edge_body(%arg0: i32, %arg1: memref<2560x128xf32, #tpu.memory_space<vmem>>, %arg2: memref<2560x6xf32, #tpu.memory_space<vmem>>, %arg3: memref<6x8xf32, #tpu.memory_space<vmem>>, %arg4: memref<8x128xf32, #tpu.memory_space<vmem>>, %arg5: memref<128x128xf32, #tpu.memory_space<vmem>>, %arg6: memref<128xf32, #tpu.memory_space<vmem>>, %arg7: memref<128x64xf32, #tpu.memory_space<vmem>>, %arg8: memref<2560x64xf32, #tpu.memory_space<vmem>>) attributes {dimension_semantics = [#tpu.dimension_semantics<arbitrary>], iteration_bounds = array<i64: 125>, scalar_prefetch = 0 : i64, scratch_operands = 0 : i64, tpu.core_type = #tpu.core_type<tc>, window_params = [{transform_indices = @transform_0, window_bounds = array<i64: 2560, 128>}, {transform_indices = @transform_1, window_bounds = array<i64: 2560, 6>}, {pipeline_mode = #tpu.pipeline_mode<synchronous>, transform_indices = @transform_2, window_bounds = array<i64: 6, 8>}, {pipeline_mode = #tpu.pipeline_mode<synchronous>, transform_indices = @transform_3, window_bounds = array<i64: 8, 128>}, {pipeline_mode = #tpu.pipeline_mode<synchronous>, transform_indices = @transform_4, window_bounds = array<i64: 128, 128>}, {pipeline_mode = #tpu.pipeline_mode<synchronous>, transform_indices = @transform_5, window_bounds = array<i64: 128>}, {pipeline_mode = #tpu.pipeline_mode<synchronous>, transform_indices = @transform_6, window_bounds = array<i64: 128, 64>}, {transform_indices = @transform_7, window_bounds = array<i64: 2560, 64>}]} {
    %get3A = arith.constant 0 : index
    %get3A_0 = arith.constant 0 : index
    %get3A_1 = vector.load %arg2[%get3A, %get3A_0] : memref<2560x6xf32, #tpu.memory_space<vmem>>, vector<2560x6xf32>
    %get3A_2 = arith.constant 0 : index
    %get3A_3 = arith.constant 0 : index
    %get3A_4 = vector.load %arg3[%get3A_2, %get3A_3] : memref<6x8xf32, #tpu.memory_space<vmem>>, vector<6x8xf32>
    %dot_general3A = arith.constant dense<0.000000e+00> : vector<2560x8xf32>
    %dot_general3A_5 = tpu.matmul %get3A_1, %get3A_4, %dot_general3A {dimension_numbers = #tpu.dot_dimension_numbers<[1], [0], [0], [1], [0, 0, 1, 1], [], []>, transpose_lhs_hint = false} : vector<2560x6xf32>, vector<6x8xf32>, vector<2560x8xf32> -> vector<2560x8xf32>
    %get3A_6 = arith.constant 0 : index
    %get3A_7 = arith.constant 0 : index
    %get3A_8 = vector.load %arg4[%get3A_6, %get3A_7] : memref<8x128xf32, #tpu.memory_space<vmem>>, vector<8x128xf32>
    %dot_general3A_9 = arith.constant dense<0.000000e+00> : vector<2560x128xf32>
    %dot_general3A_10 = tpu.matmul %dot_general3A_5, %get3A_8, %dot_general3A_9 {dimension_numbers = #tpu.dot_dimension_numbers<[1], [0], [0], [1], [0, 0, 1, 1], [], []>, transpose_lhs_hint = false} : vector<2560x8xf32>, vector<8x128xf32>, vector<2560x128xf32> -> vector<2560x128xf32>
    %get3A_11 = arith.constant 0 : index
    %get3A_12 = arith.constant 0 : index
    %get3A_13 = vector.load %arg1[%get3A_11, %get3A_12] : memref<2560x128xf32, #tpu.memory_space<vmem>>, vector<2560x128xf32>
    %get3A_14 = arith.constant 0 : index
    %get3A_15 = arith.constant 0 : index
    %get3A_16 = vector.load %arg5[%get3A_14, %get3A_15] : memref<128x128xf32, #tpu.memory_space<vmem>>, vector<128x128xf32>
    %dot_general3A_17 = arith.constant dense<0.000000e+00> : vector<2560x128xf32>
    %dot_general3A_18 = tpu.matmul %get3A_13, %get3A_16, %dot_general3A_17 {dimension_numbers = #tpu.dot_dimension_numbers<[1], [0], [0], [1], [0, 0, 1, 1], [], []>, transpose_lhs_hint = false} : vector<2560x128xf32>, vector<128x128xf32>, vector<2560x128xf32> -> vector<2560x128xf32>
    %get3A_19 = arith.constant 0 : index
    %get3A_20 = vector.load %arg6[%get3A_19] : memref<128xf32, #tpu.memory_space<vmem>>, vector<128xf32>
    %broadcast_in_dim3A = vector.shape_cast %get3A_20 : vector<128xf32> to vector<1x128xf32>
    %add3A = vector.broadcast %broadcast_in_dim3A : vector<1x128xf32> to vector<2560x128xf32>
    %add3A_21 = arith.addf %dot_general3A_18, %add3A : vector<2560x128xf32>
    %mul3A = arith.mulf %add3A_21, %dot_general3A_10 : vector<2560x128xf32>
    %get3A_22 = arith.constant 0 : index
    %get3A_23 = arith.constant 0 : index
    %get3A_24 = vector.load %arg7[%get3A_22, %get3A_23] : memref<128x64xf32, #tpu.memory_space<vmem>>, vector<128x64xf32>
    %dot_general3A_25 = arith.constant dense<0.000000e+00> : vector<2560x64xf32>
    %dot_general3A_26 = tpu.matmul %mul3A, %get3A_24, %dot_general3A_25 {dimension_numbers = #tpu.dot_dimension_numbers<[1], [0], [0], [1], [0, 0, 1, 1], [], []>, transpose_lhs_hint = false} : vector<2560x128xf32>, vector<128x64xf32>, vector<2560x64xf32> -> vector<2560x64xf32>
    %swap3A = arith.constant 0 : index
    %swap3A_27 = arith.constant 0 : index
    %swap3A_28 = vector.load %arg8[%swap3A, %swap3A_27] : memref<2560x64xf32, #tpu.memory_space<vmem>>, vector<2560x64xf32>
    tpu.vector_store %arg8[%swap3A, %swap3A_27], %dot_general3A_26 {strides = array<i32>} : memref<2560x64xf32, #tpu.memory_space<vmem>>, vector<2560x64xf32>,
    return
  }
  func.func @transform_0(%arg0: i32) -> (i32, i32) {
    %c0_i32 = arith.constant 0 : i32
    %c0_i32_0 = arith.constant 0 : i32
    return %arg0, %c0_i32 : i32, i32
  }
  func.func @transform_1(%arg0: i32) -> (i32, i32) {
    %c0_i32 = arith.constant 0 : i32
    %c0_i32_0 = arith.constant 0 : i32
    return %arg0, %c0_i32 : i32, i32
  }
  func.func @transform_2(%arg0: i32) -> (i32, i32) {
    %c0_i32 = arith.constant 0 : i32
    %c0_i32_0 = arith.constant 0 : i32
    %c0_i32_1 = arith.constant 0 : i32
    return %c0_i32, %c0_i32_0 : i32, i32
  }
  func.func @transform_3(%arg0: i32) -> (i32, i32) {
    %c0_i32 = arith.constant 0 : i32
    %c0_i32_0 = arith.constant 0 : i32
    %c0_i32_1 = arith.constant 0 : i32
    return %c0_i32, %c0_i32_0 : i32, i32
  }
  func.func @transform_4(%arg0: i32) -> (i32, i32) {
    %c0_i32 = arith.constant 0 : i32
    %c0_i32_0 = arith.constant 0 : i32
    %c0_i32_1 = arith.constant 0 : i32
    return %c0_i32, %c0_i32_0 : i32, i32
  }
  func.func @transform_5(%arg0: i32) -> i32 {
    %c0_i32 = arith.constant 0 : i32
    %c0_i32_0 = arith.constant 0 : i32
    return %c0_i32 : i32
  }
  func.func @transform_6(%arg0: i32) -> (i32, i32) {
    %c0_i32 = arith.constant 0 : i32
    %c0_i32_0 = arith.constant 0 : i32
    %c0_i32_1 = arith.constant 0 : i32
    return %c0_i32, %c0_i32_0 : i32, i32
  }
  func.func @transform_7(%arg0: i32) -> (i32, i32) {
    %c0_i32 = arith.constant 0 : i32
    %c0_i32_0 = arith.constant 0 : i32
    return %arg0, %c0_i32 : i32, i32
  }
}

module attributes {stable_mosaic.version = 14 : i64} {
  func.func @_epi_body(%arg0: i32, %arg1: memref<2560x128xf32, #tpu.memory_space<vmem>>, %arg2: memref<2560x64xf32, #tpu.memory_space<vmem>>, %arg3: memref<128x128xf32, #tpu.memory_space<vmem>>, %arg4: memref<64x128xf32, #tpu.memory_space<vmem>>, %arg5: memref<128xf32, #tpu.memory_space<vmem>>, %arg6: memref<2560x128xf32, #tpu.memory_space<vmem>>) attributes {dimension_semantics = [#tpu.dimension_semantics<arbitrary>], iteration_bounds = array<i64: 125>, scalar_prefetch = 0 : i64, scratch_operands = 0 : i64, tpu.core_type = #tpu.core_type<tc>, window_params = [{transform_indices = @transform_0, window_bounds = array<i64: 2560, 128>}, {transform_indices = @transform_1, window_bounds = array<i64: 2560, 64>}, {pipeline_mode = #tpu.pipeline_mode<synchronous>, transform_indices = @transform_2, window_bounds = array<i64: 128, 128>}, {pipeline_mode = #tpu.pipeline_mode<synchronous>, transform_indices = @transform_3, window_bounds = array<i64: 64, 128>}, {pipeline_mode = #tpu.pipeline_mode<synchronous>, transform_indices = @transform_4, window_bounds = array<i64: 128>}, {transform_indices = @transform_5, window_bounds = array<i64: 2560, 128>}]} {
    %get3A = arith.constant 0 : index
    %get3A_0 = arith.constant 0 : index
    %get3A_1 = vector.load %arg1[%get3A, %get3A_0] : memref<2560x128xf32, #tpu.memory_space<vmem>>, vector<2560x128xf32>
    %get3A_2 = arith.constant 0 : index
    %get3A_3 = arith.constant 0 : index
    %get3A_4 = vector.load %arg3[%get3A_2, %get3A_3] : memref<128x128xf32, #tpu.memory_space<vmem>>, vector<128x128xf32>
    %dot_general3A = arith.constant dense<0.000000e+00> : vector<2560x128xf32>
    %dot_general3A_5 = tpu.matmul %get3A_1, %get3A_4, %dot_general3A {dimension_numbers = #tpu.dot_dimension_numbers<[1], [0], [0], [1], [0, 0, 1, 1], [], []>, transpose_lhs_hint = false} : vector<2560x128xf32>, vector<128x128xf32>, vector<2560x128xf32> -> vector<2560x128xf32>
    %get3A_6 = arith.constant 0 : index
    %get3A_7 = arith.constant 0 : index
    %get3A_8 = vector.load %arg2[%get3A_6, %get3A_7] : memref<2560x64xf32, #tpu.memory_space<vmem>>, vector<2560x64xf32>
    %get3A_9 = arith.constant 0 : index
    %get3A_10 = arith.constant 0 : index
    %get3A_11 = vector.load %arg4[%get3A_9, %get3A_10] : memref<64x128xf32, #tpu.memory_space<vmem>>, vector<64x128xf32>
    %dot_general3A_12 = arith.constant dense<0.000000e+00> : vector<2560x128xf32>
    %dot_general3A_13 = tpu.matmul %get3A_8, %get3A_11, %dot_general3A_12 {dimension_numbers = #tpu.dot_dimension_numbers<[1], [0], [0], [1], [0, 0, 1, 1], [], []>, transpose_lhs_hint = false} : vector<2560x64xf32>, vector<64x128xf32>, vector<2560x128xf32> -> vector<2560x128xf32>
    %add3A = arith.addf %dot_general3A_5, %dot_general3A_13 : vector<2560x128xf32>
    %get3A_14 = arith.constant 0 : index
    %get3A_15 = vector.load %arg5[%get3A_14] : memref<128xf32, #tpu.memory_space<vmem>>, vector<128xf32>
    %broadcast_in_dim3A = vector.shape_cast %get3A_15 : vector<128xf32> to vector<1x128xf32>
    %add3A_16 = vector.broadcast %broadcast_in_dim3A : vector<1x128xf32> to vector<2560x128xf32>
    %add3A_17 = arith.addf %add3A, %add3A_16 : vector<2560x128xf32>
    %swap3A = arith.constant 0 : index
    %swap3A_18 = arith.constant 0 : index
    %swap3A_19 = vector.load %arg6[%swap3A, %swap3A_18] : memref<2560x128xf32, #tpu.memory_space<vmem>>, vector<2560x128xf32>
    tpu.vector_store %arg6[%swap3A, %swap3A_18], %add3A_17 {strides = array<i32>} : memref<2560x128xf32, #tpu.memory_space<vmem>>, vector<2560x128xf32>,
    return
  }
  func.func @transform_0(%arg0: i32) -> (i32, i32) {
    %c0_i32 = arith.constant 0 : i32
    %c0_i32_0 = arith.constant 0 : i32
    return %arg0, %c0_i32 : i32, i32
  }
  func.func @transform_1(%arg0: i32) -> (i32, i32) {
    %c0_i32 = arith.constant 0 : i32
    %c0_i32_0 = arith.constant 0 : i32
    return %arg0, %c0_i32 : i32, i32
  }
  func.func @transform_2(%arg0: i32) -> (i32, i32) {
    %c0_i32 = arith.constant 0 : i32
    %c0_i32_0 = arith.constant 0 : i32
    %c0_i32_1 = arith.constant 0 : i32
    return %c0_i32, %c0_i32_0 : i32, i32
  }
  func.func @transform_3(%arg0: i32) -> (i32, i32) {
    %c0_i32 = arith.constant 0 : i32
    %c0_i32_0 = arith.constant 0 : i32
    %c0_i32_1 = arith.constant 0 : i32
    return %c0_i32, %c0_i32_0 : i32, i32
  }
  func.func @transform_4(%arg0: i32) -> i32 {
    %c0_i32 = arith.constant 0 : i32
    %c0_i32_0 = arith.constant 0 : i32
    return %c0_i32 : i32
  }
  func.func @transform_5(%arg0: i32) -> (i32, i32) {
    %c0_i32 = arith.constant 0 : i32
    %c0_i32_0 = arith.constant 0 : i32
    return %arg0, %c0_i32 : i32, i32
  }
}

</mosaic_0001>

<sc_bundles>
// kernel: kernel.6.cloned.1.call-start
scs
__scs_entry_jumppad:
0x0: {  	(pc) =	sbr.rel $0x88, $3  }
0x1: {  	(tag) =	ssettag $0x0;
	lr =	simm.s32 $0x1  }
0x2: {  	[smem:$0x3F89] =	sst lr;
	_ =	strace $0xD0000000  }
0x3: {  	_ = 	snop  }
0x4: {  	_ = 	snop  }
0x5: {  	_ = 	snop  }
0x6: {  	_ = 	snop  }
0x7: {  	_ = 	snop  }
__scs_overlays_trampoline_lowered:
0x8: {  	[smem:$0x3F98] =	sst s0  }
0x9: {  	[smem:$0x3F99] =	sst s1  }
0xa: {  	[smem:$0x3F9A] =	sst s2  }
0xb: {  	[smem:$0x3F9B] =	sst s3  }
0xc: {  	[smem:$0x3F9C] =	sst s4  }
0xd: {  	[smem:$0x3F9D] =	sst s5  }
0xe: {  	[smem:$0x3F9E] =	sst s6  }
0xf: {  	[smem:$0x3F9F] =	sst s7  }
0x10: {  	[smem:$0x3FA0] =	sst s8  }
0x11: {  	[smem:$0x3FA1] =	sst s9;
	s0 =	simm.s32 @!p0 $0x0  }
0x12: {  	s1 =	sld [smem:$0x3F87];
	s0 =	simm.s32 @p0 $0x1  }
0x13: {  	[smem:$0x3FA2] =	sst s0;
	s0 =	simm.s32 @!p1 $0x0  }
0x14: {  	s2 =	sld [smem:$0x3F86];
	s0 =	simm.s32 @p1 $0x1  }
0x15: {  	[smem:$0x3FA3] =	sst s0;
	s0 =	simm.s32 @!p2 $0x0  }
0x16: {  	s3 =	sld [smem:$0x3FDB];
	s0 =	simm.s32 @p2 $0x1  }
0x17: {  	s4 =	simm.s32 $0x1BF5;
	[smem:$0x3FA5] =	sst s0  }
0x18: {  	s0 =	sld [smem:$0x3F88];
	_ =	swait.ge [sflag:s4], $0x0  }
0x19: {  	s7 =	sld [smem:$0x3F89]  }
0x1a: {  	s8 =	sadd.s32 $0xFFFFE003, lr  }
0x1b: {  	s9 =	sadd.s32 $0xFFFFFEF7, lr;
	s5 =	simm.s32 $0xFFFFFFFF;
	p2 =	slt.u32 s8, $0xFFFFF086  }
0x1c: {  	p1 =	slt.u32 s9, $0xF7A;
	s5 =	simm.s32 @!p2 $0x0  }
0x1d: {  	s5 =	simm.s32 @p1 $0x1;
	p0 =	seq.s32 s7, s2  }
0x1e: {  	s7 =	smul.u32 @!p0 $0xF7A, s2;
	p2 =	seq.s32 @!p0 s5, $0x0  }
0x1f: {  	s9 =	smul.u32 $0xF7A, s1;
	s8 =	simm.s32 @!p0 $0x1BF5;
	p2 =	por !p2, p0  }
0x20: {  	[sflag:s8] =	ssyncset.s32 @!p0 $0xFFFFF086;
	s6 =	sadd.s32 @!p0 s3, s7;
	s7 =	simm.s32 @!p0 $0x108  }
0x21: {  	s3 =	sadd.s32 s3, s9;
	s6 =	sadd.s32 @!p0 $0x88, s6;
	s7 =	simm.s32 @p2 $0x1082  }
0x22: {  	[simem:s7], [sflag:s8] =	dma.local @!p0 [hbm:s6], $0xF7A  }
0x23: {  	s9 =	sor.u32 $0xD0000000, s2;
	s6 =	simm.s32 $0x108;
	_ =	swait.ge @!p0 [sflag:s8], $0x0  }
0x24: {  	s3 =	sadd.s32 $0x88, s3;
	s6 =	simm.s32 @!p1 $0x1082;
	[sflag:s4] =	ssyncset.s32 $0xFFFFF086  }
0x25: {  	[simem:s6], [sflag:s4] =	dma.local [hbm:s3], $0xF7A  }
0x26: {  	[smem:$0x3F89] =	sst s1;
	(tag) =	ssettag s2;
	_ =	strace s9  }
0x27: {  	s1 =	sld [smem:$0x3F99]  }
0x28: {  	s2 =	sld [smem:$0x3F9A]  }
0x29: {  	s4 =	sld [smem:$0x3F9C]  }
0x2a: {  	p0 =	seq.s32 s5, $0x0;
	s5 =	sld [smem:$0x3F9D]  }
0x2b: {  	s6 =	sld [smem:$0x3F9E]  }
0x2c: {  	s7 =	sld [smem:$0x3F9F]  }
0x2d: {  	s3 =	simm.s32 $0x108;
	s8 =	sld [smem:$0x3FA0]  }
0x2e: {  	s3 =	simm.s32 @!p0 $0x1082;
	s9 =	sld [smem:$0x3FA1]  }
0x2f: {  	lr =	sadd.s32 s0, s3;
	s0 =	sld [smem:$0x3F98]  }
0x30: {  	s3 =	sld [smem:$0x3F9B]  }
0x31: {  	[smem:$0x3FA4] =	sst s10  }
0x32: {  	s10 =	sld [smem:$0x3FA2];
	_ =	sdelay $0x3  }
0x33: {  	p0 =	seq.s32 s10, $0x1;
	s10 =	sld [smem:$0x3FA4];
	_ =	sdelay $0x3  }
0x34: {  	[smem:$0x3FA4] =	sst s10  }
0x35: {  	s10 =	sld [smem:$0x3FA3];
	_ =	sdelay $0x3  }
0x36: {  	p1 =	seq.s32 s10, $0x1;
	s10 =	sld [smem:$0x3FA4];
	_ =	sdelay $0x3  }
0x37: {  	[smem:$0x3FA4] =	sst s10  }
0x38: {  	s10 =	sld [smem:$0x3FA5]  }
0x39: {  	_ = 	snop;
	(pc) =	sbr.ind lr, $3  }
0x3a: {  	_ = 	snop  }
0x3b: {  	_ = 	snop  }
0x3c: {  	p2 =	seq.s32 s10, $0x1;
	s10 =	sld [smem:$0x3FA4]  }
0x3d: {  	_ =	shalt  }
0x3e: {  	_ =	shalt  }
0x3f: {  	_ =	shalt  }
0x40: {  	_ =	shalt  }
0x41: {  	_ =	shalt  }
0x42: {  	_ =	shalt  }
0x43: {  	_ =	shalt  }
0x44: {  	_ =	shalt  }
0x45: {  	_ =	shalt  }
0x46: {  	_ =	shalt  }
0x47: {  	_ =	shalt  }
0x48: {  	_ =	shalt  }
0x49: {  	_ =	shalt  }
0x4a: {  	_ =	shalt  }
0x4b: {  	_ =	shalt  }
0x4c: {  	_ =	shalt  }
0x4d: {  	_ =	shalt  }
0x4e: {  	_ =	shalt  }
0x4f: {  	_ =	shalt  }
0x50: {  	_ =	shalt  }
0x51: {  	_ =	shalt  }
0x52: {  	_ =	shalt  }
0x53: {  	_ =	shalt  }
0x54: {  	_ =	shalt  }
0x55: {  	_ =	shalt  }
0x56: {  	_ =	shalt  }
0x57: {  	_ =	shalt  }
0x58: {  	_ =	shalt  }
0x59: {  	_ =	shalt  }
0x5a: {  	_ =	shalt  }
0x5b: {  	_ =	shalt  }
0x5c: {  	_ =	shalt  }
0x5d: {  	_ =	shalt  }
0x5e: {  	_ =	shalt  }
0x5f: {  	_ =	shalt  }
0x60: {  	_ =	shalt  }
0x61: {  	_ =	shalt  }
0x62: {  	_ =	shalt  }
0x63: {  	_ =	shalt  }
0x64: {  	_ =	shalt  }
0x65: {  	_ =	shalt  }
0x66: {  	_ =	shalt  }
0x67: {  	_ =	shalt  }
0x68: {  	_ =	shalt  }
0x69: {  	_ =	shalt  }
0x6a: {  	_ =	shalt  }
0x6b: {  	_ =	shalt  }
0x6c: {  	_ =	shalt  }
0x6d: {  	_ =	shalt  }
0x6e: {  	_ =	shalt  }
0x6f: {  	_ =	shalt  }
0x70: {  	_ =	shalt  }
0x71: {  	_ =	shalt  }
0x72: {  	_ =	shalt  }
0x73: {  	_ =	shalt  }
0x74: {  	_ =	shalt  }
0x75: {  	_ =	shalt  }
0x76: {  	_ =	shalt  }
0x77: {  	_ =	shalt  }
0x78: {  	_ =	shalt  }
0x79: {  	_ =	shalt  }
0x7a: {  	_ =	shalt  }
0x7b: {  	_ =	shalt  }
0x7c: {  	_ =	shalt  }
0x7d: {  	_ =	shalt  }
0x7e: {  	_ =	shalt  }
0x7f: {  	_ =	shalt  }
0x80: {  	_ =	shalt  }
0x81: {  	_ =	shalt  }
0x82: {  	_ =	shalt  }
0x83: {  	_ =	shalt  }
0x84: {  	_ =	shalt  }
0x85: {  	_ =	shalt  }
0x86: {  	_ =	shalt  }
0x87: {  	_ =	shalt  }
.Lfunc_end0:
.L_simem_size_0:
called_computation_lowered:
.L_overlay_start_0:
0x88: {  	s2 =	sld [smem:$0x3FD9]  }
0x89: {  	s3 =	sld [smem:$0x3FFE];
	_ =	sdelay $0x1  }
0x8a: {  	s1 =	srdreg.scid  }
0x8b: {  	s0 =	sand.u32 $0x1, s1  }
0x8c: {  	s17 =	sshll.u32 s0, $0xA;
	s2 =	sadd.s32 s3, s2  }
0x8d: {  	s2 =	sadd.s32 s2, s17  }
0x8e: {  	[smem:$0x3FB0] =	sst s2  }
0x8f: {  	_ = 	snop  }
0x90: {  	s2 =	sld [smem:$0x3FD0];
	(tm) =	ssettm $0x1  }
0x91: {  	s18 =	sld [smem:$0x3FFB];
	_ =	sdelay $0x3  }
0x92: {  	_ =	strace s18  }
0x93: {  	s3 =	sld [smem:$0x3FFC];
	_ =	sdelay $0x3  }
0x94: {  	_ =	strace s3  }
0x95: {  	s3 =	sld [smem:$0x3FFD];
	_ =	sdelay $0x3  }
0x96: {  	_ =	strace s3  }
0x97: {  	_ =	strace $0x8FFFFFFF  }
0x98: {  	s19 =	sld [smem:$0x3FDB];
	_ =	sdelay $0x1  }
0x99: {  	s4 =	simm.s32 $_scs_section_size  }
0x9a: {  	s5 =	simm.s32 $_size__tile_overlayer_lowered;
	s6 =	simm.s32 $_tile_overlayer_lowered  }
0x9b: {  	s22 =	simm.s32 $0x1BFF;
	s21 =	sshll.u32 s6, $0x1;
	s3 =	sadd.s32 s4, s19  }
0x9c: {  	s7 =	simm.s32 $0x0;
	s20 =	sshll.u32 s5, $0x1;
	s5 =	sadd.s32 s21, s3  }
0x9d: {  	[timem:s7], [sflag:s22] =	dma.local [hbm:s5], s20  }
0x9e: {  	_ =	swait.ge [sflag:s22], s20  }
0x9f: {  	s4 =	ssub.s32 $0x0, s20;
	[sflag:s22] =	ssyncset.done $0x0  }
0xa0: {  	[sflag:s22] =	ssyncadd.s32 s4;
	_ =	sdelay $0x1  }
0xa1: {  	s23 =	simm.s32 $0x1B8B  }
0xa2: {  	_ =	swait.ge [sflag:s23], $0x1  }
0xa3: {  	[sflag:s23] =	ssyncset.done $0x0  }
0xa4: {  	s25 =	simm.s32 $0x1B8E;
	s24 =	sld [smem:$0x3FFE];
	[sflag:s23] =	ssyncadd.s32 $0xFFFFFFFF  }
0xa5: {  	s26 =	simm.s32 $execute0_lowered;
	[smem:$0x3FD2] =	sst s25  }
0xa6: {  	s5 =	sshll.u32 s26, $0x1;
	_ =	strace $0x80000046;
	[dreg:$0x1] =	wrdreg $0xFFFFFFFF  }
0xa7: {  	s28 =	simm.s32 $_size_execute0_lowered;
	s3 =	sadd.s32 s3, s5;
	[dreg:$0x0] =	wrdreg $0x0  }
0xa8: {  	s5 =	sshll.u32 s28, $0x1;
	[dreg:$0x2] =	wrdreg s3  }
0xa9: {  	[dreg:$0x3] =	wrdreg s5  }
0xaa: {  	[dreg:$0x4] =	wrdreg $0xC0  }
0xab: {  	_ =	task [dreg:s7], $0x5FFFF  }
0xac: {  	[dreg:$0x1] =	wrdreg $0xFFFFFFFF  }
0xad: {  	[dreg:$0x0] =	wrdreg $0x60  }
0xae: {  	[dreg:$0x2] =	wrdreg s24  }
0xaf: {  	[dreg:$0x3] =	wrdreg s2  }
0xb0: {  	[dreg:$0x4] =	wrdreg $0x6F800  }
0xb1: {  	[dreg:$0x5] =	wrdreg $0x9  }
0xb2: {  	_ =	task.clear_ibuf [dreg:s7], $0x6FFFF;
	_ =	strace $0x90000046  }
0xb3: {  	s29 =	simm.s32 $0x9;
	_ =	strace $0x80000048  }
0xb4: {  	_ =	swait.ge [sflag:s29], $0x1  }
0xb5: {  	[sflag:s29] =	ssyncadd.s32 $0xFFFFFFFF  }
0xb6: {  	_ =	strace $0x90000048  }
0xb7: {  	_ =	sfence  }
0xb8: {  	s30 =	sld [smem:$0x0];
	_ =	sdelay $0x2  }
0xb9: {  	s31 =	sshll.u32 s1, $0xD;
	s1 =	sshrl.u32 s1, $0x2  }
0xba: {  	s3 =	sand.u32 $0x4000, s31;
	s1 =	sadd.s32 s1, s30  }
0xbb: {  	s0 =	sor.u32 s3, s0;
	s1 =	sshll.u32 s1, $0x11  }
0xbc: {  	s0 =	sor.u32 s1, s0  }
0xbd: {  	s0 =	sadd.s32 $0x8F2B, s0  }
0xbe: {  	[sflag:s0] =	ssyncadd.remote.s32 $0x1  }
0xbf: {  	_ =	sfence.sel $0xFFFF  }
0xc0: {  	[dreg:$0x0] =	wrdreg $0xFFFFFFFF;
	(pc) =	sbr.abs _section_cstart, $3  }
0xc1: {  	[dreg:$0x1] =	wrdreg $0xFFFFFFFF  }
0xc2: {  	_ =	task.clear_ibuf [dreg:s7], $0x2FFFF;
	_ =	strace $0x9FFFFFFF  }
0xc3: {  	(tm) =	ssettm $0x7FFFFFFF  }
tec
execute0_lowered:
.L_overlay_start_1:
0x0: {  	(tag) =	ssettag $0x1  }
0x1: {  	s0 =	rddreg [dreg:$0x0]  }
0x2: {  	s2 =	rddreg [dreg:$0x2];
	s11 =	simm.s32 $0x0  }
0x3: {  	s1 =	srdreg.scid;
	s4 =	stileid.u32;
	s29 =	simm.s32 $0x7  }
0x4: {  	s31 =	simm.s32 $0x3;
	s30 =	simm.s32 $0xD80;
	s6 =	simm.s32 $0x1  }
0x5: {  	[smem:$0x7FF] =	sst s11;
	s5 =	sadd.s32 $0x2A800, s0;
	s10 =	smul.u32 $0x59800, s4  }
0x6: {  	s3 =	sand.u32 $0x1, s1;
	s7 =	sadd.s32 $0x3600, s0;
	s13 =	smul.u32 $0x598, s4  }
0x7: {  	_ =	strace $0x80000047;
	[dreg:$0x5] =	wrdreg s3;
	s1 =	sshrl.u32 s10, $0x2  }
0x8: {  	s8 =	sadd.s32 $0xEF7A00, s0;
	[dreg:$0x7] =	wrdreg s13;
	s23 =	sadd.s32 s1, s2  }
0x9: {  	s9 =	sadd.s32 $0x51A00, s0;
	s14 =	sadd.s32 $0x2000, s23;
	[dreg:$0x6] =	wrdreg s23  }
0xa: {  	s3 =	ssub.s32 $0x2, s3;
	s15 =	sadd.s32 $0x4000, s23;
	[dreg:$0x8] =	wrdreg s14  }
0xb: {  	s12 =	sshrl.u32 s3, $0x1;
	s16 =	sadd.s32 $0x6000, s23;
	[dreg:$0x9] =	wrdreg s15  }
0xc: {  	s10 =	smul.u32 $0x13880, s4;
	s17 =	sadd.s32 $0x8000, s23;
	[dreg:$0xa] =	wrdreg s16  }
0xd: {  	s13 =	simm.s32 $0x80;
	s18 =	sadd.s32 $0xA000, s23;
	[dreg:$0xb] =	wrdreg s17  }
0xe: {  	s0 =	ssub.s32 s3, s12;
	s19 =	sadd.s32 $0xC000, s23;
	[dreg:$0xc] =	wrdreg s18  }
0xf: {  	s3 =	simm.s32 $0xD00;
	s20 =	sadd.s32 $0xE000, s23;
	[dreg:$0xd] =	wrdreg s19  }
0x10: {  	s12 =	simm.s32 $0x2;
	s21 =	sadd.s32 $0x10000, s23;
	[dreg:$0xe] =	wrdreg s20  }
0x11: {  	s22 =	sadd.s32 $0x12000, s23;
	s24 =	sadd.s32 $0x14000, s23;
	[dreg:$0xf] =	wrdreg s21  }
0x12: {  	s25 =	sshrl.u32 s10, $0x3;
	s0 =	smax.u32 s0, $0x1;
	[dreg:$0x10] =	wrdreg s22  }
0x13: {  	s28 =	sadd.s32 $0x16000, s23;
	[dreg:$0x11] =	wrdreg s24;
	s26 =	sadd.s32 s7, s25  }
.Ltmp0:
0x14: {  	s1 =	sadd.s32 s5, s25;
	[dreg:$0x14] =	wrdreg s0;
	(pc) =	sbr.rel .LBB2_1-.Ltmp0, $4  }
0x15: {  	[dreg:$0x15] =	wrdreg s28;
	s0 =	simm.s32 $0x4;
	s14 =	simm.s32 $0xF00  }
0x16: {  	s15 =	simm.s32 $0x2F80;
	s16 =	simm.s32 $0xE00;
	s17 =	simm.s32 $0xF80  }
0x17: {  	v0 =	vimm.f32 $0.0e+00;
	s18 =	simm.s32 $0xE80;
	s19 =	simm.s32 $0x5;
	[dreg:$0x12] =	wrdreg s26  }
0x18: {  	v1 =	vimm.s32 $0x0;
	v2 =	vimm.s32 $0x5980;
	v3 =	vlaneseq.u32;
	s20 =	simm.s32 $0x6;
	[dreg:$0x13] =	wrdreg s1;
	s1 =	simm.s32 $0xC80  }
.LBB2_33:
0x19: {  	s11 =	rddreg [dreg:$0x4]  }
0x1a: {  	s4 =	rddreg [dreg:$0x14];
	s11 =	sadd.s32 $0x1, s11  }
0x1b: {  	p0 =	sne.s32 s11, s4  }
.Ltmp1:
0x1c: {  	_ = 	snop;
	(pc) =	sbr.rel @!p0 .LBB2_34-.Ltmp1, $1  }
0x1d: {  	_ =	sdelay $0x3  }
.LBB2_1:
0x1e: {  	[dreg:$0x4] =	wrdreg s11;
	s21 =	simm.s32 $0x100;
	s11 =	simm.s32 $0x0  }
.LBB2_2:
0x1f: {  	p0 =	sne.s32 s21, $0x7F00;
	[tilespmem:s11+$0x4FB0] =	vst v0;
	s22 =	smov.u32 s21;
	s21 =	sadd.s32 $0x100, s21  }
.Ltmp2:
0x20: {  	[tilespmem:s11+$0x4FA0] =	vst v0;
	(pc) =	sbr.rel @p0 .LBB2_2-.Ltmp2, $3  }
0x21: {  	[tilespmem:s11+$0x4F80] =	vst v0  }
0x22: {  	[tilespmem:s11+$0x4F90] =	vst v0;
	_ =	sdelay $0x1  }
0x23: {  	s11 =	sshra.s32 s22, $0x2  }
0x24: {  	[tilespmem:s11+$0x4FB0] =	vst v0  }
0x25: {  	[tilespmem:s11+$0x4FA0] =	vst v0  }
0x26: {  	[tilespmem:s11+$0x4F80] =	vst v0  }
0x27: {  	[tilespmem:s11+$0x4F90] =	vst v0  }
0x28: {  	[tilespmem:$0xC80] =	vst v1  }
0x29: {  	[tilespmem:$0xD00] =	vst v1  }
0x2a: {  	[tilespmem:$0xD80] =	vst v2  }
0x2b: {  	[tilespmem:$0xC90] =	vst v1  }
0x2c: {  	[tilespmem:$0xD10] =	vst v1  }
0x2d: {  	[tilespmem:$0xD90] =	vst v2  }
0x2e: {  	[tilespmem:$0xCA0] =	vst v1  }
0x2f: {  	[tilespmem:$0xD20] =	vst v1  }
0x30: {  	[tilespmem:$0xDA0] =	vst v2  }
0x31: {  	[tilespmem:$0xCB0] =	vst v1  }
0x32: {  	[tilespmem:$0xD30] =	vst v1  }
0x33: {  	[tilespmem:$0xDB0] =	vst v2  }
0x34: {  	[tilespmem:$0xCC0] =	vst v1  }
0x35: {  	[tilespmem:$0xD40] =	vst v1  }
0x36: {  	[tilespmem:$0xDC0] =	vst v2  }
0x37: {  	[tilespmem:$0xCD0] =	vst v1  }
0x38: {  	[tilespmem:$0xD50] =	vst v1  }
0x39: {  	[tilespmem:$0xDD0] =	vst v2  }
0x3a: {  	[tilespmem:$0xCE0] =	vst v1  }
.Ltmp3:
0x3b: {  	[tilespmem:$0xD60] =	vst v1;
	(pc) =	sbr.rel .LBB2_4-.Ltmp3, $4  }
0x3c: {  	[tilespmem:$0xDE0] =	vst v2  }
0x3d: {  	[tilespmem:$0xCF0] =	vst v1  }
0x3e: {  	[tilespmem:$0xD70] =	vst v1  }
0x3f: {  	s21 =	simm.s32 $0x0;
	[tilespmem:$0xDF0] =	vst v2  }
.LBB2_32:
0x40: {  	s4 =	rddreg [dreg:$0x7]  }
0x41: {  	s11 =	rddreg [dreg:$0x17]  }
0x42: {  	[bflag:$0x0] =	sbarrier.arrive $0xFFFF;
	s25 =	stileid.u32;
	s4 =	sadd.s32 s4, s11  }
0x43: {  	s11 =	sshll.u32 s25, $0x6;
	s21 =	rddreg [dreg:$0x1];
	s4 =	sshll.u32 s4, $0x3  }
0x44: {  	s26 =	sshrl.u32 s23, $0x3;
	s11 =	sor.u32 $0x1C07, s11;
	s4 =	sadd.s32 s21, s4  }
0x45: {  	[hbm:s4], [sflag:s11] =	dma.local [spmem:s26], $0x2CC0  }
0x46: {  	_ =	swait.ge [sflag:s29], $0x2CC0  }
0x47: {  	s28 =	rddreg [dreg:$0x16]  }
0x48: {  	s21 =	sadd.s32 $0x1, s28  }
0x49: {  	p0 =	sne.s32 s21, $0x7  }
.Ltmp4:
0x4a: {  	_ = 	snop;
	(pc) =	sbr.rel @!p0 .LBB2_33-.Ltmp4, $3  }
0x4b: {  	[sflag:s29] =	ssyncset.done $0x0  }
0x4c: {  	[sflag:s29] =	ssyncadd.s32 $0xFFFFD340  }
0x4d: {  	[bflag:$0x0] =	sbarrier.arrive $0xFFFF;
	_ =	sdelay $0x1  }
.LBB2_4:
0x4e: {  	s11 =	simm.s32 $0x4F80  }
0x4f: {  	[spmem:s23] =	stream.linear.scatter [tilespmem:s11], [sflag:$0x7], $0x2000, $0x38;
	[tilespmem:$0x1D5A0] =	vst v63  }
0x50: {  	_ =	swait.ge [sflag:s29], $0x2000  }
0x51: {  	[sflag:s29] =	ssyncset.done $0x0  }
0x52: {  	s4 =	rddreg [dreg:$0x8];
	[sflag:s29] =	ssyncadd.s32 $0xFFFFE000  }
0x53: {  	[spmem:s4] =	stream.linear.scatter [tilespmem:s11], [sflag:$0x7], $0x2000, $0x38;
	[tilespmem:$0x1D5A0] =	vst v63  }
0x54: {  	_ =	swait.ge [sflag:s29], $0x2000  }
0x55: {  	[sflag:s29] =	ssyncset.done $0x0  }
0x56: {  	s24 =	rddreg [dreg:$0x9];
	[sflag:s29] =	ssyncadd.s32 $0xFFFFE000  }
0x57: {  	[spmem:s24] =	stream.linear.scatter [tilespmem:s11], [sflag:$0x7], $0x2000, $0x38;
	[tilespmem:$0x1D5A0] =	vst v63  }
0x58: {  	_ =	swait.ge [sflag:s29], $0x2000  }
0x59: {  	[sflag:s29] =	ssyncset.done $0x0  }
0x5a: {  	s25 =	rddreg [dreg:$0xa];
	[sflag:s29] =	ssyncadd.s32 $0xFFFFE000  }
0x5b: {  	[spmem:s25] =	stream.linear.scatter [tilespmem:s11], [sflag:$0x7], $0x2000, $0x38;
	[tilespmem:$0x1D5A0] =	vst v63  }
0x5c: {  	_ =	swait.ge [sflag:s29], $0x2000  }
0x5d: {  	[sflag:s29] =	ssyncset.done $0x0  }
0x5e: {  	s26 =	rddreg [dreg:$0xb];
	[sflag:s29] =	ssyncadd.s32 $0xFFFFE000  }
0x5f: {  	[spmem:s26] =	stream.linear.scatter [tilespmem:s11], [sflag:$0x7], $0x2000, $0x38;
	[tilespmem:$0x1D5A0] =	vst v63  }
0x60: {  	_ =	swait.ge [sflag:s29], $0x2000  }
0x61: {  	[sflag:s29] =	ssyncset.done $0x0  }
0x62: {  	s28 =	rddreg [dreg:$0xc];
	[sflag:s29] =	ssyncadd.s32 $0xFFFFE000  }
0x63: {  	[spmem:s28] =	stream.linear.scatter [tilespmem:s11], [sflag:$0x7], $0x2000, $0x38;
	[tilespmem:$0x1D5A0] =	vst v63  }
0x64: {  	_ =	swait.ge [sflag:s29], $0x2000  }
0x65: {  	[sflag:s29] =	ssyncset.done $0x0  }
0x66: {  	s22 =	rddreg [dreg:$0xd];
	[sflag:s29] =	ssyncadd.s32 $0xFFFFE000  }
0x67: {  	[spmem:s22] =	stream.linear.scatter [tilespmem:s11], [sflag:$0x7], $0x2000, $0x38;
	[tilespmem:$0x1D5A0] =	vst v63  }
0x68: {  	_ =	swait.ge [sflag:s29], $0x2000  }
0x69: {  	[sflag:s29] =	ssyncset.done $0x0  }
0x6a: {  	s23 =	rddreg [dreg:$0xe];
	[sflag:s29] =	ssyncadd.s32 $0xFFFFE000  }
0x6b: {  	[spmem:s23] =	stream.linear.scatter [tilespmem:s11], [sflag:$0x7], $0x2000, $0x38;
	[tilespmem:$0x1D5A0] =	vst v63  }
0x6c: {  	_ =	swait.ge [sflag:s29], $0x2000  }
0x6d: {  	[sflag:s29] =	ssyncset.done $0x0  }
0x6e: {  	s24 =	rddreg [dreg:$0xf];
	[sflag:s29] =	ssyncadd.s32 $0xFFFFE000  }
0x6f: {  	[spmem:s24] =	stream.linear.scatter [tilespmem:s11], [sflag:$0x7], $0x2000, $0x38;
	[tilespmem:$0x1D5A0] =	vst v63  }
0x70: {  	_ =	swait.ge [sflag:s29], $0x2000  }
0x71: {  	[sflag:s29] =	ssyncset.done $0x0  }
0x72: {  	s25 =	rddreg [dreg:$0x10];
	[sflag:s29] =	ssyncadd.s32 $0xFFFFE000  }
0x73: {  	[spmem:s25] =	stream.linear.scatter [tilespmem:s11], [sflag:$0x7], $0x2000, $0x38;
	[tilespmem:$0x1D5A0] =	vst v63  }
0x74: {  	_ =	swait.ge [sflag:s29], $0x2000  }
0x75: {  	[sflag:s29] =	ssyncset.done $0x0  }
0x76: {  	s26 =	rddreg [dreg:$0x11];
	[sflag:s29] =	ssyncadd.s32 $0xFFFFE000  }
0x77: {  	[spmem:s26] =	stream.linear.scatter [tilespmem:s11], [sflag:$0x7], $0x2000, $0x38;
	[tilespmem:$0x1D5A0] =	vst v63  }
0x78: {  	_ =	swait.ge [sflag:s29], $0x2000  }
0x79: {  	[sflag:s29] =	ssyncset.done $0x0  }
0x7a: {  	s28 =	rddreg [dreg:$0x15];
	[sflag:s29] =	ssyncadd.s32 $0xFFFFE000  }
0x7b: {  	[spmem:s28] =	stream.linear.scatter [tilespmem:s11], [sflag:$0x7], $0x600, $0x38;
	[tilespmem:$0x1D5A0] =	vst v63  }
0x7c: {  	_ =	swait.ge [sflag:s29], $0x600  }
0x7d: {  	s22 =	sshll.u32 s21, $0x1;
	[sflag:s29] =	ssyncset.done $0x0  }
0x7e: {  	s25 =	simm.s32 $0x0;
	[dreg:$0x16] =	wrdreg s21;
	[sflag:s29] =	ssyncadd.s32 $0xFFFFFA00  }
0x7f: {  	s28 =	simm.s32 $0x320;
	s23 =	rddreg [dreg:$0x5];
	[bflag:$0x0] =	sbarrier.arrive $0xFFFF  }
.Ltmp5:
0x80: {  	s11 =	sor.u32 s23, s22;
	s24 =	rddreg [dreg:$0x12];
	(pc) =	sbr.rel .LBB2_5-.Ltmp5, $4  }
0x81: {  	[tilespmem:s25], [sflag:$0x3] =	stream.linear.gather [hbm4b:s24+s25], $0x320, $0x38;
	[tilespmem:$0x1D5A0] =	vst v63  }
0x82: {  	s21 =	simm.s32 $0x0;
	s22 =	smul.u32 $0x5980, s11;
	s26 =	rddreg [dreg:$0x13]  }
0x83: {  	[tilespmem:s28], [sflag:$0x4] =	stream.linear.gather [hbm4b:s26+s25], $0x320, $0x38;
	[tilespmem:$0x1D5A0] =	vst v63  }
0x84: {  	[dreg:$0x17] =	wrdreg s22;
	v4 =	vmov s22;
	s24 =	simm.s32 $0x0;
	s26 =	simm.s32 $0x0  }
.LBB2_21:
0x85: {  	s21 =	sadd.s32 $0x1, s21  }
0x86: {  	p0 =	sne.s32 s21, $0x32  }
.Ltmp6:
0x87: {  	_ = 	snop;
	(pc) =	sbr.rel @!p0 .LBB2_22-.Ltmp6, $1  }
0x88: {  	_ =	sdelay $0x3  }
.LBB2_5:
0x89: {  	s11 =	smul.u32 $0x640, s21;
	_ =	swait.ge [sflag:s31], $0x320  }
0x8a: {  	[sflag:s31] =	ssyncset.done $0x0  }
0x8b: {  	s23 =	sadd.s32 s10, s11;
	[sflag:s31] =	ssyncadd.s32 $0xFFFFFCE0  }
0x8c: {  	s28 =	simm.s32 $0x0;
	_ =	swait.ge [sflag:s0], $0x320;
	s11 =	sadd.s32 $0x320, s23  }
.Ltmp7:
0x8d: {  	[sflag:s0] =	ssyncset.done $0x0;
	s22 =	sshrl.u32 s11, $0x3;
	(pc) =	sbr.rel .LBB2_6-.Ltmp7, $4  }
0x8e: {  	s4 =	simm.s32 $0x640;
	[sflag:s0] =	ssyncadd.s32 $0xFFFFFCE0;
	s25 =	sadd.s32 s7, s22  }
0x8f: {  	[tilespmem:s4], [sflag:$0x5] =	stream.linear.gather [hbm4b:s25+s28], $0x320, $0x38;
	[tilespmem:$0x1D5A0] =	vst v63  }
0x90: {  	s22 =	sadd.s32 s5, s22;
	s25 =	simm.s32 $0x960  }
0x91: {  	[tilespmem:s25], [sflag:$0x6] =	stream.linear.gather [hbm4b:s22+s28], $0x320, $0x38;
	[tilespmem:$0x1D5A0] =	vst v63  }
.LBB2_11:
0x92: {  	v5 =	vld [tilespmem:$0xC80]  }
0x93: {  	v6 =	vld [tilespmem:$0xD00]  }
0x94: {  	v7 =	vld [tilespmem:$0xD80]  }
0x95: {  	v8 =	vld [tilespmem:$0xC90]  }
0x96: {  	v9 =	vld [tilespmem:$0xD10]  }
0x97: {  	v57 =	vld [tilespmem:$0xDA0];
	[tilespmem:$0xE00] =	vst v5  }
0x98: {  	v5 =	vld [tilespmem:$0xD90];
	[tilespmem:$0xE80] =	vst v6  }
0x99: {  	v6 =	vld [tilespmem:$0xCA0];
	[tilespmem:$0xF00] =	vst v7  }
0x9a: {  	v7 =	vld [tilespmem:$0xD20];
	[tilespmem:$0xE10] =	vst v8  }
0x9b: {  	v58 =	vld [tilespmem:$0xCB0];
	[tilespmem:$0xE90] =	vst v9  }
0x9c: {  	v59 =	vld [tilespmem:$0xD40];
	[tilespmem:$0xF20] =	vst v57  }
0x9d: {  	[tilespmem:$0xF10] =	vst v5;
	v5 =	vld [tilespmem:$0xD30]  }
0x9e: {  	[tilespmem:$0xE20] =	vst v6;
	v6 =	vld [tilespmem:$0xDB0]  }
0x9f: {  	[tilespmem:$0xEA0] =	vst v7;
	v7 =	vld [tilespmem:$0xCC0]  }
0xa0: {  	v60 =	vld [tilespmem:$0xDC0];
	[tilespmem:$0xE30] =	vst v58  }
0xa1: {  	v61 =	vld [tilespmem:$0xCE0];
	[tilespmem:$0xEC0] =	vst v59  }
0xa2: {  	[tilespmem:$0xEB0] =	vst v5;
	v5 =	vld [tilespmem:$0xCD0]  }
0xa3: {  	[tilespmem:$0xF30] =	vst v6;
	v6 =	vld [tilespmem:$0xD50]  }
0xa4: {  	[tilespmem:$0xE40] =	vst v7;
	v7 =	vld [tilespmem:$0xDD0]  }
0xa5: {  	v62 =	vld [tilespmem:$0xD60];
	[tilespmem:$0xF40] =	vst v60  }
0xa6: {  	v63 =	vld [tilespmem:$0xDF0];
	[tilespmem:$0xE60] =	vst v61  }
0xa7: {  	[tilespmem:$0xE50] =	vst v5;
	v5 =	vld [tilespmem:$0xDE0]  }
0xa8: {  	[tilespmem:$0xED0] =	vst v6;
	v6 =	vld [tilespmem:$0xCF0]  }
0xa9: {  	[tilespmem:$0xF50] =	vst v7;
	v7 =	vld [tilespmem:$0xD70]  }
0xaa: {  	[tilespmem:$0xEE0] =	vst v62  }
0xab: {  	[tilespmem:$0xF70] =	vst v63  }
0xac: {  	[tilespmem:$0xF60] =	vst v5  }
0xad: {  	[tilespmem:$0xE70] =	vst v6  }
0xae: {  	[tilespmem:$0xEF0] =	vst v7  }
0xaf: {  	[tilespmem:s17], [sflag:$0x1] =	stream.indirect.gather [hbm4b:s8+s13], $0x40, s16, s13, $0xb8;
	[tilespmem:$0x1D5A0] =	vst v63  }
0xb0: {  	_ = 	snop  }
0xb1: {  	[tilespmem:s15], [sflag:$0x2] =	stream.indirect.gather [hbm4b:s9+s13], $0x40, s18, s13, $0xb8;
	[tilespmem:$0x1D5A0] =	vst v63  }
0xb2: {  	[tilespmem:$0xC80] =	vst v1  }
0xb3: {  	[tilespmem:$0xD00] =	vst v1  }
0xb4: {  	[tilespmem:$0xD80] =	vst v2  }
0xb5: {  	[tilespmem:$0xC90] =	vst v1  }
0xb6: {  	[tilespmem:$0xD10] =	vst v1  }
0xb7: {  	[tilespmem:$0xD90] =	vst v2  }
0xb8: {  	[tilespmem:$0xCA0] =	vst v1  }
0xb9: {  	[tilespmem:$0xD20] =	vst v1  }
0xba: {  	[tilespmem:$0xDA0] =	vst v2  }
0xbb: {  	[tilespmem:$0xCB0] =	vst v1  }
0xbc: {  	[tilespmem:$0xD30] =	vst v1  }
0xbd: {  	[tilespmem:$0xDB0] =	vst v2  }
0xbe: {  	[tilespmem:$0xCC0] =	vst v1  }
0xbf: {  	[tilespmem:$0xD40] =	vst v1  }
0xc0: {  	[tilespmem:$0xDC0] =	vst v2  }
0xc1: {  	[tilespmem:$0xCD0] =	vst v1  }
0xc2: {  	[tilespmem:$0xD50] =	vst v1  }
0xc3: {  	[tilespmem:$0xDD0] =	vst v2  }
0xc4: {  	[tilespmem:$0xCE0] =	vst v1  }
0xc5: {  	[tilespmem:$0xD60] =	vst v1  }
0xc6: {  	[tilespmem:$0xDE0] =	vst v2  }
0xc7: {  	[tilespmem:$0xCF0] =	vst v1  }
0xc8: {  	[tilespmem:$0xD70] =	vst v1  }
0xc9: {  	[tilespmem:$0xDF0] =	vst v2  }
.LBB2_12:
0xca: {  	s28 =	sadd.s32 $0x1, s28  }
0xcb: {  	p1 =	sne.s32 s28, $0x32  }
.Ltmp8:
0xcc: {  	_ = 	snop;
	(pc) =	sbr.rel @!p1 .LBB2_13-.Ltmp8, $3  }
0xcd: {  	_ =	sdelay $0x1  }
0xce: {  	p0 =	sgt.s32 s26, $0x6F  }
0xcf: {  	s26 =	simm.s32 @p0 $0x0;
	s24 =	simm.s32 @p0 $0x1  }
.LBB2_6:
0xd0: {  	s22 =	sshll.u32 s28, $0x4  }
0xd1: {  	v5 =	vld [tilespmem:s22+$0x0];
	_ =	sdelay $0x4  }
0xd2: {  	v5 =	vsub.s32 v5, v4  }
0xd3: {  	vm0 =	vlt.u32 v5, $0x5980  }
0xd4: {  	v6 =	vsel vm0, $0x1, v1  }
0xd5: {  	(xrf0) =	vadd.scan.msk.s32 $0xffff, v6;
	_ =	sdelay $0x5  }
0xd6: {  	v6, _, _ =	vpop (xrf0)  }
0xd7: {  	(v2sf) =	vpush v6, $0xF;
	_ =	sdelay $0x9  }
0xd8: {  	v7 =	vmov s26  }
0xd9: {  	v7 =	vadd.s32 $0xFFFFFFFF, v7  }
0xda: {  	v7 =	vbroadcast v7, $0x0;
	_ =	sdelay $0x1  }
0xdb: {  	v6 =	vadd.s32 v6, v7  }
0xdc: {  	v7 =	vld [tilespmem:s22+$0x320];
	v6 =	vnsel vm0, $0x7F, v6;
	s25 =	spop (v2sf)  }
0xdd: {  	s26 =	sadd.s32 s26, s25  }
0xde: {  	p0 =	slt.s32 s26, $0x70  }
.Ltmp9:
0xdf: {  	_ = 	snop;
	(pc) =	sbr.rel @p0 .LBB2_12-.Ltmp9, $4  }
0xe0: {  	s22 =	sadd.s32 s23, s22  }
0xe1: {  	v8 =	vor.u32 s22, v3;
	[tilespmem:v6+s1+$0x0] =	vst.idx.msk $0xffff, v7  }
0xe2: {  	v5 =	vmin.u32 v5, $0x5980;
	[tilespmem:v6+s3+$0x0] =	vst.idx.msk $0xffff, v8  }
0xe3: {  	[tilespmem:v6+s30+$0x0] =	vst.idx.msk $0xffff, v5  }
0xe4: {  	p0 =	sne.s32 s24, $0x1  }
.Ltmp10:
0xe5: {  	_ = 	snop;
	(pc) =	sbr.rel @p0 .LBB2_11-.Ltmp10, $1  }
0xe6: {  	_ =	sdelay $0x3  }
0xe7: {  	_ =	swait.ge [sflag:s6], $0x2000  }
0xe8: {  	[sflag:s6] =	ssyncset.done $0x0  }
0xe9: {  	[sflag:s6] =	ssyncadd.s32 $0xFFFFE000  }
0xea: {  	_ =	swait.ge [sflag:s12], $0x2000  }
0xeb: {  	[sflag:s12] =	ssyncset.done $0x0  }
0xec: {  	s22 =	simm.s32 $0x0;
	[sflag:s12] =	ssyncadd.s32 $0xFFFFE000  }
0xed: {  	v10 =	vld [tilespmem:s22+$0xF80]  }
0xee: {  	v11 =	vld [tilespmem:s22+$0xF90]  }
0xef: {  	v6 =	vld [tilespmem:s22+$0xFA0]  }
0xf0: {  	v5 =	vld [tilespmem:s22+$0xFB0]  }
0xf1: {  	v7 =	vld [tilespmem:s22+$0x2F80]  }
0xf2: {  	v9 =	vld [tilespmem:s22+$0x2F90]  }
0xf3: {  	s25 =	simm.s32 $0x100;
	v8 =	vld [tilespmem:s22+$0x2FA0]  }
.LBB2_9:
0xf4: {  	s4 =	sshra.s32 s25, $0x2;
	p0 =	sne.s32 s25, $0x7F00;
	v12 =	vld [tilespmem:s22+$0x2FB0];
	v13 =	vmov v6  }
0xf5: {  	v14 =	vld [tilespmem:s4+$0xF80];
	v15 =	vmov v5  }
0xf6: {  	v16 =	vld [tilespmem:s4+$0xF90];
	v7 =	vmul.f32 v10, v7  }
.Ltmp11:
0xf7: {  	v6 =	vld [tilespmem:s4+$0xFA0];
	v9 =	vmul.f32 v11, v9;
	(pc) =	sbr.rel @p0 .LBB2_9-.Ltmp11, $4  }
0xf8: {  	v5 =	vld [tilespmem:s4+$0xFB0];
	[tilespmem:s22+$0x2F80] =	vst v7;
	v8 =	vmul.f32 v13, v8  }
0xf9: {  	v7 =	vld [tilespmem:s4+$0x2F80];
	[tilespmem:s22+$0x2F90] =	vst v9;
	v12 =	vmul.f32 v15, v12  }
0xfa: {  	v9 =	vld [tilespmem:s4+$0x2F90];
	[tilespmem:s22+$0x2FA0] =	vst v8;
	v10 =	vmov v14  }
0xfb: {  	s25 =	sadd.s32 $0x100, s25;
	v8 =	vld [tilespmem:s4+$0x2FA0];
	[tilespmem:s22+$0x2FB0] =	vst v12;
	v11 =	vmov v16;
	s22 =	smov.u32 s4  }
0xfc: {  	v12 =	vld [tilespmem:s22+$0x2FB0];
	_ =	sdelay $0x1  }
0xfd: {  	v7 =	vmul.f32 v10, v7  }
0xfe: {  	v9 =	vmul.f32 v11, v9  }
0xff: {  	[tilespmem:s22+$0x2F80] =	vst v7;
	v6 =	vmul.f32 v6, v8  }
0x100: {  	[tilespmem:s22+$0x2F90] =	vst v9;
	v5 =	vmul.f32 v5, v12  }
0x101: {  	[tilespmem:s22+$0x2FA0] =	vst v6  }
.Ltmp12:
0x102: {  	[tilespmem:s22+$0x2FB0] =	vst v5;
	(pc) =	sbr.rel .LBB2_11-.Ltmp12, $4  }
0x103: {  	[spmem:s2] =	stream.indirect.scatter.add.f32 [tilespmem:s15], [sflag:$0x7], $0x40, s14, s13, $0xb8;
	[tilespmem:$0x1D5A0] =	vst v63  }
0x104: {  	_ =	swait.ge [sflag:s29], $0x2000  }
0x105: {  	[sflag:s29] =	ssyncset.done $0x0  }
0x106: {  	[sflag:s29] =	ssyncadd.s32 $0xFFFFE000  }
.LBB2_13:
0x107: {  	_ =	swait.ge [sflag:s19], $0x320  }
0x108: {  	[sflag:s19] =	ssyncset.done $0x0  }
0x109: {  	p0 =	seq.s32 s21, $0x31;
	[sflag:s19] =	ssyncadd.s32 $0xFFFFFCE0  }
0x10a: {  	s4 =	sshrl.u32 @!p0 s23, $0x3;
	_ =	swait.ge [sflag:s20], $0x320  }
0x10b: {  	s23 =	simm.s32 @!p0 $0x0;
	s4 =	sadd.s32 @!p0 $0xC8, s4;
	[sflag:s20] =	ssyncset.done $0x0  }
.Ltmp13:
0x10c: {  	s22 =	sadd.s32 @!p0 s7, s4;
	[sflag:s20] =	ssyncadd.s32 $0xFFFFFCE0;
	(pc) =	sbr.rel .LBB2_14-.Ltmp13, $4  }
0x10d: {  	[tilespmem:s23], [sflag:$0x3] =	stream.linear.gather @!p0 [hbm4b:s22+s23], $0x320, $0x38;
	[tilespmem:$0x1D5A0] =	vst v63  }
0x10e: {  	s4 =	sadd.s32 @!p0 s5, s4;
	s22 =	simm.s32 @!p0 $0x320  }
0x10f: {  	[tilespmem:s22], [sflag:$0x4] =	stream.linear.gather @!p0 [hbm4b:s4+s23], $0x320, $0x38;
	[tilespmem:$0x1D5A0] =	vst v63  }
0x110: {  	s23 =	simm.s32 $0x0  }
.LBB2_19:
0x111: {  	v5 =	vld [tilespmem:$0xC80]  }
0x112: {  	v6 =	vld [tilespmem:$0xD00]  }
0x113: {  	v7 =	vld [tilespmem:$0xD80]  }
0x114: {  	v8 =	vld [tilespmem:$0xC90]  }
0x115: {  	v9 =	vld [tilespmem:$0xD10]  }
0x116: {  	v57 =	vld [tilespmem:$0xDA0];
	[tilespmem:$0xE00] =	vst v5  }
0x117: {  	v5 =	vld [tilespmem:$0xD90];
	[tilespmem:$0xE80] =	vst v6  }
0x118: {  	v6 =	vld [tilespmem:$0xCA0];
	[tilespmem:$0xF00] =	vst v7  }
0x119: {  	v7 =	vld [tilespmem:$0xD20];
	[tilespmem:$0xE10] =	vst v8  }
0x11a: {  	v58 =	vld [tilespmem:$0xCB0];
	[tilespmem:$0xE90] =	vst v9  }
0x11b: {  	v59 =	vld [tilespmem:$0xD40];
	[tilespmem:$0xF20] =	vst v57  }
0x11c: {  	[tilespmem:$0xF10] =	vst v5;
	v5 =	vld [tilespmem:$0xD30]  }
0x11d: {  	[tilespmem:$0xE20] =	vst v6;
	v6 =	vld [tilespmem:$0xDB0]  }
0x11e: {  	[tilespmem:$0xEA0] =	vst v7;
	v7 =	vld [tilespmem:$0xCC0]  }
0x11f: {  	v60 =	vld [tilespmem:$0xDC0];
	[tilespmem:$0xE30] =	vst v58  }
0x120: {  	v61 =	vld [tilespmem:$0xCE0];
	[tilespmem:$0xEC0] =	vst v59  }
0x121: {  	[tilespmem:$0xEB0] =	vst v5;
	v5 =	vld [tilespmem:$0xCD0]  }
0x122: {  	[tilespmem:$0xF30] =	vst v6;
	v6 =	vld [tilespmem:$0xD50]  }
0x123: {  	[tilespmem:$0xE40] =	vst v7;
	v7 =	vld [tilespmem:$0xDD0]  }
0x124: {  	v62 =	vld [tilespmem:$0xD60];
	[tilespmem:$0xF40] =	vst v60  }
0x125: {  	v63 =	vld [tilespmem:$0xDF0];
	[tilespmem:$0xE60] =	vst v61  }
0x126: {  	[tilespmem:$0xE50] =	vst v5;
	v5 =	vld [tilespmem:$0xDE0]  }
0x127: {  	[tilespmem:$0xED0] =	vst v6;
	v6 =	vld [tilespmem:$0xCF0]  }
0x128: {  	[tilespmem:$0xF50] =	vst v7;
	v7 =	vld [tilespmem:$0xD70]  }
0x129: {  	[tilespmem:$0xEE0] =	vst v62  }
0x12a: {  	[tilespmem:$0xF70] =	vst v63  }
0x12b: {  	[tilespmem:$0xF60] =	vst v5  }
0x12c: {  	[tilespmem:$0xE70] =	vst v6  }
0x12d: {  	[tilespmem:$0xEF0] =	vst v7  }
0x12e: {  	[tilespmem:s17], [sflag:$0x1] =	stream.indirect.gather [hbm4b:s8+s13], $0x40, s16, s13, $0xb8;
	[tilespmem:$0x1D5A0] =	vst v63  }
0x12f: {  	_ = 	snop  }
0x130: {  	[tilespmem:s15], [sflag:$0x2] =	stream.indirect.gather [hbm4b:s9+s13], $0x40, s18, s13, $0xb8;
	[tilespmem:$0x1D5A0] =	vst v63  }
0x131: {  	[tilespmem:$0xC80] =	vst v1  }
0x132: {  	[tilespmem:$0xD00] =	vst v1  }
0x133: {  	[tilespmem:$0xD80] =	vst v2  }
0x134: {  	[tilespmem:$0xC90] =	vst v1  }
0x135: {  	[tilespmem:$0xD10] =	vst v1  }
0x136: {  	[tilespmem:$0xD90] =	vst v2  }
0x137: {  	[tilespmem:$0xCA0] =	vst v1  }
0x138: {  	[tilespmem:$0xD20] =	vst v1  }
0x139: {  	[tilespmem:$0xDA0] =	vst v2  }
0x13a: {  	[tilespmem:$0xCB0] =	vst v1  }
0x13b: {  	[tilespmem:$0xD30] =	vst v1  }
0x13c: {  	[tilespmem:$0xDB0] =	vst v2  }
0x13d: {  	[tilespmem:$0xCC0] =	vst v1  }
0x13e: {  	[tilespmem:$0xD40] =	vst v1  }
0x13f: {  	[tilespmem:$0xDC0] =	vst v2  }
0x140: {  	[tilespmem:$0xCD0] =	vst v1  }
0x141: {  	[tilespmem:$0xD50] =	vst v1  }
0x142: {  	[tilespmem:$0xDD0] =	vst v2  }
0x143: {  	[tilespmem:$0xCE0] =	vst v1  }
0x144: {  	[tilespmem:$0xD60] =	vst v1  }
0x145: {  	[tilespmem:$0xDE0] =	vst v2  }
0x146: {  	[tilespmem:$0xCF0] =	vst v1  }
0x147: {  	[tilespmem:$0xD70] =	vst v1  }
0x148: {  	[tilespmem:$0xDF0] =	vst v2  }
.LBB2_20:
0x149: {  	s23 =	sadd.s32 $0x1, s23  }
0x14a: {  	p1 =	sne.s32 s23, $0x32  }
.Ltmp14:
0x14b: {  	_ = 	snop;
	(pc) =	sbr.rel @!p1 .LBB2_21-.Ltmp14, $3  }
0x14c: {  	_ =	sdelay $0x1  }
0x14d: {  	p0 =	sgt.s32 s26, $0x6F  }
0x14e: {  	s26 =	simm.s32 @p0 $0x0;
	s24 =	simm.s32 @p0 $0x1  }
.LBB2_14:
0x14f: {  	s4 =	sshll.u32 s23, $0x4  }
0x150: {  	v5 =	vld [tilespmem:s4+$0x640];
	_ =	sdelay $0x4  }
0x151: {  	v5 =	vsub.s32 v5, v4  }
0x152: {  	vm0 =	vlt.u32 v5, $0x5980  }
0x153: {  	v6 =	vsel vm0, $0x1, v1  }
0x154: {  	(xrf0) =	vadd.scan.msk.s32 $0xffff, v6;
	_ =	sdelay $0x5  }
0x155: {  	v6, _, _ =	vpop (xrf0)  }
0x156: {  	(v2sf) =	vpush v6, $0xF;
	_ =	sdelay $0x9  }
0x157: {  	v7 =	vmov s26  }
0x158: {  	v7 =	vadd.s32 $0xFFFFFFFF, v7  }
0x159: {  	v7 =	vbroadcast v7, $0x0;
	_ =	sdelay $0x1  }
0x15a: {  	v6 =	vadd.s32 v6, v7  }
0x15b: {  	v7 =	vld [tilespmem:s4+$0x960];
	v6 =	vnsel vm0, $0x7F, v6;
	s22 =	spop (v2sf)  }
0x15c: {  	s26 =	sadd.s32 s26, s22  }
0x15d: {  	p0 =	slt.s32 s26, $0x70  }
.Ltmp15:
0x15e: {  	_ = 	snop;
	(pc) =	sbr.rel @p0 .LBB2_20-.Ltmp15, $4  }
0x15f: {  	s4 =	sadd.s32 s11, s4  }
0x160: {  	v8 =	vor.u32 s4, v3;
	[tilespmem:v6+s1+$0x0] =	vst.idx.msk $0xffff, v7  }
0x161: {  	v5 =	vmin.u32 v5, $0x5980;
	[tilespmem:v6+s3+$0x0] =	vst.idx.msk $0xffff, v8  }
0x162: {  	[tilespmem:v6+s30+$0x0] =	vst.idx.msk $0xffff, v5  }
0x163: {  	p0 =	sne.s32 s24, $0x1  }
.Ltmp16:
0x164: {  	_ = 	snop;
	(pc) =	sbr.rel @p0 .LBB2_19-.Ltmp16, $1  }
0x165: {  	_ =	sdelay $0x3  }
0x166: {  	_ =	swait.ge [sflag:s6], $0x2000  }
0x167: {  	[sflag:s6] =	ssyncset.done $0x0  }
0x168: {  	[sflag:s6] =	ssyncadd.s32 $0xFFFFE000  }
0x169: {  	_ =	swait.ge [sflag:s12], $0x2000  }
0x16a: {  	[sflag:s12] =	ssyncset.done $0x0  }
0x16b: {  	s22 =	simm.s32 $0x0;
	[sflag:s12] =	ssyncadd.s32 $0xFFFFE000  }
0x16c: {  	v10 =	vld [tilespmem:s22+$0xF80]  }
0x16d: {  	v11 =	vld [tilespmem:s22+$0xF90]  }
0x16e: {  	v6 =	vld [tilespmem:s22+$0xFA0]  }
0x16f: {  	v5 =	vld [tilespmem:s22+$0xFB0]  }
0x170: {  	v7 =	vld [tilespmem:s22+$0x2F80]  }
0x171: {  	v9 =	vld [tilespmem:s22+$0x2F90]  }
0x172: {  	s25 =	simm.s32 $0x100;
	v8 =	vld [tilespmem:s22+$0x2FA0]  }
.LBB2_17:
0x173: {  	s4 =	sshra.s32 s25, $0x2;
	p0 =	sne.s32 s25, $0x7F00;
	v12 =	vld [tilespmem:s22+$0x2FB0];
	v13 =	vmov v6  }
0x174: {  	v14 =	vld [tilespmem:s4+$0xF80];
	v15 =	vmov v5  }
0x175: {  	v16 =	vld [tilespmem:s4+$0xF90];
	v7 =	vmul.f32 v10, v7  }
.Ltmp17:
0x176: {  	v6 =	vld [tilespmem:s4+$0xFA0];
	v9 =	vmul.f32 v11, v9;
	(pc) =	sbr.rel @p0 .LBB2_17-.Ltmp17, $4  }
0x177: {  	v5 =	vld [tilespmem:s4+$0xFB0];
	[tilespmem:s22+$0x2F80] =	vst v7;
	v8 =	vmul.f32 v13, v8  }
0x178: {  	v7 =	vld [tilespmem:s4+$0x2F80];
	[tilespmem:s22+$0x2F90] =	vst v9;
	v12 =	vmul.f32 v15, v12  }
0x179: {  	v9 =	vld [tilespmem:s4+$0x2F90];
	[tilespmem:s22+$0x2FA0] =	vst v8;
	v10 =	vmov v14  }
0x17a: {  	s25 =	sadd.s32 $0x100, s25;
	v8 =	vld [tilespmem:s4+$0x2FA0];
	[tilespmem:s22+$0x2FB0] =	vst v12;
	v11 =	vmov v16;
	s22 =	smov.u32 s4  }
0x17b: {  	v12 =	vld [tilespmem:s22+$0x2FB0];
	_ =	sdelay $0x1  }
0x17c: {  	v7 =	vmul.f32 v10, v7  }
0x17d: {  	v9 =	vmul.f32 v11, v9  }
0x17e: {  	[tilespmem:s22+$0x2F80] =	vst v7;
	v6 =	vmul.f32 v6, v8  }
0x17f: {  	[tilespmem:s22+$0x2F90] =	vst v9;
	v5 =	vmul.f32 v5, v12  }
0x180: {  	[tilespmem:s22+$0x2FA0] =	vst v6  }
.Ltmp18:
0x181: {  	[tilespmem:s22+$0x2FB0] =	vst v5;
	(pc) =	sbr.rel .LBB2_19-.Ltmp18, $4  }
0x182: {  	[spmem:s2] =	stream.indirect.scatter.add.f32 [tilespmem:s15], [sflag:$0x7], $0x40, s14, s13, $0xb8;
	[tilespmem:$0x1D5A0] =	vst v63  }
0x183: {  	_ =	swait.ge [sflag:s29], $0x2000  }
0x184: {  	[sflag:s29] =	ssyncset.done $0x0  }
0x185: {  	[sflag:s29] =	ssyncadd.s32 $0xFFFFE000  }
.LBB2_22:
0x186: {  	p1 =	slt.s32 s26, $0x1  }
.Ltmp19:
0x187: {  	_ = 	snop;
	(pc) =	sbr.rel @p1 .LBB2_28-.Ltmp19, $2  }
0x188: {  	_ =	sdelay $0x2  }
0x189: {  	p0 =	sne.s32 s24, $0x1  }
.Ltmp20:
0x18a: {  	(pc) =	sbr.rel @p0 .LBB2_27-.Ltmp20, $2  }
0x18b: {  	_ =	sdelay $0x2  }
0x18c: {  	s23 =	rddreg [dreg:$0x6]  }
0x18d: {  	_ =	swait.ge [sflag:s6], $0x2000  }
0x18e: {  	[sflag:s6] =	ssyncset.done $0x0  }
0x18f: {  	[sflag:s6] =	ssyncadd.s32 $0xFFFFE000  }
0x190: {  	_ =	swait.ge [sflag:s12], $0x2000  }
0x191: {  	[sflag:s12] =	ssyncset.done $0x0  }
0x192: {  	s11 =	simm.s32 $0x0;
	[sflag:s12] =	ssyncadd.s32 $0xFFFFE000  }
0x193: {  	v9 =	vld [tilespmem:s11+$0xF80]  }
0x194: {  	v10 =	vld [tilespmem:s11+$0xF90]  }
0x195: {  	v5 =	vld [tilespmem:s11+$0xFA0]  }
0x196: {  	v4 =	vld [tilespmem:s11+$0xFB0]  }
0x197: {  	v6 =	vld [tilespmem:s11+$0x2F80]  }
0x198: {  	v8 =	vld [tilespmem:s11+$0x2F90]  }
0x199: {  	s21 =	simm.s32 $0x100;
	v7 =	vld [tilespmem:s11+$0x2FA0]  }
.LBB2_25:
0x19a: {  	s4 =	sshra.s32 s21, $0x2;
	p0 =	sne.s32 s21, $0x7F00;
	v11 =	vld [tilespmem:s11+$0x2FB0];
	v12 =	vmov v5  }
0x19b: {  	v13 =	vld [tilespmem:s4+$0xF80];
	v14 =	vmov v4  }
0x19c: {  	v15 =	vld [tilespmem:s4+$0xF90];
	v6 =	vmul.f32 v9, v6  }
.Ltmp21:
0x19d: {  	v5 =	vld [tilespmem:s4+$0xFA0];
	v8 =	vmul.f32 v10, v8;
	(pc) =	sbr.rel @p0 .LBB2_25-.Ltmp21, $4  }
0x19e: {  	v4 =	vld [tilespmem:s4+$0xFB0];
	[tilespmem:s11+$0x2F80] =	vst v6;
	v7 =	vmul.f32 v12, v7  }
0x19f: {  	v6 =	vld [tilespmem:s4+$0x2F80];
	[tilespmem:s11+$0x2F90] =	vst v8;
	v11 =	vmul.f32 v14, v11  }
0x1a0: {  	v8 =	vld [tilespmem:s4+$0x2F90];
	[tilespmem:s11+$0x2FA0] =	vst v7;
	v9 =	vmov v13  }
0x1a1: {  	s21 =	sadd.s32 $0x100, s21;
	v7 =	vld [tilespmem:s4+$0x2FA0];
	[tilespmem:s11+$0x2FB0] =	vst v11;
	v10 =	vmov v15;
	s11 =	smov.u32 s4  }
0x1a2: {  	v11 =	vld [tilespmem:s11+$0x2FB0];
	_ =	sdelay $0x1  }
0x1a3: {  	v6 =	vmul.f32 v9, v6  }
0x1a4: {  	v8 =	vmul.f32 v10, v8  }
0x1a5: {  	[tilespmem:s11+$0x2F80] =	vst v6;
	v5 =	vmul.f32 v5, v7  }
0x1a6: {  	[tilespmem:s11+$0x2F90] =	vst v8;
	v4 =	vmul.f32 v4, v11  }
0x1a7: {  	[tilespmem:s11+$0x2FA0] =	vst v5  }
0x1a8: {  	[tilespmem:s11+$0x2FB0] =	vst v4  }
0x1a9: {  	[spmem:s2] =	stream.indirect.scatter.add.f32 [tilespmem:s15], [sflag:$0x7], $0x40, s14, s13, $0xb8;
	[tilespmem:$0x1D5A0] =	vst v63  }
0x1aa: {  	_ =	swait.ge [sflag:s29], $0x2000  }
0x1ab: {  	[sflag:s29] =	ssyncset.done $0x0  }
0x1ac: {  	[sflag:s29] =	ssyncadd.s32 $0xFFFFE000  }
.LBB2_27:
0x1ad: {  	v4 =	vld [tilespmem:$0xC80]  }
0x1ae: {  	v5 =	vld [tilespmem:$0xD00]  }
0x1af: {  	v6 =	vld [tilespmem:$0xD80]  }
0x1b0: {  	v7 =	vld [tilespmem:$0xC90]  }
0x1b1: {  	v8 =	vld [tilespmem:$0xD10]  }
0x1b2: {  	v53 =	vld [tilespmem:$0xD20];
	[tilespmem:$0xE00] =	vst v4  }
0x1b3: {  	v54 =	vld [tilespmem:$0xDA0];
	[tilespmem:$0xE80] =	vst v5  }
0x1b4: {  	v4 =	vld [tilespmem:$0xD90];
	[tilespmem:$0xF00] =	vst v6  }
0x1b5: {  	v5 =	vld [tilespmem:$0xCA0];
	[tilespmem:$0xE10] =	vst v7  }
0x1b6: {  	v55 =	vld [tilespmem:$0xCB0];
	[tilespmem:$0xE90] =	vst v8  }
0x1b7: {  	v56 =	vld [tilespmem:$0xCC0];
	[tilespmem:$0xEA0] =	vst v53  }
0x1b8: {  	v57 =	vld [tilespmem:$0xD40];
	[tilespmem:$0xF20] =	vst v54  }
0x1b9: {  	[tilespmem:$0xF10] =	vst v4;
	v4 =	vld [tilespmem:$0xD30]  }
0x1ba: {  	[tilespmem:$0xE20] =	vst v5;
	v5 =	vld [tilespmem:$0xDB0]  }
0x1bb: {  	v58 =	vld [tilespmem:$0xDC0];
	[tilespmem:$0xE30] =	vst v55  }
0x1bc: {  	v59 =	vld [tilespmem:$0xDD0];
	[tilespmem:$0xE40] =	vst v56  }
0x1bd: {  	v60 =	vld [tilespmem:$0xCE0];
	[tilespmem:$0xEC0] =	vst v57  }
0x1be: {  	[tilespmem:$0xEB0] =	vst v4;
	v4 =	vld [tilespmem:$0xCD0]  }
0x1bf: {  	[tilespmem:$0xF30] =	vst v5;
	v5 =	vld [tilespmem:$0xD50]  }
0x1c0: {  	v61 =	vld [tilespmem:$0xD60];
	[tilespmem:$0xF40] =	vst v58  }
0x1c1: {  	v62 =	vld [tilespmem:$0xD70];
	[tilespmem:$0xF50] =	vst v59  }
0x1c2: {  	v63 =	vld [tilespmem:$0xDF0];
	[tilespmem:$0xE60] =	vst v60  }
0x1c3: {  	[tilespmem:$0xE50] =	vst v4;
	v4 =	vld [tilespmem:$0xDE0]  }
0x1c4: {  	[tilespmem:$0xED0] =	vst v5;
	v5 =	vld [tilespmem:$0xCF0]  }
0x1c5: {  	[tilespmem:$0xEE0] =	vst v61  }
0x1c6: {  	[tilespmem:$0xEF0] =	vst v62  }
0x1c7: {  	[tilespmem:$0xF70] =	vst v63  }
0x1c8: {  	[tilespmem:$0xF60] =	vst v4  }
0x1c9: {  	[tilespmem:$0xE70] =	vst v5  }
0x1ca: {  	[tilespmem:s17], [sflag:$0x1] =	stream.indirect.gather [hbm4b:s8+s13], $0x40, s16, s13, $0xb8;
	[tilespmem:$0x1D5A0] =	vst v63  }
0x1cb: {  	_ = 	snop  }
0x1cc: {  	[tilespmem:s15], [sflag:$0x2] =	stream.indirect.gather [hbm4b:s9+s13], $0x40, s18, s13, $0xb8;
	[tilespmem:$0x1D5A0] =	vst v63  }
0x1cd: {  	[tilespmem:$0xC80] =	vst v1  }
0x1ce: {  	[tilespmem:$0xD00] =	vst v1  }
0x1cf: {  	[tilespmem:$0xD80] =	vst v2  }
0x1d0: {  	[tilespmem:$0xC90] =	vst v1  }
0x1d1: {  	[tilespmem:$0xD10] =	vst v1  }
0x1d2: {  	[tilespmem:$0xD90] =	vst v2  }
0x1d3: {  	[tilespmem:$0xCA0] =	vst v1  }
0x1d4: {  	[tilespmem:$0xD20] =	vst v1  }
0x1d5: {  	[tilespmem:$0xDA0] =	vst v2  }
0x1d6: {  	[tilespmem:$0xCB0] =	vst v1  }
0x1d7: {  	[tilespmem:$0xD30] =	vst v1  }
0x1d8: {  	[tilespmem:$0xDB0] =	vst v2  }
0x1d9: {  	[tilespmem:$0xCC0] =	vst v1  }
0x1da: {  	[tilespmem:$0xD40] =	vst v1  }
0x1db: {  	[tilespmem:$0xDC0] =	vst v2  }
0x1dc: {  	[tilespmem:$0xCD0] =	vst v1  }
0x1dd: {  	[tilespmem:$0xD50] =	vst v1  }
0x1de: {  	[tilespmem:$0xDD0] =	vst v2  }
0x1df: {  	[tilespmem:$0xCE0] =	vst v1  }
.Ltmp22:
0x1e0: {  	[tilespmem:$0xD60] =	vst v1;
	(pc) =	sbr.rel .LBB2_29-.Ltmp22, $4  }
0x1e1: {  	[tilespmem:$0xDE0] =	vst v2  }
0x1e2: {  	[tilespmem:$0xCF0] =	vst v1  }
0x1e3: {  	[tilespmem:$0xD70] =	vst v1  }
0x1e4: {  	[tilespmem:$0xDF0] =	vst v2  }
.LBB2_28:
.Ltmp23:
0x1e5: {  	(pc) =	sbr.rel @p0 .LBB2_32-.Ltmp23, $2  }
0x1e6: {  	_ =	sdelay $0x2  }
0x1e7: {  	s23 =	rddreg [dreg:$0x6]  }
.LBB2_29:
0x1e8: {  	_ =	swait.ge [sflag:s6], $0x2000  }
0x1e9: {  	[sflag:s6] =	ssyncset.done $0x0  }
0x1ea: {  	[sflag:s6] =	ssyncadd.s32 $0xFFFFE000  }
0x1eb: {  	_ =	swait.ge [sflag:s12], $0x2000  }
0x1ec: {  	[sflag:s12] =	ssyncset.done $0x0  }
0x1ed: {  	s11 =	simm.s32 $0x0;
	[sflag:s12] =	ssyncadd.s32 $0xFFFFE000  }
0x1ee: {  	v9 =	vld [tilespmem:s11+$0xF80]  }
0x1ef: {  	v10 =	vld [tilespmem:s11+$0xF90]  }
0x1f0: {  	v5 =	vld [tilespmem:s11+$0xFA0]  }
0x1f1: {  	v4 =	vld [tilespmem:s11+$0xFB0]  }
0x1f2: {  	v6 =	vld [tilespmem:s11+$0x2F80]  }
0x1f3: {  	v8 =	vld [tilespmem:s11+$0x2F90]  }
0x1f4: {  	s21 =	simm.s32 $0x100;
	v7 =	vld [tilespmem:s11+$0x2FA0]  }
.LBB2_30:
0x1f5: {  	s4 =	sshra.s32 s21, $0x2;
	p0 =	sne.s32 s21, $0x7F00;
	v11 =	vld [tilespmem:s11+$0x2FB0];
	v12 =	vmov v5  }
0x1f6: {  	v13 =	vld [tilespmem:s4+$0xF80];
	v14 =	vmov v4  }
0x1f7: {  	v15 =	vld [tilespmem:s4+$0xF90];
	v6 =	vmul.f32 v9, v6  }
.Ltmp24:
0x1f8: {  	v5 =	vld [tilespmem:s4+$0xFA0];
	v8 =	vmul.f32 v10, v8;
	(pc) =	sbr.rel @p0 .LBB2_30-.Ltmp24, $4  }
0x1f9: {  	v4 =	vld [tilespmem:s4+$0xFB0];
	[tilespmem:s11+$0x2F80] =	vst v6;
	v7 =	vmul.f32 v12, v7  }
0x1fa: {  	v6 =	vld [tilespmem:s4+$0x2F80];
	[tilespmem:s11+$0x2F90] =	vst v8;
	v11 =	vmul.f32 v14, v11  }
0x1fb: {  	v8 =	vld [tilespmem:s4+$0x2F90];
	[tilespmem:s11+$0x2FA0] =	vst v7;
	v9 =	vmov v13  }
0x1fc: {  	s21 =	sadd.s32 $0x100, s21;
	v7 =	vld [tilespmem:s4+$0x2FA0];
	[tilespmem:s11+$0x2FB0] =	vst v11;
	v10 =	vmov v15;
	s11 =	smov.u32 s4  }
0x1fd: {  	v11 =	vld [tilespmem:s11+$0x2FB0];
	_ =	sdelay $0x1  }
0x1fe: {  	v6 =	vmul.f32 v9, v6  }
0x1ff: {  	v8 =	vmul.f32 v10, v8  }
0x200: {  	[tilespmem:s11+$0x2F80] =	vst v6;
	v5 =	vmul.f32 v5, v7  }
0x201: {  	[tilespmem:s11+$0x2F90] =	vst v8;
	v4 =	vmul.f32 v4, v11  }
0x202: {  	[tilespmem:s11+$0x2FA0] =	vst v5  }
.Ltmp25:
0x203: {  	[tilespmem:s11+$0x2FB0] =	vst v4;
	(pc) =	sbr.rel .LBB2_32-.Ltmp25, $4  }
0x204: {  	[spmem:s2] =	stream.indirect.scatter.add.f32 [tilespmem:s15], [sflag:$0x7], $0x40, s14, s13, $0xb8;
	[tilespmem:$0x1D5A0] =	vst v63  }
0x205: {  	_ =	swait.ge [sflag:s29], $0x2000  }
0x206: {  	[sflag:s29] =	ssyncset.done $0x0  }
0x207: {  	[sflag:s29] =	ssyncadd.s32 $0xFFFFE000  }
.LBB2_34:
0x208: {  	_ =	sfence.sel $0x180000  }
0x209: {  	[bflag:$0x0] =	sbarrier.arrive $0xFFFF  }
0x20a: {  	_ =	strace $0x90000047  }
0x20b: {  	s0 =	stileid.u32;
	[bflag:$0x2] =	sbarrier.arrive $0xFFFF  }
0x20c: {  	p0 =	sne.s32 s0, $0x0;
	s0 =	rddreg [dreg:$0x3]  }
0x20d: {  	s0 =	sadd.s32 @!p0 $0x100000, s0  }
0x20e: {  	[sflag:s0] =	ssyncadd.tile.s32 @!p0 $0x1;
	_ =	shalt  }
.Lfunc_end2:
_tile_overlayer_lowered:
.L_overlay_start_2:
0x20f: {  	(tag) =	ssettag $0x2  }
0x210: {  	s0 =	rddreg [dreg:$0x0];
	s2 =	stileid.u32  }
0x211: {  	s1 =	rddreg [dreg:$0x1];
	p0 =	sne.s32 s2, $0x0  }
0x212: {  	s3 =	rddreg [dreg:$0x2];
	[bflag:$0x3] =	sbarrier.arrive $0xFFFF;
	s2 =	simm.s32 @!p0 $0x1C07  }
0x213: {  	[timem:s3], [sflag:s2] =	dma.local @!p0 [hbm:s0], s1  }
0x214: {  	s0 =	simm.s32 @!p0 $0x7  }
0x215: {  	_ =	swait.ge @!p0 [sflag:s0], s1  }
0x216: {  	s1 =	ssub.s32 @!p0 $0x0, s1;
	[sflag:s0] =	ssyncset.done @!p0 $0x0  }
0x217: {  	[sflag:s0] =	ssyncadd.s32 @!p0 s1  }
0x218: {  	[bflag:$0x3] =	sbarrier.arrive $0xFFFF  }
0x219: {  	_ =	shalt  }

</sc_bundles>
